<compile_context>
chip_gen: v7x
topology: tpu7x:2x2x1
jax: 0.10.2.dev20260603
libtpu: 0.0.44.dev20260713+nightly
codegen_flags: <defaults>
</compile_context>

<pallas_src>
import functools

import jax
import jax.numpy as jnp
from jax import lax
from jax.experimental import pallas as pl
from jax.experimental.pallas import tpu as pltpu
from jax.experimental.pallas import tpu_sc as plsc

N_CONCEPTS = 10000
NNZ = 320000
D = 128
B = 256

NC = 2
NS = 16
L = 16
DH = D // NC
CHUNK = 128

NPAD = 10240
NNZ_PAD = ((NNZ + 2 * NS * CHUNK - 1) // (2 * NS * CHUNK)) * (2 * NS * CHUNK)
EPT = NNZ_PAD // NS
NCH = EPT // CHUNK
NIB = 4
ZROWS = NPAD // NS

_GDN = lax.GatherDimensionNumbers(
    offset_dims=(), collapsed_slice_dims=(0,), start_index_map=(0,))


def _bcast_lane(v, k):
    idx = jnp.full((L, 1), k, jnp.int32)
    return lax.gather(v, idx, _GDN, (1,),
                      mode=lax.GatherScatterMode.PROMISE_IN_BOUNDS)


def _sc_body(rows_hbm, cols_hbm, vals_hbm, wh_hbm, out_hbm,
             colb, rowb, valb, gbuf, sbuf, acc,
             gsem, ssem, icsem, irsem, ivsem):
    c = lax.axis_index("c")
    s = lax.axis_index("s")
    base = s * EPT

    def issue_idx(i):
        sl = lax.rem(i, NIB)
        off = base + i * CHUNK
        pltpu.async_copy(cols_hbm.at[pl.ds(off, CHUNK)], colb.at[sl], icsem.at[sl])
        pltpu.async_copy(rows_hbm.at[pl.ds(off, CHUNK)], rowb.at[sl], irsem.at[sl])
        pltpu.async_copy(vals_hbm.at[pl.ds(off, CHUNK)], valb.at[sl], ivsem.at[sl])

    def wait_idx(i):
        sl = lax.rem(i, NIB)
        pltpu.make_async_copy(cols_hbm.at[pl.ds(0, CHUNK)], colb.at[sl],
                              icsem.at[sl]).wait()
        pltpu.make_async_copy(rows_hbm.at[pl.ds(0, CHUNK)], rowb.at[sl],
                              irsem.at[sl]).wait()
        pltpu.make_async_copy(vals_hbm.at[pl.ds(0, CHUNK)], valb.at[sl],
                              ivsem.at[sl]).wait()

    def issue_gather(i):
        p = lax.rem(i, 2)
        pltpu.async_copy(wh_hbm.at[c].at[colb.at[lax.rem(i, NIB)]], gbuf.at[p],
                         gsem.at[p])

    def wait_gather(i):
        p = lax.rem(i, 2)
        pltpu.make_async_copy(wh_hbm.at[c].at[colb.at[lax.rem(i, NIB)]],
                              gbuf.at[p], gsem.at[p]).wait()

    def issue_scatter(i):
        p = lax.rem(i, 2)
        pltpu.async_copy(sbuf.at[p], acc.at[rowb.at[lax.rem(i, NIB)]],
                         ssem.at[p], add=True)

    def wait_scatter(i):
        p = lax.rem(i, 2)
        pltpu.make_async_copy(sbuf.at[p], acc.at[rowb.at[lax.rem(i, NIB)]],
                              ssem.at[p]).wait()

    zeros16 = jnp.zeros((L,), jnp.float32)
    def zero_row(r, _):
        for j in range(DH // L):
            gbuf[0, r, pl.ds(j * L, L)] = zeros16
        return 0
    lax.fori_loop(0, CHUNK, zero_row, 0)
    for k in range(ZROWS // CHUNK):
        pltpu.sync_copy(gbuf.at[0], acc.at[pl.ds(s * ZROWS + k * CHUNK, CHUNK)])
    plsc.subcore_barrier()

    issue_idx(0)
    issue_idx(1)
    wait_idx(0)
    issue_gather(0)

    def chunk_body(i, _):
        @pl.when(i + 1 < NCH)
        def _():
            wait_idx(i + 1)
            @pl.when(i >= 1)
            def _():
                wait_scatter(i - 1)
            issue_gather(i + 1)

        wait_gather(i)

        p = lax.rem(i, 2)
        sl4 = lax.rem(i, NIB)

        @plsc.parallel_loop(0, CHUNK // L, unroll=8)
        def _group(gi):
            v16 = valb[sl4, pl.ds(gi * L, L)]
            for k in range(L):
                e = gi * L + k
                bc = _bcast_lane(v16, k)
                for j in range(DH // L):
                    sl = pl.ds(j * L, L)
                    sbuf[p, e, sl] = gbuf[p, e, sl] * bc

        issue_scatter(i)

        @pl.when(i + 2 < NCH)
        def _():
            issue_idx(i + 2)
        return 0

    lax.fori_loop(0, NCH, chunk_body, 0)
    wait_scatter(NCH - 2)
    wait_scatter(NCH - 1)
    plsc.subcore_barrier()

    pltpu.sync_copy(acc.at[pl.ds(s * ZROWS, ZROWS)],
                    out_hbm.at[c, pl.ds(s * ZROWS, ZROWS)])


_sc_aggregate = functools.partial(
    pl.kernel,
    out_type=jax.ShapeDtypeStruct((NC, NPAD, DH), jnp.float32),
    mesh=plsc.VectorSubcoreMesh(core_axis_name="c", subcore_axis_name="s",
                                num_cores=NC, num_subcores=NS),
    compiler_params=pltpu.CompilerParams(use_tc_tiling_on_sc=False),
    scratch_types=[
        pltpu.VMEM((NIB, CHUNK), jnp.int32),
        pltpu.VMEM((NIB, CHUNK), jnp.int32),
        pltpu.VMEM((NIB, CHUNK), jnp.float32),
        pltpu.VMEM((2, CHUNK, DH), jnp.float32),
        pltpu.VMEM((2, CHUNK, DH), jnp.float32),
        pltpu.VMEM_SHARED((NPAD, DH), jnp.float32),
        pltpu.SemaphoreType.DMA((2,)),
        pltpu.SemaphoreType.DMA((2,)),
        pltpu.SemaphoreType.DMA((NIB,)),
        pltpu.SemaphoreType.DMA((NIB,)),
        pltpu.SemaphoreType.DMA((NIB,)),
    ],
)(_sc_body)


def _tc_matmul_body(x_ref, a0_ref, a1_ref, b_ref, o_ref):
    lo = lax.dot_general(x_ref[:, :DH], a0_ref[...], (((1,), (1,)), ((), ())),
                         preferred_element_type=jnp.float32)
    hi = lax.dot_general(x_ref[:, DH:], a1_ref[...], (((1,), (1,)), ((), ())),
                         preferred_element_type=jnp.float32)
    o_ref[...] = lo + hi + b_ref[...][None, :]


def kernel(inputs, sparse_ancestors, sparse_ancestors_values, w, b):
    rows = sparse_ancestors[:, 0]
    cols = sparse_ancestors[:, 1]
    pad = NNZ_PAD - NNZ
    rows = jnp.pad(rows, (0, pad))
    cols = jnp.pad(cols, (0, pad))
    vals = jnp.pad(sparse_ancestors_values, (0, pad))
    wh = jnp.stack([w[:, :DH], w[:, DH:]])

    parts = _sc_aggregate(rows, cols, vals, wh)

    b_pad = jnp.pad(b, (0, NPAD - N_CONCEPTS))
    out = pl.pallas_call(
        _tc_matmul_body,
        out_shape=jax.ShapeDtypeStruct((B, NPAD), jnp.float32),
    )(inputs, parts[0], parts[1], b_pad)
    return out[:, :N_CONCEPTS]

# --- scband reference (transcript-rebuilt; emitter-appended) ---
"""Pipeline reference for scband-hierarchical-aggregate-72138270703838 (READ-ONLY COPY).

The authoritative reference and input builder live on the scoring server;
editing this copy changes nothing except your own understanding.
"""

import jax, jax.numpy as jnp
import numpy as np

N_CONCEPTS = 10000
NNZ = 320000
D = 128
B = 256


def setup_inputs(seed: int = 0) -> dict:
    key = jax.random.key(seed)
    k1, k2, k3, k4, k5 = jax.random.split(key, 5)
    inputs = jax.random.normal(k1, (B, D), dtype=jnp.float32)
    # SparseTensor indices: (row=concept, col=ancestor concept) pairs in [0, N_CONCEPTS)
    sparse_ancestors = jax.random.randint(k2, (NNZ, 2), 0, N_CONCEPTS, dtype=jnp.int32)
    sparse_ancestors_values = jax.random.uniform(k3, (NNZ,), dtype=jnp.float32)
    # learned parameters from build(): raw_embeddings w and bias b
    w = jax.random.normal(k4, (N_CONCEPTS, D), dtype=jnp.float32) * 0.01
    b = jax.random.normal(k5, (N_CONCEPTS,), dtype=jnp.float32) * 0.01
    return {
        "inputs": inputs,
        "sparse_ancestors": sparse_ancestors,
        "sparse_ancestors_values": sparse_ancestors_values,
        "w": w,
        "b": b,
    }


def reference(inputs, sparse_ancestors, sparse_ancestors_values, w, b):
    # tf.sparse_tensor_dense_matmul(A, w): A is [N, N] sparse with duplicates summed
    rows = sparse_ancestors[:, 0]
    cols = sparse_ancestors[:, 1]
    # gather ancestor embedding rows, scale by ancestry weight
    gathered = jnp.take(w, cols, axis=0) * sparse_ancestors_values[:, None]  # [NNZ, D]
    # scatter-add back into descendant rows (segment reduce)
    aw = jax.ops.segment_sum(gathered, rows, num_segments=N_CONCEPTS)  # [N, D]
    final_w = aw.T  # [D, N]
    return jnp.matmul(inputs, final_w) + b  # [B, N]

if __name__ == "__main__":
    import jax
    _d = setup_inputs()
    print(jax.jit(kernel)(*tuple(_d.values())))

</pallas_src>

<mosaic_0001>
#map = affine_map<(d0, d1) -> (0)>
#map1 = affine_map<(d0, d1) -> (0, 0, 0)>
module attributes {stable_mosaic.version = 14 : i64} {
  func.func @_sc_body(%arg0: i32, %arg1: i32, %arg2: memref<323584xi32, #tpu.memory_space<hbm>>, %arg3: memref<323584xi32, #tpu.memory_space<hbm>>, %arg4: memref<323584xf32, #tpu.memory_space<hbm>>, %arg5: memref<2x10000x64xf32, #tpu.memory_space<hbm>>, %arg6: memref<2x10240x64xf32, #tpu.memory_space<hbm>>, %arg7: memref<4x128xi32, #tpu.memory_space<vmem>>, %arg8: memref<4x128xi32, #tpu.memory_space<vmem>>, %arg9: memref<4x128xf32, #tpu.memory_space<vmem>>, %arg10: memref<2x128x64xf32, #tpu.memory_space<vmem>>, %arg11: memref<2x128x64xf32, #tpu.memory_space<vmem>>, %arg12: memref<10240x64xf32, #tpu.memory_space<vmem_shared>>, %arg13: memref<2x!tpu.dma_semaphore, #tpu.memory_space<semaphore_mem>>, %arg14: memref<2x!tpu.dma_semaphore, #tpu.memory_space<semaphore_mem>>, %arg15: memref<4x!tpu.dma_semaphore, #tpu.memory_space<semaphore_mem>>, %arg16: memref<4x!tpu.dma_semaphore, #tpu.memory_space<semaphore_mem>>, %arg17: memref<4x!tpu.dma_semaphore, #tpu.memory_space<semaphore_mem>>) attributes {dimension_semantics = [#tpu.dimension_semantics<core_parallel>, #tpu.dimension_semantics<subcore_parallel>], iteration_bounds = array<i64: 2, 16>, scalar_prefetch = 0 : i64, scratch_operands = 11 : i64, tpu.core_type = #tpu.core_type<sc_vector_subcore>, window_params = [{transform_indices = #map}, {transform_indices = #map}, {transform_indices = #map}, {transform_indices = #map1}, {transform_indices = #map1}]} {
    %mul3A = arith.constant 20224 : i32
    %mul3A_0 = arith.muli %arg1, %mul3A : i32
    %broadcast_in_dim3A = arith.constant 0.000000e+00 : f32
    %broadcast_in_dim3A_1 = vector.broadcast %broadcast_in_dim3A : f32 to vector<16xf32>
    %scan3A = arith.constant 0 : i32
    %scan3A_2 = arith.constant 0 : i32
    %scan3A_3 = arith.constant 128 : i32
    %scan3A_4 = arith.addi %scan3A_2, %scan3A_3 : i32
    %scan3A_5 = arith.constant 1 : i32
    %scan3A_6 = scf.for %scan3A_207 = %scan3A_2 to %scan3A_4 step %scan3A_5 iter_args(%scan3A_208 = %scan3A) -> (i32)  : i32 {
      %swap3A = arith.constant 0 : i32
      %swap3A_209 = arith.index_cast %swap3A : i32 to index
      %swap3A_210 = arith.index_cast %scan3A_207 : i32 to index
      %swap3A_211 = arith.constant 0 : index
      %swap3A_212 = tpu.vector_load %arg10[%swap3A_209, %swap3A_210, %swap3A_211] {strides = array<i32>} : memref<2x128x64xf32, #tpu.memory_space<vmem>>, vector<1x1x16xf32>,
      %swap3A_213 = vector.shape_cast %swap3A_212 : vector<1x1x16xf32> to vector<16xf32>
      %swap3A_214 = vector.shape_cast %broadcast_in_dim3A_1 : vector<16xf32> to vector<1x1x16xf32>
      tpu.vector_store %arg10[%swap3A_209, %swap3A_210, %swap3A_211], %swap3A_214 {strides = array<i32>} : memref<2x128x64xf32, #tpu.memory_space<vmem>>, vector<1x1x16xf32>,
      %swap3A_215 = arith.constant 0 : i32
      %swap3A_216 = arith.index_cast %swap3A_215 : i32 to index
      %swap3A_217 = arith.index_cast %scan3A_207 : i32 to index
      %swap3A_218 = arith.constant 16 : index
      %swap3A_219 = tpu.vector_load %arg10[%swap3A_216, %swap3A_217, %swap3A_218] {strides = array<i32>} : memref<2x128x64xf32, #tpu.memory_space<vmem>>, vector<1x1x16xf32>,
      %swap3A_220 = vector.shape_cast %swap3A_219 : vector<1x1x16xf32> to vector<16xf32>
      %swap3A_221 = vector.shape_cast %broadcast_in_dim3A_1 : vector<16xf32> to vector<1x1x16xf32>
      tpu.vector_store %arg10[%swap3A_216, %swap3A_217, %swap3A_218], %swap3A_221 {strides = array<i32>} : memref<2x128x64xf32, #tpu.memory_space<vmem>>, vector<1x1x16xf32>,
      %swap3A_222 = arith.constant 0 : i32
      %swap3A_223 = arith.index_cast %swap3A_222 : i32 to index
      %swap3A_224 = arith.index_cast %scan3A_207 : i32 to index
      %swap3A_225 = arith.constant 32 : index
      %swap3A_226 = tpu.vector_load %arg10[%swap3A_223, %swap3A_224, %swap3A_225] {strides = array<i32>} : memref<2x128x64xf32, #tpu.memory_space<vmem>>, vector<1x1x16xf32>,
      %swap3A_227 = vector.shape_cast %swap3A_226 : vector<1x1x16xf32> to vector<16xf32>
      %swap3A_228 = vector.shape_cast %broadcast_in_dim3A_1 : vector<16xf32> to vector<1x1x16xf32>
      tpu.vector_store %arg10[%swap3A_223, %swap3A_224, %swap3A_225], %swap3A_228 {strides = array<i32>} : memref<2x128x64xf32, #tpu.memory_space<vmem>>, vector<1x1x16xf32>,
      %swap3A_229 = arith.constant 0 : i32
      %swap3A_230 = arith.index_cast %swap3A_229 : i32 to index
      %swap3A_231 = arith.index_cast %scan3A_207 : i32 to index
      %swap3A_232 = arith.constant 48 : index
      %swap3A_233 = tpu.vector_load %arg10[%swap3A_230, %swap3A_231, %swap3A_232] {strides = array<i32>} : memref<2x128x64xf32, #tpu.memory_space<vmem>>, vector<1x1x16xf32>,
      %swap3A_234 = vector.shape_cast %swap3A_233 : vector<1x1x16xf32> to vector<16xf32>
      %swap3A_235 = vector.shape_cast %broadcast_in_dim3A_1 : vector<16xf32> to vector<1x1x16xf32>
      tpu.vector_store %arg10[%swap3A_230, %swap3A_231, %swap3A_232], %swap3A_235 {strides = array<i32>} : memref<2x128x64xf32, #tpu.memory_space<vmem>>, vector<1x1x16xf32>,
      %scan3A_236 = arith.constant 0 : i32
      scf.yield %scan3A_236 : i32
    }
    %scan3A_7 = arith.constant 128 : i32
    %mul3A_8 = arith.constant 640 : i32
    %mul3A_9 = arith.muli %arg1, %mul3A_8 : i32
    %add3A = arith.constant 0 : i32
    %add3A_10 = arith.addi %mul3A_9, %add3A : i32
    %run_scoped3A = arith.constant 0 : i32
    "tpu.region"() ({
      %run_scoped3A_207 = tpu.sem_alloc : memref<!tpu.dma_semaphore, #tpu.memory_space<semaphore_mem>>
      %dma_start3A_208 = arith.constant 0 : i32
      %dma_start3A_209 = arith.constant 0 : i32
      %dma_start3A_210 = tpu.memref_slice %arg10[%run_scoped3A, %dma_start3A_208, %dma_start3A_209] : memref<2x128x64xf32, #tpu.memory_space<vmem>> -> memref<1x128x64xf32, #tpu.memory_space<vmem>>
      %dma_start3A_211 = tpu.memref_squeeze %dma_start3A_210 : memref<1x128x64xf32, #tpu.memory_space<vmem>> -> memref<128x64xf32, #tpu.memory_space<vmem>>
      %dma_start3A_212 = arith.constant 0 : i32
      %dma_start3A_213 = tpu.memref_slice %arg12[%add3A_10, %dma_start3A_212] : memref<10240x64xf32, #tpu.memory_space<vmem_shared>> -> memref<128x64xf32, #tpu.memory_space<vmem_shared>>
      %dma_start3A_214 = arith.constant 0 : i32
      %dma_start3A_215 = tpu.memref_slice %arg12[%add3A_10, %dma_start3A_214] : memref<10240x64xf32, #tpu.memory_space<vmem_shared>> -> memref<128x64xf32, #tpu.memory_space<vmem_shared>>
      %dma_start3A_216 = arith.constant 0 : i32
      %dma_start3A_217 = arith.constant 0 : i32
      %dma_start3A_218 = tpu.memref_slice %arg10[%run_scoped3A, %dma_start3A_216, %dma_start3A_217] : memref<2x128x64xf32, #tpu.memory_space<vmem>> -> memref<1x128x64xf32, #tpu.memory_space<vmem>>
      %dma_start3A_219 = tpu.memref_squeeze %dma_start3A_218 : memref<1x128x64xf32, #tpu.memory_space<vmem>> -> memref<128x64xf32, #tpu.memory_space<vmem>>
      tpu.enqueue_dma source(%dma_start3A_219 : memref<128x64xf32, #tpu.memory_space<vmem>>) target(%dma_start3A_215 : memref<128x64xf32, #tpu.memory_space<vmem_shared>>) target_semaphore(%run_scoped3A_207 : memref<!tpu.dma_semaphore, #tpu.memory_space<semaphore_mem>>)
      %dma_wait3A_220 = arith.constant 0 : i32
      %dma_wait3A_221 = arith.constant 0 : i32
      %dma_wait3A_222 = tpu.memref_slice %arg10[%run_scoped3A, %dma_wait3A_220, %dma_wait3A_221] : memref<2x128x64xf32, #tpu.memory_space<vmem>> -> memref<1x128x64xf32, #tpu.memory_space<vmem>>
      %dma_wait3A_223 = tpu.memref_squeeze %dma_wait3A_222 : memref<1x128x64xf32, #tpu.memory_space<vmem>> -> memref<128x64xf32, #tpu.memory_space<vmem>>
      %dma_wait3A_224 = arith.constant 0 : i32
      %dma_wait3A_225 = tpu.memref_slice %arg12[%add3A_10, %dma_wait3A_224] : memref<10240x64xf32, #tpu.memory_space<vmem_shared>> -> memref<128x64xf32, #tpu.memory_space<vmem_shared>>
      %dma_wait3A_226 = arith.constant 0 : i32
      %dma_wait3A_227 = tpu.memref_slice %arg12[%add3A_10, %dma_wait3A_226] : memref<10240x64xf32, #tpu.memory_space<vmem_shared>> -> memref<128x64xf32, #tpu.memory_space<vmem_shared>>
      %dma_wait3A_228 = arith.constant 0 : i32
      %dma_wait3A_229 = arith.constant 0 : i32
      %dma_wait3A_230 = tpu.memref_slice %arg10[%run_scoped3A, %dma_wait3A_228, %dma_wait3A_229] : memref<2x128x64xf32, #tpu.memory_space<vmem>> -> memref<1x128x64xf32, #tpu.memory_space<vmem>>
      %dma_wait3A_231 = tpu.memref_squeeze %dma_wait3A_230 : memref<1x128x64xf32, #tpu.memory_space<vmem>> -> memref<128x64xf32, #tpu.memory_space<vmem>>
      tpu.wait_dma2 semaphore(%run_scoped3A_207 : memref<!tpu.dma_semaphore, #tpu.memory_space<semaphore_mem>>) src(%dma_wait3A_231 : memref<128x64xf32, #tpu.memory_space<vmem>>) dst(%dma_wait3A_227 : memref<128x64xf32, #tpu.memory_space<vmem_shared>>)
      tpu.yield
    }) : () -> ()
    %mul3A_11 = arith.constant 640 : i32
    %mul3A_12 = arith.muli %arg1, %mul3A_11 : i32
    %add3A_13 = arith.constant 128 : i32
    %add3A_14 = arith.addi %mul3A_12, %add3A_13 : i32
    %run_scoped3A_15 = arith.constant 0 : i32
    "tpu.region"() ({
      %run_scoped3A_207 = tpu.sem_alloc : memref<!tpu.dma_semaphore, #tpu.memory_space<semaphore_mem>>
      %dma_start3A_208 = arith.constant 0 : i32
      %dma_start3A_209 = arith.constant 0 : i32
      %dma_start3A_210 = tpu.memref_slice %arg10[%run_scoped3A_15, %dma_start3A_208, %dma_start3A_209] : memref<2x128x64xf32, #tpu.memory_space<vmem>> -> memref<1x128x64xf32, #tpu.memory_space<vmem>>
      %dma_start3A_211 = tpu.memref_squeeze %dma_start3A_210 : memref<1x128x64xf32, #tpu.memory_space<vmem>> -> memref<128x64xf32, #tpu.memory_space<vmem>>
      %dma_start3A_212 = arith.constant 0 : i32
      %dma_start3A_213 = tpu.memref_slice %arg12[%add3A_14, %dma_start3A_212] : memref<10240x64xf32, #tpu.memory_space<vmem_shared>> -> memref<128x64xf32, #tpu.memory_space<vmem_shared>>
      %dma_start3A_214 = arith.constant 0 : i32
      %dma_start3A_215 = tpu.memref_slice %arg12[%add3A_14, %dma_start3A_214] : memref<10240x64xf32, #tpu.memory_space<vmem_shared>> -> memref<128x64xf32, #tpu.memory_space<vmem_shared>>
      %dma_start3A_216 = arith.constant 0 : i32
      %dma_start3A_217 = arith.constant 0 : i32
      %dma_start3A_218 = tpu.memref_slice %arg10[%run_scoped3A_15, %dma_start3A_216, %dma_start3A_217] : memref<2x128x64xf32, #tpu.memory_space<vmem>> -> memref<1x128x64xf32, #tpu.memory_space<vmem>>
      %dma_start3A_219 = tpu.memref_squeeze %dma_start3A_218 : memref<1x128x64xf32, #tpu.memory_space<vmem>> -> memref<128x64xf32, #tpu.memory_space<vmem>>
      tpu.enqueue_dma source(%dma_start3A_219 : memref<128x64xf32, #tpu.memory_space<vmem>>) target(%dma_start3A_215 : memref<128x64xf32, #tpu.memory_space<vmem_shared>>) target_semaphore(%run_scoped3A_207 : memref<!tpu.dma_semaphore, #tpu.memory_space<semaphore_mem>>)
      %dma_wait3A_220 = arith.constant 0 : i32
      %dma_wait3A_221 = arith.constant 0 : i32
      %dma_wait3A_222 = tpu.memref_slice %arg10[%run_scoped3A_15, %dma_wait3A_220, %dma_wait3A_221] : memref<2x128x64xf32, #tpu.memory_space<vmem>> -> memref<1x128x64xf32, #tpu.memory_space<vmem>>
      %dma_wait3A_223 = tpu.memref_squeeze %dma_wait3A_222 : memref<1x128x64xf32, #tpu.memory_space<vmem>> -> memref<128x64xf32, #tpu.memory_space<vmem>>
      %dma_wait3A_224 = arith.constant 0 : i32
      %dma_wait3A_225 = tpu.memref_slice %arg12[%add3A_14, %dma_wait3A_224] : memref<10240x64xf32, #tpu.memory_space<vmem_shared>> -> memref<128x64xf32, #tpu.memory_space<vmem_shared>>
      %dma_wait3A_226 = arith.constant 0 : i32
      %dma_wait3A_227 = tpu.memref_slice %arg12[%add3A_14, %dma_wait3A_226] : memref<10240x64xf32, #tpu.memory_space<vmem_shared>> -> memref<128x64xf32, #tpu.memory_space<vmem_shared>>
      %dma_wait3A_228 = arith.constant 0 : i32
      %dma_wait3A_229 = arith.constant 0 : i32
      %dma_wait3A_230 = tpu.memref_slice %arg10[%run_scoped3A_15, %dma_wait3A_228, %dma_wait3A_229] : memref<2x128x64xf32, #tpu.memory_space<vmem>> -> memref<1x128x64xf32, #tpu.memory_space<vmem>>
      %dma_wait3A_231 = tpu.memref_squeeze %dma_wait3A_230 : memref<1x128x64xf32, #tpu.memory_space<vmem>> -> memref<128x64xf32, #tpu.memory_space<vmem>>
      tpu.wait_dma2 semaphore(%run_scoped3A_207 : memref<!tpu.dma_semaphore, #tpu.memory_space<semaphore_mem>>) src(%dma_wait3A_231 : memref<128x64xf32, #tpu.memory_space<vmem>>) dst(%dma_wait3A_227 : memref<128x64xf32, #tpu.memory_space<vmem_shared>>)
      tpu.yield
    }) : () -> ()
    %mul3A_16 = arith.constant 640 : i32
    %mul3A_17 = arith.muli %arg1, %mul3A_16 : i32
    %add3A_18 = arith.constant 256 : i32
    %add3A_19 = arith.addi %mul3A_17, %add3A_18 : i32
    %run_scoped3A_20 = arith.constant 0 : i32
    "tpu.region"() ({
      %run_scoped3A_207 = tpu.sem_alloc : memref<!tpu.dma_semaphore, #tpu.memory_space<semaphore_mem>>
      %dma_start3A_208 = arith.constant 0 : i32
      %dma_start3A_209 = arith.constant 0 : i32
      %dma_start3A_210 = tpu.memref_slice %arg10[%run_scoped3A_20, %dma_start3A_208, %dma_start3A_209] : memref<2x128x64xf32, #tpu.memory_space<vmem>> -> memref<1x128x64xf32, #tpu.memory_space<vmem>>
      %dma_start3A_211 = tpu.memref_squeeze %dma_start3A_210 : memref<1x128x64xf32, #tpu.memory_space<vmem>> -> memref<128x64xf32, #tpu.memory_space<vmem>>
      %dma_start3A_212 = arith.constant 0 : i32
      %dma_start3A_213 = tpu.memref_slice %arg12[%add3A_19, %dma_start3A_212] : memref<10240x64xf32, #tpu.memory_space<vmem_shared>> -> memref<128x64xf32, #tpu.memory_space<vmem_shared>>
      %dma_start3A_214 = arith.constant 0 : i32
      %dma_start3A_215 = tpu.memref_slice %arg12[%add3A_19, %dma_start3A_214] : memref<10240x64xf32, #tpu.memory_space<vmem_shared>> -> memref<128x64xf32, #tpu.memory_space<vmem_shared>>
      %dma_start3A_216 = arith.constant 0 : i32
      %dma_start3A_217 = arith.constant 0 : i32
      %dma_start3A_218 = tpu.memref_slice %arg10[%run_scoped3A_20, %dma_start3A_216, %dma_start3A_217] : memref<2x128x64xf32, #tpu.memory_space<vmem>> -> memref<1x128x64xf32, #tpu.memory_space<vmem>>
      %dma_start3A_219 = tpu.memref_squeeze %dma_start3A_218 : memref<1x128x64xf32, #tpu.memory_space<vmem>> -> memref<128x64xf32, #tpu.memory_space<vmem>>
      tpu.enqueue_dma source(%dma_start3A_219 : memref<128x64xf32, #tpu.memory_space<vmem>>) target(%dma_start3A_215 : memref<128x64xf32, #tpu.memory_space<vmem_shared>>) target_semaphore(%run_scoped3A_207 : memref<!tpu.dma_semaphore, #tpu.memory_space<semaphore_mem>>)
      %dma_wait3A_220 = arith.constant 0 : i32
      %dma_wait3A_221 = arith.constant 0 : i32
      %dma_wait3A_222 = tpu.memref_slice %arg10[%run_scoped3A_20, %dma_wait3A_220, %dma_wait3A_221] : memref<2x128x64xf32, #tpu.memory_space<vmem>> -> memref<1x128x64xf32, #tpu.memory_space<vmem>>
      %dma_wait3A_223 = tpu.memref_squeeze %dma_wait3A_222 : memref<1x128x64xf32, #tpu.memory_space<vmem>> -> memref<128x64xf32, #tpu.memory_space<vmem>>
      %dma_wait3A_224 = arith.constant 0 : i32
      %dma_wait3A_225 = tpu.memref_slice %arg12[%add3A_19, %dma_wait3A_224] : memref<10240x64xf32, #tpu.memory_space<vmem_shared>> -> memref<128x64xf32, #tpu.memory_space<vmem_shared>>
      %dma_wait3A_226 = arith.constant 0 : i32
      %dma_wait3A_227 = tpu.memref_slice %arg12[%add3A_19, %dma_wait3A_226] : memref<10240x64xf32, #tpu.memory_space<vmem_shared>> -> memref<128x64xf32, #tpu.memory_space<vmem_shared>>
      %dma_wait3A_228 = arith.constant 0 : i32
      %dma_wait3A_229 = arith.constant 0 : i32
      %dma_wait3A_230 = tpu.memref_slice %arg10[%run_scoped3A_20, %dma_wait3A_228, %dma_wait3A_229] : memref<2x128x64xf32, #tpu.memory_space<vmem>> -> memref<1x128x64xf32, #tpu.memory_space<vmem>>
      %dma_wait3A_231 = tpu.memref_squeeze %dma_wait3A_230 : memref<1x128x64xf32, #tpu.memory_space<vmem>> -> memref<128x64xf32, #tpu.memory_space<vmem>>
      tpu.wait_dma2 semaphore(%run_scoped3A_207 : memref<!tpu.dma_semaphore, #tpu.memory_space<semaphore_mem>>) src(%dma_wait3A_231 : memref<128x64xf32, #tpu.memory_space<vmem>>) dst(%dma_wait3A_227 : memref<128x64xf32, #tpu.memory_space<vmem_shared>>)
      tpu.yield
    }) : () -> ()
    %mul3A_21 = arith.constant 640 : i32
    %mul3A_22 = arith.muli %arg1, %mul3A_21 : i32
    %add3A_23 = arith.constant 384 : i32
    %add3A_24 = arith.addi %mul3A_22, %add3A_23 : i32
    %run_scoped3A_25 = arith.constant 0 : i32
    "tpu.region"() ({
      %run_scoped3A_207 = tpu.sem_alloc : memref<!tpu.dma_semaphore, #tpu.memory_space<semaphore_mem>>
      %dma_start3A_208 = arith.constant 0 : i32
      %dma_start3A_209 = arith.constant 0 : i32
      %dma_start3A_210 = tpu.memref_slice %arg10[%run_scoped3A_25, %dma_start3A_208, %dma_start3A_209] : memref<2x128x64xf32, #tpu.memory_space<vmem>> -> memref<1x128x64xf32, #tpu.memory_space<vmem>>
      %dma_start3A_211 = tpu.memref_squeeze %dma_start3A_210 : memref<1x128x64xf32, #tpu.memory_space<vmem>> -> memref<128x64xf32, #tpu.memory_space<vmem>>
      %dma_start3A_212 = arith.constant 0 : i32
      %dma_start3A_213 = tpu.memref_slice %arg12[%add3A_24, %dma_start3A_212] : memref<10240x64xf32, #tpu.memory_space<vmem_shared>> -> memref<128x64xf32, #tpu.memory_space<vmem_shared>>
      %dma_start3A_214 = arith.constant 0 : i32
      %dma_start3A_215 = tpu.memref_slice %arg12[%add3A_24, %dma_start3A_214] : memref<10240x64xf32, #tpu.memory_space<vmem_shared>> -> memref<128x64xf32, #tpu.memory_space<vmem_shared>>
      %dma_start3A_216 = arith.constant 0 : i32
      %dma_start3A_217 = arith.constant 0 : i32
      %dma_start3A_218 = tpu.memref_slice %arg10[%run_scoped3A_25, %dma_start3A_216, %dma_start3A_217] : memref<2x128x64xf32, #tpu.memory_space<vmem>> -> memref<1x128x64xf32, #tpu.memory_space<vmem>>
      %dma_start3A_219 = tpu.memref_squeeze %dma_start3A_218 : memref<1x128x64xf32, #tpu.memory_space<vmem>> -> memref<128x64xf32, #tpu.memory_space<vmem>>
      tpu.enqueue_dma source(%dma_start3A_219 : memref<128x64xf32, #tpu.memory_space<vmem>>) target(%dma_start3A_215 : memref<128x64xf32, #tpu.memory_space<vmem_shared>>) target_semaphore(%run_scoped3A_207 : memref<!tpu.dma_semaphore, #tpu.memory_space<semaphore_mem>>)
      %dma_wait3A_220 = arith.constant 0 : i32
      %dma_wait3A_221 = arith.constant 0 : i32
      %dma_wait3A_222 = tpu.memref_slice %arg10[%run_scoped3A_25, %dma_wait3A_220, %dma_wait3A_221] : memref<2x128x64xf32, #tpu.memory_space<vmem>> -> memref<1x128x64xf32, #tpu.memory_space<vmem>>
      %dma_wait3A_223 = tpu.memref_squeeze %dma_wait3A_222 : memref<1x128x64xf32, #tpu.memory_space<vmem>> -> memref<128x64xf32, #tpu.memory_space<vmem>>
      %dma_wait3A_224 = arith.constant 0 : i32
      %dma_wait3A_225 = tpu.memref_slice %arg12[%add3A_24, %dma_wait3A_224] : memref<10240x64xf32, #tpu.memory_space<vmem_shared>> -> memref<128x64xf32, #tpu.memory_space<vmem_shared>>
      %dma_wait3A_226 = arith.constant 0 : i32
      %dma_wait3A_227 = tpu.memref_slice %arg12[%add3A_24, %dma_wait3A_226] : memref<10240x64xf32, #tpu.memory_space<vmem_shared>> -> memref<128x64xf32, #tpu.memory_space<vmem_shared>>
      %dma_wait3A_228 = arith.constant 0 : i32
      %dma_wait3A_229 = arith.constant 0 : i32
      %dma_wait3A_230 = tpu.memref_slice %arg10[%run_scoped3A_25, %dma_wait3A_228, %dma_wait3A_229] : memref<2x128x64xf32, #tpu.memory_space<vmem>> -> memref<1x128x64xf32, #tpu.memory_space<vmem>>
      %dma_wait3A_231 = tpu.memref_squeeze %dma_wait3A_230 : memref<1x128x64xf32, #tpu.memory_space<vmem>> -> memref<128x64xf32, #tpu.memory_space<vmem>>
      tpu.wait_dma2 semaphore(%run_scoped3A_207 : memref<!tpu.dma_semaphore, #tpu.memory_space<semaphore_mem>>) src(%dma_wait3A_231 : memref<128x64xf32, #tpu.memory_space<vmem>>) dst(%dma_wait3A_227 : memref<128x64xf32, #tpu.memory_space<vmem_shared>>)
      tpu.yield
    }) : () -> ()
    %mul3A_26 = arith.constant 640 : i32
    %mul3A_27 = arith.muli %arg1, %mul3A_26 : i32
    %add3A_28 = arith.constant 512 : i32
    %add3A_29 = arith.addi %mul3A_27, %add3A_28 : i32
    %run_scoped3A_30 = arith.constant 0 : i32
    "tpu.region"() ({
      %run_scoped3A_207 = tpu.sem_alloc : memref<!tpu.dma_semaphore, #tpu.memory_space<semaphore_mem>>
      %dma_start3A_208 = arith.constant 0 : i32
      %dma_start3A_209 = arith.constant 0 : i32
      %dma_start3A_210 = tpu.memref_slice %arg10[%run_scoped3A_30, %dma_start3A_208, %dma_start3A_209] : memref<2x128x64xf32, #tpu.memory_space<vmem>> -> memref<1x128x64xf32, #tpu.memory_space<vmem>>
      %dma_start3A_211 = tpu.memref_squeeze %dma_start3A_210 : memref<1x128x64xf32, #tpu.memory_space<vmem>> -> memref<128x64xf32, #tpu.memory_space<vmem>>
      %dma_start3A_212 = arith.constant 0 : i32
      %dma_start3A_213 = tpu.memref_slice %arg12[%add3A_29, %dma_start3A_212] : memref<10240x64xf32, #tpu.memory_space<vmem_shared>> -> memref<128x64xf32, #tpu.memory_space<vmem_shared>>
      %dma_start3A_214 = arith.constant 0 : i32
      %dma_start3A_215 = tpu.memref_slice %arg12[%add3A_29, %dma_start3A_214] : memref<10240x64xf32, #tpu.memory_space<vmem_shared>> -> memref<128x64xf32, #tpu.memory_space<vmem_shared>>
      %dma_start3A_216 = arith.constant 0 : i32
      %dma_start3A_217 = arith.constant 0 : i32
      %dma_start3A_218 = tpu.memref_slice %arg10[%run_scoped3A_30, %dma_start3A_216, %dma_start3A_217] : memref<2x128x64xf32, #tpu.memory_space<vmem>> -> memref<1x128x64xf32, #tpu.memory_space<vmem>>
      %dma_start3A_219 = tpu.memref_squeeze %dma_start3A_218 : memref<1x128x64xf32, #tpu.memory_space<vmem>> -> memref<128x64xf32, #tpu.memory_space<vmem>>
      tpu.enqueue_dma source(%dma_start3A_219 : memref<128x64xf32, #tpu.memory_space<vmem>>) target(%dma_start3A_215 : memref<128x64xf32, #tpu.memory_space<vmem_shared>>) target_semaphore(%run_scoped3A_207 : memref<!tpu.dma_semaphore, #tpu.memory_space<semaphore_mem>>)
      %dma_wait3A_220 = arith.constant 0 : i32
      %dma_wait3A_221 = arith.constant 0 : i32
      %dma_wait3A_222 = tpu.memref_slice %arg10[%run_scoped3A_30, %dma_wait3A_220, %dma_wait3A_221] : memref<2x128x64xf32, #tpu.memory_space<vmem>> -> memref<1x128x64xf32, #tpu.memory_space<vmem>>
      %dma_wait3A_223 = tpu.memref_squeeze %dma_wait3A_222 : memref<1x128x64xf32, #tpu.memory_space<vmem>> -> memref<128x64xf32, #tpu.memory_space<vmem>>
      %dma_wait3A_224 = arith.constant 0 : i32
      %dma_wait3A_225 = tpu.memref_slice %arg12[%add3A_29, %dma_wait3A_224] : memref<10240x64xf32, #tpu.memory_space<vmem_shared>> -> memref<128x64xf32, #tpu.memory_space<vmem_shared>>
      %dma_wait3A_226 = arith.constant 0 : i32
      %dma_wait3A_227 = tpu.memref_slice %arg12[%add3A_29, %dma_wait3A_226] : memref<10240x64xf32, #tpu.memory_space<vmem_shared>> -> memref<128x64xf32, #tpu.memory_space<vmem_shared>>
      %dma_wait3A_228 = arith.constant 0 : i32
      %dma_wait3A_229 = arith.constant 0 : i32
      %dma_wait3A_230 = tpu.memref_slice %arg10[%run_scoped3A_30, %dma_wait3A_228, %dma_wait3A_229] : memref<2x128x64xf32, #tpu.memory_space<vmem>> -> memref<1x128x64xf32, #tpu.memory_space<vmem>>
      %dma_wait3A_231 = tpu.memref_squeeze %dma_wait3A_230 : memref<1x128x64xf32, #tpu.memory_space<vmem>> -> memref<128x64xf32, #tpu.memory_space<vmem>>
      tpu.wait_dma2 semaphore(%run_scoped3A_207 : memref<!tpu.dma_semaphore, #tpu.memory_space<semaphore_mem>>) src(%dma_wait3A_231 : memref<128x64xf32, #tpu.memory_space<vmem>>) dst(%dma_wait3A_227 : memref<128x64xf32, #tpu.memory_space<vmem_shared>>)
      tpu.yield
    }) : () -> ()
    %barrier3A = arith.constant 0 : index
    tpu.barrier barrier_id(%barrier3A)
    %rem3A = arith.constant 0 : i32
    %rem3A_31 = arith.constant 4 : i32
    %rem3A_32 = arith.remsi %rem3A, %rem3A_31 : i32
    %add3A_33 = arith.constant 0 : i32
    %add3A_34 = arith.addi %mul3A_0, %add3A_33 : i32
    %dma_start3A = arith.constant 0 : i32
    %dma_start3A_35 = tpu.memref_slice %arg7[%rem3A_32, %dma_start3A] : memref<4x128xi32, #tpu.memory_space<vmem>> -> memref<1x128xi32, #tpu.memory_space<vmem>>
    %dma_start3A_36 = tpu.memref_squeeze %dma_start3A_35 : memref<1x128xi32, #tpu.memory_space<vmem>> -> memref<128xi32, #tpu.memory_space<vmem>>
    %dma_start3A_37 = tpu.memref_slice %arg3[%add3A_34] : memref<323584xi32, #tpu.memory_space<hbm>> -> memref<128xi32, #tpu.memory_space<hbm>>
    %dma_start3A_38 = tpu.memref_slice %arg15[%rem3A_32] : memref<4x!tpu.dma_semaphore, #tpu.memory_space<semaphore_mem>> -> memref<1x!tpu.dma_semaphore, #tpu.memory_space<semaphore_mem>>
    %dma_start3A_39 = tpu.memref_squeeze %dma_start3A_38 : memref<1x!tpu.dma_semaphore, #tpu.memory_space<semaphore_mem>> -> memref<!tpu.dma_semaphore, #tpu.memory_space<semaphore_mem>>
    %dma_start3A_40 = arith.constant 0 : i32
    %dma_start3A_41 = tpu.memref_slice %arg7[%rem3A_32, %dma_start3A_40] : memref<4x128xi32, #tpu.memory_space<vmem>> -> memref<1x128xi32, #tpu.memory_space<vmem>>
    %dma_start3A_42 = tpu.memref_squeeze %dma_start3A_41 : memref<1x128xi32, #tpu.memory_space<vmem>> -> memref<128xi32, #tpu.memory_space<vmem>>
    %dma_start3A_43 = tpu.memref_slice %arg3[%add3A_34] : memref<323584xi32, #tpu.memory_space<hbm>> -> memref<128xi32, #tpu.memory_space<hbm>>
    tpu.enqueue_dma source(%dma_start3A_43 : memref<128xi32, #tpu.memory_space<hbm>>) target(%dma_start3A_42 : memref<128xi32, #tpu.memory_space<vmem>>) target_semaphore(%dma_start3A_39 : memref<!tpu.dma_semaphore, #tpu.memory_space<semaphore_mem>>)
    %dma_start3A_44 = arith.constant 0 : i32
    %dma_start3A_45 = tpu.memref_slice %arg8[%rem3A_32, %dma_start3A_44] : memref<4x128xi32, #tpu.memory_space<vmem>> -> memref<1x128xi32, #tpu.memory_space<vmem>>
    %dma_start3A_46 = tpu.memref_squeeze %dma_start3A_45 : memref<1x128xi32, #tpu.memory_space<vmem>> -> memref<128xi32, #tpu.memory_space<vmem>>
    %dma_start3A_47 = tpu.memref_slice %arg2[%add3A_34] : memref<323584xi32, #tpu.memory_space<hbm>> -> memref<128xi32, #tpu.memory_space<hbm>>
    %dma_start3A_48 = tpu.memref_slice %arg16[%rem3A_32] : memref<4x!tpu.dma_semaphore, #tpu.memory_space<semaphore_mem>> -> memref<1x!tpu.dma_semaphore, #tpu.memory_space<semaphore_mem>>
    %dma_start3A_49 = tpu.memref_squeeze %dma_start3A_48 : memref<1x!tpu.dma_semaphore, #tpu.memory_space<semaphore_mem>> -> memref<!tpu.dma_semaphore, #tpu.memory_space<semaphore_mem>>
    %dma_start3A_50 = arith.constant 0 : i32
    %dma_start3A_51 = tpu.memref_slice %arg8[%rem3A_32, %dma_start3A_50] : memref<4x128xi32, #tpu.memory_space<vmem>> -> memref<1x128xi32, #tpu.memory_space<vmem>>
    %dma_start3A_52 = tpu.memref_squeeze %dma_start3A_51 : memref<1x128xi32, #tpu.memory_space<vmem>> -> memref<128xi32, #tpu.memory_space<vmem>>
    %dma_start3A_53 = tpu.memref_slice %arg2[%add3A_34] : memref<323584xi32, #tpu.memory_space<hbm>> -> memref<128xi32, #tpu.memory_space<hbm>>
    tpu.enqueue_dma source(%dma_start3A_53 : memref<128xi32, #tpu.memory_space<hbm>>) target(%dma_start3A_52 : memref<128xi32, #tpu.memory_space<vmem>>) target_semaphore(%dma_start3A_49 : memref<!tpu.dma_semaphore, #tpu.memory_space<semaphore_mem>>)
    %dma_start3A_54 = arith.constant 0 : i32
    %dma_start3A_55 = tpu.memref_slice %arg9[%rem3A_32, %dma_start3A_54] : memref<4x128xf32, #tpu.memory_space<vmem>> -> memref<1x128xf32, #tpu.memory_space<vmem>>
    %dma_start3A_56 = tpu.memref_squeeze %dma_start3A_55 : memref<1x128xf32, #tpu.memory_space<vmem>> -> memref<128xf32, #tpu.memory_space<vmem>>
    %dma_start3A_57 = tpu.memref_slice %arg4[%add3A_34] : memref<323584xf32, #tpu.memory_space<hbm>> -> memref<128xf32, #tpu.memory_space<hbm>>
    %dma_start3A_58 = tpu.memref_slice %arg17[%rem3A_32] : memref<4x!tpu.dma_semaphore, #tpu.memory_space<semaphore_mem>> -> memref<1x!tpu.dma_semaphore, #tpu.memory_space<semaphore_mem>>
    %dma_start3A_59 = tpu.memref_squeeze %dma_start3A_58 : memref<1x!tpu.dma_semaphore, #tpu.memory_space<semaphore_mem>> -> memref<!tpu.dma_semaphore, #tpu.memory_space<semaphore_mem>>
    %dma_start3A_60 = arith.constant 0 : i32
    %dma_start3A_61 = tpu.memref_slice %arg9[%rem3A_32, %dma_start3A_60] : memref<4x128xf32, #tpu.memory_space<vmem>> -> memref<1x128xf32, #tpu.memory_space<vmem>>
    %dma_start3A_62 = tpu.memref_squeeze %dma_start3A_61 : memref<1x128xf32, #tpu.memory_space<vmem>> -> memref<128xf32, #tpu.memory_space<vmem>>
    %dma_start3A_63 = tpu.memref_slice %arg4[%add3A_34] : memref<323584xf32, #tpu.memory_space<hbm>> -> memref<128xf32, #tpu.memory_space<hbm>>
    tpu.enqueue_dma source(%dma_start3A_63 : memref<128xf32, #tpu.memory_space<hbm>>) target(%dma_start3A_62 : memref<128xf32, #tpu.memory_space<vmem>>) target_semaphore(%dma_start3A_59 : memref<!tpu.dma_semaphore, #tpu.memory_space<semaphore_mem>>)
    %rem3A_64 = arith.constant 1 : i32
    %rem3A_65 = arith.constant 4 : i32
    %rem3A_66 = arith.remsi %rem3A_64, %rem3A_65 : i32
    %add3A_67 = arith.constant 128 : i32
    %add3A_68 = arith.addi %mul3A_0, %add3A_67 : i32
    %dma_start3A_69 = arith.constant 0 : i32
    %dma_start3A_70 = tpu.memref_slice %arg7[%rem3A_66, %dma_start3A_69] : memref<4x128xi32, #tpu.memory_space<vmem>> -> memref<1x128xi32, #tpu.memory_space<vmem>>
    %dma_start3A_71 = tpu.memref_squeeze %dma_start3A_70 : memref<1x128xi32, #tpu.memory_space<vmem>> -> memref<128xi32, #tpu.memory_space<vmem>>
    %dma_start3A_72 = tpu.memref_slice %arg3[%add3A_68] : memref<323584xi32, #tpu.memory_space<hbm>> -> memref<128xi32, #tpu.memory_space<hbm>>
    %dma_start3A_73 = tpu.memref_slice %arg15[%rem3A_66] : memref<4x!tpu.dma_semaphore, #tpu.memory_space<semaphore_mem>> -> memref<1x!tpu.dma_semaphore, #tpu.memory_space<semaphore_mem>>
    %dma_start3A_74 = tpu.memref_squeeze %dma_start3A_73 : memref<1x!tpu.dma_semaphore, #tpu.memory_space<semaphore_mem>> -> memref<!tpu.dma_semaphore, #tpu.memory_space<semaphore_mem>>
    %dma_start3A_75 = arith.constant 0 : i32
    %dma_start3A_76 = tpu.memref_slice %arg7[%rem3A_66, %dma_start3A_75] : memref<4x128xi32, #tpu.memory_space<vmem>> -> memref<1x128xi32, #tpu.memory_space<vmem>>
    %dma_start3A_77 = tpu.memref_squeeze %dma_start3A_76 : memref<1x128xi32, #tpu.memory_space<vmem>> -> memref<128xi32, #tpu.memory_space<vmem>>
    %dma_start3A_78 = tpu.memref_slice %arg3[%add3A_68] : memref<323584xi32, #tpu.memory_space<hbm>> -> memref<128xi32, #tpu.memory_space<hbm>>
    tpu.enqueue_dma source(%dma_start3A_78 : memref<128xi32, #tpu.memory_space<hbm>>) target(%dma_start3A_77 : memref<128xi32, #tpu.memory_space<vmem>>) target_semaphore(%dma_start3A_74 : memref<!tpu.dma_semaphore, #tpu.memory_space<semaphore_mem>>)
    %dma_start3A_79 = arith.constant 0 : i32
    %dma_start3A_80 = tpu.memref_slice %arg8[%rem3A_66, %dma_start3A_79] : memref<4x128xi32, #tpu.memory_space<vmem>> -> memref<1x128xi32, #tpu.memory_space<vmem>>
    %dma_start3A_81 = tpu.memref_squeeze %dma_start3A_80 : memref<1x128xi32, #tpu.memory_space<vmem>> -> memref<128xi32, #tpu.memory_space<vmem>>
    %dma_start3A_82 = tpu.memref_slice %arg2[%add3A_68] : memref<323584xi32, #tpu.memory_space<hbm>> -> memref<128xi32, #tpu.memory_space<hbm>>
    %dma_start3A_83 = tpu.memref_slice %arg16[%rem3A_66] : memref<4x!tpu.dma_semaphore, #tpu.memory_space<semaphore_mem>> -> memref<1x!tpu.dma_semaphore, #tpu.memory_space<semaphore_mem>>
    %dma_start3A_84 = tpu.memref_squeeze %dma_start3A_83 : memref<1x!tpu.dma_semaphore, #tpu.memory_space<semaphore_mem>> -> memref<!tpu.dma_semaphore, #tpu.memory_space<semaphore_mem>>
    %dma_start3A_85 = arith.constant 0 : i32
    %dma_start3A_86 = tpu.memref_slice %arg8[%rem3A_66, %dma_start3A_85] : memref<4x128xi32, #tpu.memory_space<vmem>> -> memref<1x128xi32, #tpu.memory_space<vmem>>
    %dma_start3A_87 = tpu.memref_squeeze %dma_start3A_86 : memref<1x128xi32, #tpu.memory_space<vmem>> -> memref<128xi32, #tpu.memory_space<vmem>>
    %dma_start3A_88 = tpu.memref_slice %arg2[%add3A_68] : memref<323584xi32, #tpu.memory_space<hbm>> -> memref<128xi32, #tpu.memory_space<hbm>>
    tpu.enqueue_dma source(%dma_start3A_88 : memref<128xi32, #tpu.memory_space<hbm>>) target(%dma_start3A_87 : memref<128xi32, #tpu.memory_space<vmem>>) target_semaphore(%dma_start3A_84 : memref<!tpu.dma_semaphore, #tpu.memory_space<semaphore_mem>>)
    %dma_start3A_89 = arith.constant 0 : i32
    %dma_start3A_90 = tpu.memref_slice %arg9[%rem3A_66, %dma_start3A_89] : memref<4x128xf32, #tpu.memory_space<vmem>> -> memref<1x128xf32, #tpu.memory_space<vmem>>
    %dma_start3A_91 = tpu.memref_squeeze %dma_start3A_90 : memref<1x128xf32, #tpu.memory_space<vmem>> -> memref<128xf32, #tpu.memory_space<vmem>>
    %dma_start3A_92 = tpu.memref_slice %arg4[%add3A_68] : memref<323584xf32, #tpu.memory_space<hbm>> -> memref<128xf32, #tpu.memory_space<hbm>>
    %dma_start3A_93 = tpu.memref_slice %arg17[%rem3A_66] : memref<4x!tpu.dma_semaphore, #tpu.memory_space<semaphore_mem>> -> memref<1x!tpu.dma_semaphore, #tpu.memory_space<semaphore_mem>>
    %dma_start3A_94 = tpu.memref_squeeze %dma_start3A_93 : memref<1x!tpu.dma_semaphore, #tpu.memory_space<semaphore_mem>> -> memref<!tpu.dma_semaphore, #tpu.memory_space<semaphore_mem>>
    %dma_start3A_95 = arith.constant 0 : i32
    %dma_start3A_96 = tpu.memref_slice %arg9[%rem3A_66, %dma_start3A_95] : memref<4x128xf32, #tpu.memory_space<vmem>> -> memref<1x128xf32, #tpu.memory_space<vmem>>
    %dma_start3A_97 = tpu.memref_squeeze %dma_start3A_96 : memref<1x128xf32, #tpu.memory_space<vmem>> -> memref<128xf32, #tpu.memory_space<vmem>>
    %dma_start3A_98 = tpu.memref_slice %arg4[%add3A_68] : memref<323584xf32, #tpu.memory_space<hbm>> -> memref<128xf32, #tpu.memory_space<hbm>>
    tpu.enqueue_dma source(%dma_start3A_98 : memref<128xf32, #tpu.memory_space<hbm>>) target(%dma_start3A_97 : memref<128xf32, #tpu.memory_space<vmem>>) target_semaphore(%dma_start3A_94 : memref<!tpu.dma_semaphore, #tpu.memory_space<semaphore_mem>>)
    %rem3A_99 = arith.constant 0 : i32
    %rem3A_100 = arith.constant 4 : i32
    %rem3A_101 = arith.remsi %rem3A_99, %rem3A_100 : i32
    %dma_wait3A = arith.constant 0 : i32
    %dma_wait3A_102 = tpu.memref_slice %arg7[%rem3A_101, %dma_wait3A] : memref<4x128xi32, #tpu.memory_space<vmem>> -> memref<1x128xi32, #tpu.memory_space<vmem>>
    %dma_wait3A_103 = tpu.memref_squeeze %dma_wait3A_102 : memref<1x128xi32, #tpu.memory_space<vmem>> -> memref<128xi32, #tpu.memory_space<vmem>>
    %dma_wait3A_104 = arith.constant 0 : i32
    %dma_wait3A_105 = tpu.memref_slice %arg3[%dma_wait3A_104] : memref<323584xi32, #tpu.memory_space<hbm>> -> memref<128xi32, #tpu.memory_space<hbm>>
    %dma_wait3A_106 = tpu.memref_slice %arg15[%rem3A_101] : memref<4x!tpu.dma_semaphore, #tpu.memory_space<semaphore_mem>> -> memref<1x!tpu.dma_semaphore, #tpu.memory_space<semaphore_mem>>
    %dma_wait3A_107 = tpu.memref_squeeze %dma_wait3A_106 : memref<1x!tpu.dma_semaphore, #tpu.memory_space<semaphore_mem>> -> memref<!tpu.dma_semaphore, #tpu.memory_space<semaphore_mem>>
    %dma_wait3A_108 = arith.constant 0 : i32
    %dma_wait3A_109 = tpu.memref_slice %arg7[%rem3A_101, %dma_wait3A_108] : memref<4x128xi32, #tpu.memory_space<vmem>> -> memref<1x128xi32, #tpu.memory_space<vmem>>
    %dma_wait3A_110 = tpu.memref_squeeze %dma_wait3A_109 : memref<1x128xi32, #tpu.memory_space<vmem>> -> memref<128xi32, #tpu.memory_space<vmem>>
    %dma_wait3A_111 = arith.constant 0 : i32
    %dma_wait3A_112 = tpu.memref_slice %arg3[%dma_wait3A_111] : memref<323584xi32, #tpu.memory_space<hbm>> -> memref<128xi32, #tpu.memory_space<hbm>>
    tpu.wait_dma2 semaphore(%dma_wait3A_107 : memref<!tpu.dma_semaphore, #tpu.memory_space<semaphore_mem>>) src(%dma_wait3A_112 : memref<128xi32, #tpu.memory_space<hbm>>) dst(%dma_wait3A_110 : memref<128xi32, #tpu.memory_space<vmem>>)
    %dma_wait3A_113 = arith.constant 0 : i32
    %dma_wait3A_114 = tpu.memref_slice %arg8[%rem3A_101, %dma_wait3A_113] : memref<4x128xi32, #tpu.memory_space<vmem>> -> memref<1x128xi32, #tpu.memory_space<vmem>>
    %dma_wait3A_115 = tpu.memref_squeeze %dma_wait3A_114 : memref<1x128xi32, #tpu.memory_space<vmem>> -> memref<128xi32, #tpu.memory_space<vmem>>
    %dma_wait3A_116 = arith.constant 0 : i32
    %dma_wait3A_117 = tpu.memref_slice %arg2[%dma_wait3A_116] : memref<323584xi32, #tpu.memory_space<hbm>> -> memref<128xi32, #tpu.memory_space<hbm>>
    %dma_wait3A_118 = tpu.memref_slice %arg16[%rem3A_101] : memref<4x!tpu.dma_semaphore, #tpu.memory_space<semaphore_mem>> -> memref<1x!tpu.dma_semaphore, #tpu.memory_space<semaphore_mem>>
    %dma_wait3A_119 = tpu.memref_squeeze %dma_wait3A_118 : memref<1x!tpu.dma_semaphore, #tpu.memory_space<semaphore_mem>> -> memref<!tpu.dma_semaphore, #tpu.memory_space<semaphore_mem>>
    %dma_wait3A_120 = arith.constant 0 : i32
    %dma_wait3A_121 = tpu.memref_slice %arg8[%rem3A_101, %dma_wait3A_120] : memref<4x128xi32, #tpu.memory_space<vmem>> -> memref<1x128xi32, #tpu.memory_space<vmem>>
    %dma_wait3A_122 = tpu.memref_squeeze %dma_wait3A_121 : memref<1x128xi32, #tpu.memory_space<vmem>> -> memref<128xi32, #tpu.memory_space<vmem>>
    %dma_wait3A_123 = arith.constant 0 : i32
    %dma_wait3A_124 = tpu.memref_slice %arg2[%dma_wait3A_123] : memref<323584xi32, #tpu.memory_space<hbm>> -> memref<128xi32, #tpu.memory_space<hbm>>
    tpu.wait_dma2 semaphore(%dma_wait3A_119 : memref<!tpu.dma_semaphore, #tpu.memory_space<semaphore_mem>>) src(%dma_wait3A_124 : memref<128xi32, #tpu.memory_space<hbm>>) dst(%dma_wait3A_122 : memref<128xi32, #tpu.memory_space<vmem>>)
    %dma_wait3A_125 = arith.constant 0 : i32
    %dma_wait3A_126 = tpu.memref_slice %arg9[%rem3A_101, %dma_wait3A_125] : memref<4x128xf32, #tpu.memory_space<vmem>> -> memref<1x128xf32, #tpu.memory_space<vmem>>
    %dma_wait3A_127 = tpu.memref_squeeze %dma_wait3A_126 : memref<1x128xf32, #tpu.memory_space<vmem>> -> memref<128xf32, #tpu.memory_space<vmem>>
    %dma_wait3A_128 = arith.constant 0 : i32
    %dma_wait3A_129 = tpu.memref_slice %arg4[%dma_wait3A_128] : memref<323584xf32, #tpu.memory_space<hbm>> -> memref<128xf32, #tpu.memory_space<hbm>>
    %dma_wait3A_130 = tpu.memref_slice %arg17[%rem3A_101] : memref<4x!tpu.dma_semaphore, #tpu.memory_space<semaphore_mem>> -> memref<1x!tpu.dma_semaphore, #tpu.memory_space<semaphore_mem>>
    %dma_wait3A_131 = tpu.memref_squeeze %dma_wait3A_130 : memref<1x!tpu.dma_semaphore, #tpu.memory_space<semaphore_mem>> -> memref<!tpu.dma_semaphore, #tpu.memory_space<semaphore_mem>>
    %dma_wait3A_132 = arith.constant 0 : i32
    %dma_wait3A_133 = tpu.memref_slice %arg9[%rem3A_101, %dma_wait3A_132] : memref<4x128xf32, #tpu.memory_space<vmem>> -> memref<1x128xf32, #tpu.memory_space<vmem>>
    %dma_wait3A_134 = tpu.memref_squeeze %dma_wait3A_133 : memref<1x128xf32, #tpu.memory_space<vmem>> -> memref<128xf32, #tpu.memory_space<vmem>>
    %dma_wait3A_135 = arith.constant 0 : i32
    %dma_wait3A_136 = tpu.memref_slice %arg4[%dma_wait3A_135] : memref<323584xf32, #tpu.memory_space<hbm>> -> memref<128xf32, #tpu.memory_space<hbm>>
    tpu.wait_dma2 semaphore(%dma_wait3A_131 : memref<!tpu.dma_semaphore, #tpu.memory_space<semaphore_mem>>) src(%dma_wait3A_136 : memref<128xf32, #tpu.memory_space<hbm>>) dst(%dma_wait3A_134 : memref<128xf32, #tpu.memory_space<vmem>>)
    %rem3A_137 = arith.constant 0 : i32
    %rem3A_138 = arith.constant 2 : i32
    %rem3A_139 = arith.remsi %rem3A_137, %rem3A_138 : i32
    %rem3A_140 = arith.constant 0 : i32
    %rem3A_141 = arith.constant 4 : i32
    %rem3A_142 = arith.remsi %rem3A_140, %rem3A_141 : i32
    %dma_start3A_143 = arith.constant 0 : i32
    %dma_start3A_144 = arith.constant 0 : i32
    %dma_start3A_145 = tpu.memref_slice %arg10[%rem3A_139, %dma_start3A_143, %dma_start3A_144] : memref<2x128x64xf32, #tpu.memory_space<vmem>> -> memref<1x128x64xf32, #tpu.memory_space<vmem>>
    %dma_start3A_146 = tpu.memref_squeeze %dma_start3A_145 : memref<1x128x64xf32, #tpu.memory_space<vmem>> -> memref<128x64xf32, #tpu.memory_space<vmem>>
    %dma_start3A_147 = arith.constant 0 : i32
    %dma_start3A_148 = tpu.memref_slice %arg7[%rem3A_142, %dma_start3A_147] : memref<4x128xi32, #tpu.memory_space<vmem>> -> memref<1x128xi32, #tpu.memory_space<vmem>>
    %dma_start3A_149 = tpu.memref_squeeze %dma_start3A_148 : memref<1x128xi32, #tpu.memory_space<vmem>> -> memref<128xi32, #tpu.memory_space<vmem>>
    %dma_start3A_150 = arith.constant 0 : i32
    %dma_start3A_151 = arith.constant 0 : i32
    %dma_start3A_152 = tpu.memref_slice %arg5[%arg0, %dma_start3A_150, %dma_start3A_151] : memref<2x10000x64xf32, #tpu.memory_space<hbm>> -> memref<1x10000x64xf32, #tpu.memory_space<hbm>>
    %dma_start3A_153 = tpu.memref_squeeze %dma_start3A_152 : memref<1x10000x64xf32, #tpu.memory_space<hbm>> -> memref<10000x64xf32, #tpu.memory_space<hbm>>
    %dma_start3A_154 = arith.constant 0 : i32
    %dma_start3A_155 = arith.constant 0 : i32
    %dma_start3A_156 = tpu.memref_slice %dma_start3A_153[%dma_start3A_154, %dma_start3A_155] : memref<10000x64xf32, #tpu.memory_space<hbm>> -> memref<10000x64xf32, #tpu.memory_space<hbm>>
    %dma_start3A_157 = tpu.memref_slice %arg13[%rem3A_139] : memref<2x!tpu.dma_semaphore, #tpu.memory_space<semaphore_mem>> -> memref<1x!tpu.dma_semaphore, #tpu.memory_space<semaphore_mem>>
    %dma_start3A_158 = tpu.memref_squeeze %dma_start3A_157 : memref<1x!tpu.dma_semaphore, #tpu.memory_space<semaphore_mem>> -> memref<!tpu.dma_semaphore, #tpu.memory_space<semaphore_mem>>
    tpu.enqueue_indirect_dma source(%dma_start3A_156 : memref<10000x64xf32, #tpu.memory_space<hbm>>) target(%dma_start3A_146 : memref<128x64xf32, #tpu.memory_space<vmem>>) offsets(%dma_start3A_149 : memref<128xi32, #tpu.memory_space<vmem>>) semaphore(%dma_start3A_158 : memref<!tpu.dma_semaphore, #tpu.memory_space<semaphore_mem>>)
    %scan3A_159 = arith.constant 0 : i32
    %scan3A_160 = arith.constant 0 : i32
    %scan3A_161 = arith.constant 158 : i32
    %scan3A_162 = arith.addi %scan3A_160, %scan3A_161 : i32
    %scan3A_163 = arith.constant 1 : i32
    %scan3A_164 = scf.for %scan3A_207 = %scan3A_160 to %scan3A_162 step %scan3A_163 iter_args(%scan3A_208 = %scan3A_159) -> (i32)  : i32 {
      %add3A_209 = arith.constant 1 : i32
      %add3A_210 = arith.addi %scan3A_207, %add3A_209 : i32
      %lt3A = arith.constant 158 : i32
      %lt3A_211 = arith.cmpi slt, %add3A_210, %lt3A : i32
      %convert_element_type3A = arith.extui %lt3A_211 : i1 to i32
      %cond3A = arith.constant 0 : i32
      %cond3A_212 = arith.cmpi ne, %convert_element_type3A, %cond3A : i32
      scf.if %cond3A_212 {
        %add3A_263 = arith.constant 1 : i32
        %add3A_264 = arith.addi %scan3A_207, %add3A_263 : i32
        %rem3A_265 = arith.constant 4 : i32
        %rem3A_266 = arith.remsi %add3A_264, %rem3A_265 : i32
        %dma_wait3A_267 = arith.constant 0 : i32
        %dma_wait3A_268 = tpu.memref_slice %arg7[%rem3A_266, %dma_wait3A_267] : memref<4x128xi32, #tpu.memory_space<vmem>> -> memref<1x128xi32, #tpu.memory_space<vmem>>
        %dma_wait3A_269 = tpu.memref_squeeze %dma_wait3A_268 : memref<1x128xi32, #tpu.memory_space<vmem>> -> memref<128xi32, #tpu.memory_space<vmem>>
        %dma_wait3A_270 = arith.constant 0 : i32
        %dma_wait3A_271 = tpu.memref_slice %arg3[%dma_wait3A_270] : memref<323584xi32, #tpu.memory_space<hbm>> -> memref<128xi32, #tpu.memory_space<hbm>>
        %dma_wait3A_272 = tpu.memref_slice %arg15[%rem3A_266] : memref<4x!tpu.dma_semaphore, #tpu.memory_space<semaphore_mem>> -> memref<1x!tpu.dma_semaphore, #tpu.memory_space<semaphore_mem>>
        %dma_wait3A_273 = tpu.memref_squeeze %dma_wait3A_272 : memref<1x!tpu.dma_semaphore, #tpu.memory_space<semaphore_mem>> -> memref<!tpu.dma_semaphore, #tpu.memory_space<semaphore_mem>>
        %dma_wait3A_274 = arith.constant 0 : i32
        %dma_wait3A_275 = tpu.memref_slice %arg7[%rem3A_266, %dma_wait3A_274] : memref<4x128xi32, #tpu.memory_space<vmem>> -> memref<1x128xi32, #tpu.memory_space<vmem>>
        %dma_wait3A_276 = tpu.memref_squeeze %dma_wait3A_275 : memref<1x128xi32, #tpu.memory_space<vmem>> -> memref<128xi32, #tpu.memory_space<vmem>>
        %dma_wait3A_277 = arith.constant 0 : i32
        %dma_wait3A_278 = tpu.memref_slice %arg3[%dma_wait3A_277] : memref<323584xi32, #tpu.memory_space<hbm>> -> memref<128xi32, #tpu.memory_space<hbm>>
        tpu.wait_dma2 semaphore(%dma_wait3A_273 : memref<!tpu.dma_semaphore, #tpu.memory_space<semaphore_mem>>) src(%dma_wait3A_278 : memref<128xi32, #tpu.memory_space<hbm>>) dst(%dma_wait3A_276 : memref<128xi32, #tpu.memory_space<vmem>>)
        %dma_wait3A_279 = arith.constant 0 : i32
        %dma_wait3A_280 = tpu.memref_slice %arg8[%rem3A_266, %dma_wait3A_279] : memref<4x128xi32, #tpu.memory_space<vmem>> -> memref<1x128xi32, #tpu.memory_space<vmem>>
        %dma_wait3A_281 = tpu.memref_squeeze %dma_wait3A_280 : memref<1x128xi32, #tpu.memory_space<vmem>> -> memref<128xi32, #tpu.memory_space<vmem>>
        %dma_wait3A_282 = arith.constant 0 : i32
        %dma_wait3A_283 = tpu.memref_slice %arg2[%dma_wait3A_282] : memref<323584xi32, #tpu.memory_space<hbm>> -> memref<128xi32, #tpu.memory_space<hbm>>
        %dma_wait3A_284 = tpu.memref_slice %arg16[%rem3A_266] : memref<4x!tpu.dma_semaphore, #tpu.memory_space<semaphore_mem>> -> memref<1x!tpu.dma_semaphore, #tpu.memory_space<semaphore_mem>>
        %dma_wait3A_285 = tpu.memref_squeeze %dma_wait3A_284 : memref<1x!tpu.dma_semaphore, #tpu.memory_space<semaphore_mem>> -> memref<!tpu.dma_semaphore, #tpu.memory_space<semaphore_mem>>
        %dma_wait3A_286 = arith.constant 0 : i32
        %dma_wait3A_287 = tpu.memref_slice %arg8[%rem3A_266, %dma_wait3A_286] : memref<4x128xi32, #tpu.memory_space<vmem>> -> memref<1x128xi32, #tpu.memory_space<vmem>>
        %dma_wait3A_288 = tpu.memref_squeeze %dma_wait3A_287 : memref<1x128xi32, #tpu.memory_space<vmem>> -> memref<128xi32, #tpu.memory_space<vmem>>
        %dma_wait3A_289 = arith.constant 0 : i32
        %dma_wait3A_290 = tpu.memref_slice %arg2[%dma_wait3A_289] : memref<323584xi32, #tpu.memory_space<hbm>> -> memref<128xi32, #tpu.memory_space<hbm>>
        tpu.wait_dma2 semaphore(%dma_wait3A_285 : memref<!tpu.dma_semaphore, #tpu.memory_space<semaphore_mem>>) src(%dma_wait3A_290 : memref<128xi32, #tpu.memory_space<hbm>>) dst(%dma_wait3A_288 : memref<128xi32, #tpu.memory_space<vmem>>)
        %dma_wait3A_291 = arith.constant 0 : i32
        %dma_wait3A_292 = tpu.memref_slice %arg9[%rem3A_266, %dma_wait3A_291] : memref<4x128xf32, #tpu.memory_space<vmem>> -> memref<1x128xf32, #tpu.memory_space<vmem>>
        %dma_wait3A_293 = tpu.memref_squeeze %dma_wait3A_292 : memref<1x128xf32, #tpu.memory_space<vmem>> -> memref<128xf32, #tpu.memory_space<vmem>>
        %dma_wait3A_294 = arith.constant 0 : i32
        %dma_wait3A_295 = tpu.memref_slice %arg4[%dma_wait3A_294] : memref<323584xf32, #tpu.memory_space<hbm>> -> memref<128xf32, #tpu.memory_space<hbm>>
        %dma_wait3A_296 = tpu.memref_slice %arg17[%rem3A_266] : memref<4x!tpu.dma_semaphore, #tpu.memory_space<semaphore_mem>> -> memref<1x!tpu.dma_semaphore, #tpu.memory_space<semaphore_mem>>
        %dma_wait3A_297 = tpu.memref_squeeze %dma_wait3A_296 : memref<1x!tpu.dma_semaphore, #tpu.memory_space<semaphore_mem>> -> memref<!tpu.dma_semaphore, #tpu.memory_space<semaphore_mem>>
        %dma_wait3A_298 = arith.constant 0 : i32
        %dma_wait3A_299 = tpu.memref_slice %arg9[%rem3A_266, %dma_wait3A_298] : memref<4x128xf32, #tpu.memory_space<vmem>> -> memref<1x128xf32, #tpu.memory_space<vmem>>
        %dma_wait3A_300 = tpu.memref_squeeze %dma_wait3A_299 : memref<1x128xf32, #tpu.memory_space<vmem>> -> memref<128xf32, #tpu.memory_space<vmem>>
        %dma_wait3A_301 = arith.constant 0 : i32
        %dma_wait3A_302 = tpu.memref_slice %arg4[%dma_wait3A_301] : memref<323584xf32, #tpu.memory_space<hbm>> -> memref<128xf32, #tpu.memory_space<hbm>>
        tpu.wait_dma2 semaphore(%dma_wait3A_297 : memref<!tpu.dma_semaphore, #tpu.memory_space<semaphore_mem>>) src(%dma_wait3A_302 : memref<128xf32, #tpu.memory_space<hbm>>) dst(%dma_wait3A_300 : memref<128xf32, #tpu.memory_space<vmem>>)
        %ge3A = arith.constant 1 : i32
        %ge3A_303 = arith.cmpi sge, %scan3A_207, %ge3A : i32
        %convert_element_type3A_304 = arith.extui %ge3A_303 : i1 to i32
        %cond3A_305 = arith.constant 0 : i32
        %cond3A_306 = arith.cmpi ne, %convert_element_type3A_304, %cond3A_305 : i32
        scf.if %cond3A_306 {
          %sub3A = arith.constant 1 : i32
          %sub3A_329 = arith.subi %scan3A_207, %sub3A : i32
          %rem3A_330 = arith.constant 2 : i32
          %rem3A_331 = arith.remsi %sub3A_329, %rem3A_330 : i32
          %rem3A_332 = arith.constant 4 : i32
          %rem3A_333 = arith.remsi %sub3A_329, %rem3A_332 : i32
          %dma_wait3A_334 = arith.constant 0 : i32
          %dma_wait3A_335 = arith.constant 0 : i32
          %dma_wait3A_336 = tpu.memref_slice %arg11[%rem3A_331, %dma_wait3A_334, %dma_wait3A_335] : memref<2x128x64xf32, #tpu.memory_space<vmem>> -> memref<1x128x64xf32, #tpu.memory_space<vmem>>
          %dma_wait3A_337 = tpu.memref_squeeze %dma_wait3A_336 : memref<1x128x64xf32, #tpu.memory_space<vmem>> -> memref<128x64xf32, #tpu.memory_space<vmem>>
          %dma_wait3A_338 = arith.constant 0 : i32
          %dma_wait3A_339 = tpu.memref_slice %arg8[%rem3A_333, %dma_wait3A_338] : memref<4x128xi32, #tpu.memory_space<vmem>> -> memref<1x128xi32, #tpu.memory_space<vmem>>
          %dma_wait3A_340 = tpu.memref_squeeze %dma_wait3A_339 : memref<1x128xi32, #tpu.memory_space<vmem>> -> memref<128xi32, #tpu.memory_space<vmem>>
          %dma_wait3A_341 = arith.constant 0 : i32
          %dma_wait3A_342 = arith.constant 0 : i32
          %dma_wait3A_343 = tpu.memref_slice %arg12[%dma_wait3A_341, %dma_wait3A_342] : memref<10240x64xf32, #tpu.memory_space<vmem_shared>> -> memref<10240x64xf32, #tpu.memory_space<vmem_shared>>
          %dma_wait3A_344 = tpu.memref_slice %arg14[%rem3A_331] : memref<2x!tpu.dma_semaphore, #tpu.memory_space<semaphore_mem>> -> memref<1x!tpu.dma_semaphore, #tpu.memory_space<semaphore_mem>>
          %dma_wait3A_345 = tpu.memref_squeeze %dma_wait3A_344 : memref<1x!tpu.dma_semaphore, #tpu.memory_space<semaphore_mem>> -> memref<!tpu.dma_semaphore, #tpu.memory_space<semaphore_mem>>
          tpu.wait_indirect_dma semaphore(%dma_wait3A_345 : memref<!tpu.dma_semaphore, #tpu.memory_space<semaphore_mem>>) src(%dma_wait3A_337 : memref<128x64xf32, #tpu.memory_space<vmem>>) dst(%dma_wait3A_343 : memref<10240x64xf32, #tpu.memory_space<vmem_shared>>)
        } else {
        }
        %add3A_307 = arith.constant 1 : i32
        %add3A_308 = arith.addi %scan3A_207, %add3A_307 : i32
        %rem3A_309 = arith.constant 2 : i32
        %rem3A_310 = arith.remsi %add3A_308, %rem3A_309 : i32
        %rem3A_311 = arith.constant 4 : i32
        %rem3A_312 = arith.remsi %add3A_308, %rem3A_311 : i32
        %dma_start3A_313 = arith.constant 0 : i32
        %dma_start3A_314 = arith.constant 0 : i32
        %dma_start3A_315 = tpu.memref_slice %arg10[%rem3A_310, %dma_start3A_313, %dma_start3A_314] : memref<2x128x64xf32, #tpu.memory_space<vmem>> -> memref<1x128x64xf32, #tpu.memory_space<vmem>>
        %dma_start3A_316 = tpu.memref_squeeze %dma_start3A_315 : memref<1x128x64xf32, #tpu.memory_space<vmem>> -> memref<128x64xf32, #tpu.memory_space<vmem>>
        %dma_start3A_317 = arith.constant 0 : i32
        %dma_start3A_318 = tpu.memref_slice %arg7[%rem3A_312, %dma_start3A_317] : memref<4x128xi32, #tpu.memory_space<vmem>> -> memref<1x128xi32, #tpu.memory_space<vmem>>
        %dma_start3A_319 = tpu.memref_squeeze %dma_start3A_318 : memref<1x128xi32, #tpu.memory_space<vmem>> -> memref<128xi32, #tpu.memory_space<vmem>>
        %dma_start3A_320 = arith.constant 0 : i32
        %dma_start3A_321 = arith.constant 0 : i32
        %dma_start3A_322 = tpu.memref_slice %arg5[%arg0, %dma_start3A_320, %dma_start3A_321] : memref<2x10000x64xf32, #tpu.memory_space<hbm>> -> memref<1x10000x64xf32, #tpu.memory_space<hbm>>
        %dma_start3A_323 = tpu.memref_squeeze %dma_start3A_322 : memref<1x10000x64xf32, #tpu.memory_space<hbm>> -> memref<10000x64xf32, #tpu.memory_space<hbm>>
        %dma_start3A_324 = arith.constant 0 : i32
        %dma_start3A_325 = arith.constant 0 : i32
        %dma_start3A_326 = tpu.memref_slice %dma_start3A_323[%dma_start3A_324, %dma_start3A_325] : memref<10000x64xf32, #tpu.memory_space<hbm>> -> memref<10000x64xf32, #tpu.memory_space<hbm>>
        %dma_start3A_327 = tpu.memref_slice %arg13[%rem3A_310] : memref<2x!tpu.dma_semaphore, #tpu.memory_space<semaphore_mem>> -> memref<1x!tpu.dma_semaphore, #tpu.memory_space<semaphore_mem>>
        %dma_start3A_328 = tpu.memref_squeeze %dma_start3A_327 : memref<1x!tpu.dma_semaphore, #tpu.memory_space<semaphore_mem>> -> memref<!tpu.dma_semaphore, #tpu.memory_space<semaphore_mem>>
        tpu.enqueue_indirect_dma source(%dma_start3A_326 : memref<10000x64xf32, #tpu.memory_space<hbm>>) target(%dma_start3A_316 : memref<128x64xf32, #tpu.memory_space<vmem>>) offsets(%dma_start3A_319 : memref<128xi32, #tpu.memory_space<vmem>>) semaphore(%dma_start3A_328 : memref<!tpu.dma_semaphore, #tpu.memory_space<semaphore_mem>>)
      } else {
      }
      %rem3A_213 = arith.constant 2 : i32
      %rem3A_214 = arith.remsi %scan3A_207, %rem3A_213 : i32
      %rem3A_215 = arith.constant 4 : i32
      %rem3A_216 = arith.remsi %scan3A_207, %rem3A_215 : i32
      %dma_wait3A_217 = arith.constant 0 : i32
      %dma_wait3A_218 = arith.constant 0 : i32
      %dma_wait3A_219 = tpu.memref_slice %arg10[%rem3A_214, %dma_wait3A_217, %dma_wait3A_218] : memref<2x128x64xf32, #tpu.memory_space<vmem>> -> memref<1x128x64xf32, #tpu.memory_space<vmem>>
      %dma_wait3A_220 = tpu.memref_squeeze %dma_wait3A_219 : memref<1x128x64xf32, #tpu.memory_space<vmem>> -> memref<128x64xf32, #tpu.memory_space<vmem>>
      %dma_wait3A_221 = arith.constant 0 : i32
      %dma_wait3A_222 = tpu.memref_slice %arg7[%rem3A_216, %dma_wait3A_221] : memref<4x128xi32, #tpu.memory_space<vmem>> -> memref<1x128xi32, #tpu.memory_space<vmem>>
      %dma_wait3A_223 = tpu.memref_squeeze %dma_wait3A_222 : memref<1x128xi32, #tpu.memory_space<vmem>> -> memref<128xi32, #tpu.memory_space<vmem>>
      %dma_wait3A_224 = arith.constant 0 : i32
      %dma_wait3A_225 = arith.constant 0 : i32
      %dma_wait3A_226 = tpu.memref_slice %arg5[%arg0, %dma_wait3A_224, %dma_wait3A_225] : memref<2x10000x64xf32, #tpu.memory_space<hbm>> -> memref<1x10000x64xf32, #tpu.memory_space<hbm>>
      %dma_wait3A_227 = tpu.memref_squeeze %dma_wait3A_226 : memref<1x10000x64xf32, #tpu.memory_space<hbm>> -> memref<10000x64xf32, #tpu.memory_space<hbm>>
      %dma_wait3A_228 = arith.constant 0 : i32
      %dma_wait3A_229 = arith.constant 0 : i32
      %dma_wait3A_230 = tpu.memref_slice %dma_wait3A_227[%dma_wait3A_228, %dma_wait3A_229] : memref<10000x64xf32, #tpu.memory_space<hbm>> -> memref<10000x64xf32, #tpu.memory_space<hbm>>
      %dma_wait3A_231 = tpu.memref_slice %arg13[%rem3A_214] : memref<2x!tpu.dma_semaphore, #tpu.memory_space<semaphore_mem>> -> memref<1x!tpu.dma_semaphore, #tpu.memory_space<semaphore_mem>>
      %dma_wait3A_232 = tpu.memref_squeeze %dma_wait3A_231 : memref<1x!tpu.dma_semaphore, #tpu.memory_space<semaphore_mem>> -> memref<!tpu.dma_semaphore, #tpu.memory_space<semaphore_mem>>
      tpu.wait_indirect_dma semaphore(%dma_wait3A_232 : memref<!tpu.dma_semaphore, #tpu.memory_space<semaphore_mem>>) src(%dma_wait3A_230 : memref<10000x64xf32, #tpu.memory_space<hbm>>) dst(%dma_wait3A_220 : memref<128x64xf32, #tpu.memory_space<vmem>>)
      %rem3A_233 = arith.constant 2 : i32
      %rem3A_234 = arith.remsi %scan3A_207, %rem3A_233 : i32
      %rem3A_235 = arith.constant 4 : i32
      %rem3A_236 = arith.remsi %scan3A_207, %rem3A_235 : i32
      %parallel_loop3A = arith.constant 0 : i32
      %parallel_loop3A_237 = arith.constant 8 : i32
      %parallel_loop3A_238 = arith.constant 1 : i32
      scf.for %parallel_loop3A_263 = %parallel_loop3A to %parallel_loop3A_237 step %parallel_loop3A_238  : i32 {
        %parallel_loop3A_264 = arith.constant 16 : i32
        %parallel_loop3A_265 = arith.muli %parallel_loop3A_263, %parallel_loop3A_264 : i32
        %parallel_loop3A_266 = arith.index_cast %rem3A_236 : i32 to index
        %parallel_loop3A_267 = arith.index_cast %parallel_loop3A_265 : i32 to index
        %parallel_loop3A_268 = tpu.vector_load %arg9[%parallel_loop3A_266, %parallel_loop3A_267] {strides = array<i32>} : memref<4x128xf32, #tpu.memory_space<vmem>>, vector<1x16xf32>,
        %parallel_loop3A_269 = vector.shape_cast %parallel_loop3A_268 : vector<1x16xf32> to vector<16xf32>
        %parallel_loop3A_270 = arith.constant 16 : i32
        %parallel_loop3A_271 = arith.muli %parallel_loop3A_263, %parallel_loop3A_270 : i32
        %parallel_loop3A_272 = arith.constant 0 : i32
        %parallel_loop3A_273 = arith.addi %parallel_loop3A_271, %parallel_loop3A_272 : i32
        %parallel_loop3A_274 = arith.constant 0 : i32
        %parallel_loop3A_275 = vector.broadcast %parallel_loop3A_274 : i32 to vector<16x1xi32>
        %parallel_loop3A_276 = vector.shape_cast %parallel_loop3A_275 : vector<16x1xi32> to vector<16xi32>
        %parallel_loop3A_277 = tpu.dynamic_gather %parallel_loop3A_269[%parallel_loop3A_276] in [0] : vector<16xf32>, vector<16xi32> -> vector<16xf32>
        %parallel_loop3A_278 = arith.index_cast %rem3A_234 : i32 to index
        %parallel_loop3A_279 = arith.index_cast %parallel_loop3A_273 : i32 to index
        %parallel_loop3A_280 = arith.constant 0 : index
        %parallel_loop3A_281 = tpu.vector_load %arg10[%parallel_loop3A_278, %parallel_loop3A_279, %parallel_loop3A_280] {strides = array<i32>} : memref<2x128x64xf32, #tpu.memory_space<vmem>>, vector<1x1x16xf32>,
        %parallel_loop3A_282 = vector.shape_cast %parallel_loop3A_281 : vector<1x1x16xf32> to vector<16xf32>
        %parallel_loop3A_283 = arith.mulf %parallel_loop3A_282, %parallel_loop3A_277 : vector<16xf32>
        %parallel_loop3A_284 = arith.index_cast %rem3A_234 : i32 to index
        %parallel_loop3A_285 = arith.index_cast %parallel_loop3A_273 : i32 to index
        %parallel_loop3A_286 = arith.constant 0 : index
        %parallel_loop3A_287 = tpu.vector_load %arg11[%parallel_loop3A_284, %parallel_loop3A_285, %parallel_loop3A_286] {strides = array<i32>} : memref<2x128x64xf32, #tpu.memory_space<vmem>>, vector<1x1x16xf32>,
        %parallel_loop3A_288 = vector.shape_cast %parallel_loop3A_287 : vector<1x1x16xf32> to vector<16xf32>
        %parallel_loop3A_289 = vector.shape_cast %parallel_loop3A_283 : vector<16xf32> to vector<1x1x16xf32>
        tpu.vector_store %arg11[%parallel_loop3A_284, %parallel_loop3A_285, %parallel_loop3A_286], %parallel_loop3A_289 {strides = array<i32>} : memref<2x128x64xf32, #tpu.memory_space<vmem>>, vector<1x1x16xf32>,
        %parallel_loop3A_290 = arith.index_cast %rem3A_234 : i32 to index
        %parallel_loop3A_291 = arith.index_cast %parallel_loop3A_273 : i32 to index
        %parallel_loop3A_292 = arith.constant 16 : index
        %parallel_loop3A_293 = tpu.vector_load %arg10[%parallel_loop3A_290, %parallel_loop3A_291, %parallel_loop3A_292] {strides = array<i32>} : memref<2x128x64xf32, #tpu.memory_space<vmem>>, vector<1x1x16xf32>,
        %parallel_loop3A_294 = vector.shape_cast %parallel_loop3A_293 : vector<1x1x16xf32> to vector<16xf32>
        %parallel_loop3A_295 = arith.mulf %parallel_loop3A_294, %parallel_loop3A_277 : vector<16xf32>
        %parallel_loop3A_296 = arith.index_cast %rem3A_234 : i32 to index
        %parallel_loop3A_297 = arith.index_cast %parallel_loop3A_273 : i32 to index
        %parallel_loop3A_298 = arith.constant 16 : index
        %parallel_loop3A_299 = tpu.vector_load %arg11[%parallel_loop3A_296, %parallel_loop3A_297, %parallel_loop3A_298] {strides = array<i32>} : memref<2x128x64xf32, #tpu.memory_space<vmem>>, vector<1x1x16xf32>,
        %parallel_loop3A_300 = vector.shape_cast %parallel_loop3A_299 : vector<1x1x16xf32> to vector<16xf32>
        %parallel_loop3A_301 = vector.shape_cast %parallel_loop3A_295 : vector<16xf32> to vector<1x1x16xf32>
        tpu.vector_store %arg11[%parallel_loop3A_296, %parallel_loop3A_297, %parallel_loop3A_298], %parallel_loop3A_301 {strides = array<i32>} : memref<2x128x64xf32, #tpu.memory_space<vmem>>, vector<1x1x16xf32>,
        %parallel_loop3A_302 = arith.index_cast %rem3A_234 : i32 to index
        %parallel_loop3A_303 = arith.index_cast %parallel_loop3A_273 : i32 to index
        %parallel_loop3A_304 = arith.constant 32 : index
        %parallel_loop3A_305 = tpu.vector_load %arg10[%parallel_loop3A_302, %parallel_loop3A_303, %parallel_loop3A_304] {strides = array<i32>} : memref<2x128x64xf32, #tpu.memory_space<vmem>>, vector<1x1x16xf32>,
        %parallel_loop3A_306 = vector.shape_cast %parallel_loop3A_305 : vector<1x1x16xf32> to vector<16xf32>
        %parallel_loop3A_307 = arith.mulf %parallel_loop3A_306, %parallel_loop3A_277 : vector<16xf32>
        %parallel_loop3A_308 = arith.index_cast %rem3A_234 : i32 to index
        %parallel_loop3A_309 = arith.index_cast %parallel_loop3A_273 : i32 to index
        %parallel_loop3A_310 = arith.constant 32 : index
        %parallel_loop3A_311 = tpu.vector_load %arg11[%parallel_loop3A_308, %parallel_loop3A_309, %parallel_loop3A_310] {strides = array<i32>} : memref<2x128x64xf32, #tpu.memory_space<vmem>>, vector<1x1x16xf32>,
        %parallel_loop3A_312 = vector.shape_cast %parallel_loop3A_311 : vector<1x1x16xf32> to vector<16xf32>
        %parallel_loop3A_313 = vector.shape_cast %parallel_loop3A_307 : vector<16xf32> to vector<1x1x16xf32>
        tpu.vector_store %arg11[%parallel_loop3A_308, %parallel_loop3A_309, %parallel_loop3A_310], %parallel_loop3A_313 {strides = array<i32>} : memref<2x128x64xf32, #tpu.memory_space<vmem>>, vector<1x1x16xf32>,
        %parallel_loop3A_314 = arith.index_cast %rem3A_234 : i32 to index
        %parallel_loop3A_315 = arith.index_cast %parallel_loop3A_273 : i32 to index
        %parallel_loop3A_316 = arith.constant 48 : index
        %parallel_loop3A_317 = tpu.vector_load %arg10[%parallel_loop3A_314, %parallel_loop3A_315, %parallel_loop3A_316] {strides = array<i32>} : memref<2x128x64xf32, #tpu.memory_space<vmem>>, vector<1x1x16xf32>,
        %parallel_loop3A_318 = vector.shape_cast %parallel_loop3A_317 : vector<1x1x16xf32> to vector<16xf32>
        %parallel_loop3A_319 = arith.mulf %parallel_loop3A_318, %parallel_loop3A_277 : vector<16xf32>
        %parallel_loop3A_320 = arith.index_cast %rem3A_234 : i32 to index
        %parallel_loop3A_321 = arith.index_cast %parallel_loop3A_273 : i32 to index
        %parallel_loop3A_322 = arith.constant 48 : index
        %parallel_loop3A_323 = tpu.vector_load %arg11[%parallel_loop3A_320, %parallel_loop3A_321, %parallel_loop3A_322] {strides = array<i32>} : memref<2x128x64xf32, #tpu.memory_space<vmem>>, vector<1x1x16xf32>,
        %parallel_loop3A_324 = vector.shape_cast %parallel_loop3A_323 : vector<1x1x16xf32> to vector<16xf32>
        %parallel_loop3A_325 = vector.shape_cast %parallel_loop3A_319 : vector<16xf32> to vector<1x1x16xf32>
        tpu.vector_store %arg11[%parallel_loop3A_320, %parallel_loop3A_321, %parallel_loop3A_322], %parallel_loop3A_325 {strides = array<i32>} : memref<2x128x64xf32, #tpu.memory_space<vmem>>, vector<1x1x16xf32>,
        %parallel_loop3A_326 = arith.constant 16 : i32
        %parallel_loop3A_327 = arith.muli %parallel_loop3A_263, %parallel_loop3A_326 : i32
        %parallel_loop3A_328 = arith.constant 1 : i32
        %parallel_loop3A_329 = arith.addi %parallel_loop3A_327, %parallel_loop3A_328 : i32
        %parallel_loop3A_330 = arith.constant 1 : i32
        %parallel_loop3A_331 = vector.broadcast %parallel_loop3A_330 : i32 to vector<16x1xi32>
        %parallel_loop3A_332 = vector.shape_cast %parallel_loop3A_331 : vector<16x1xi32> to vector<16xi32>
        %parallel_loop3A_333 = tpu.dynamic_gather %parallel_loop3A_269[%parallel_loop3A_332] in [0] : vector<16xf32>, vector<16xi32> -> vector<16xf32>
        %parallel_loop3A_334 = arith.index_cast %rem3A_234 : i32 to index
        %parallel_loop3A_335 = arith.index_cast %parallel_loop3A_329 : i32 to index
        %parallel_loop3A_336 = arith.constant 0 : index
        %parallel_loop3A_337 = tpu.vector_load %arg10[%parallel_loop3A_334, %parallel_loop3A_335, %parallel_loop3A_336] {strides = array<i32>} : memref<2x128x64xf32, #tpu.memory_space<vmem>>, vector<1x1x16xf32>,
        %parallel_loop3A_338 = vector.shape_cast %parallel_loop3A_337 : vector<1x1x16xf32> to vector<16xf32>
        %parallel_loop3A_339 = arith.mulf %parallel_loop3A_338, %parallel_loop3A_333 : vector<16xf32>
        %parallel_loop3A_340 = arith.index_cast %rem3A_234 : i32 to index
        %parallel_loop3A_341 = arith.index_cast %parallel_loop3A_329 : i32 to index
        %parallel_loop3A_342 = arith.constant 0 : index
        %parallel_loop3A_343 = tpu.vector_load %arg11[%parallel_loop3A_340, %parallel_loop3A_341, %parallel_loop3A_342] {strides = array<i32>} : memref<2x128x64xf32, #tpu.memory_space<vmem>>, vector<1x1x16xf32>,
        %parallel_loop3A_344 = vector.shape_cast %parallel_loop3A_343 : vector<1x1x16xf32> to vector<16xf32>
        %parallel_loop3A_345 = vector.shape_cast %parallel_loop3A_339 : vector<16xf32> to vector<1x1x16xf32>
        tpu.vector_store %arg11[%parallel_loop3A_340, %parallel_loop3A_341, %parallel_loop3A_342], %parallel_loop3A_345 {strides = array<i32>} : memref<2x128x64xf32, #tpu.memory_space<vmem>>, vector<1x1x16xf32>,
        %parallel_loop3A_346 = arith.index_cast %rem3A_234 : i32 to index
        %parallel_loop3A_347 = arith.index_cast %parallel_loop3A_329 : i32 to index
        %parallel_loop3A_348 = arith.constant 16 : index
        %parallel_loop3A_349 = tpu.vector_load %arg10[%parallel_loop3A_346, %parallel_loop3A_347, %parallel_loop3A_348] {strides = array<i32>} : memref<2x128x64xf32, #tpu.memory_space<vmem>>, vector<1x1x16xf32>,
        %parallel_loop3A_350 = vector.shape_cast %parallel_loop3A_349 : vector<1x1x16xf32> to vector<16xf32>
        %parallel_loop3A_351 = arith.mulf %parallel_loop3A_350, %parallel_loop3A_333 : vector<16xf32>
        %parallel_loop3A_352 = arith.index_cast %rem3A_234 : i32 to index
        %parallel_loop3A_353 = arith.index_cast %parallel_loop3A_329 : i32 to index
        %parallel_loop3A_354 = arith.constant 16 : index
        %parallel_loop3A_355 = tpu.vector_load %arg11[%parallel_loop3A_352, %parallel_loop3A_353, %parallel_loop3A_354] {strides = array<i32>} : memref<2x128x64xf32, #tpu.memory_space<vmem>>, vector<1x1x16xf32>,
        %parallel_loop3A_356 = vector.shape_cast %parallel_loop3A_355 : vector<1x1x16xf32> to vector<16xf32>
        %parallel_loop3A_357 = vector.shape_cast %parallel_loop3A_351 : vector<16xf32> to vector<1x1x16xf32>
        tpu.vector_store %arg11[%parallel_loop3A_352, %parallel_loop3A_353, %parallel_loop3A_354], %parallel_loop3A_357 {strides = array<i32>} : memref<2x128x64xf32, #tpu.memory_space<vmem>>, vector<1x1x16xf32>,
        %parallel_loop3A_358 = arith.index_cast %rem3A_234 : i32 to index
        %parallel_loop3A_359 = arith.index_cast %parallel_loop3A_329 : i32 to index
        %parallel_loop3A_360 = arith.constant 32 : index
        %parallel_loop3A_361 = tpu.vector_load %arg10[%parallel_loop3A_358, %parallel_loop3A_359, %parallel_loop3A_360] {strides = array<i32>} : memref<2x128x64xf32, #tpu.memory_space<vmem>>, vector<1x1x16xf32>,
        %parallel_loop3A_362 = vector.shape_cast %parallel_loop3A_361 : vector<1x1x16xf32> to vector<16xf32>
        %parallel_loop3A_363 = arith.mulf %parallel_loop3A_362, %parallel_loop3A_333 : vector<16xf32>
        %parallel_loop3A_364 = arith.index_cast %rem3A_234 : i32 to index
        %parallel_loop3A_365 = arith.index_cast %parallel_loop3A_329 : i32 to index
        %parallel_loop3A_366 = arith.constant 32 : index
        %parallel_loop3A_367 = tpu.vector_load %arg11[%parallel_loop3A_364, %parallel_loop3A_365, %parallel_loop3A_366] {strides = array<i32>} : memref<2x128x64xf32, #tpu.memory_space<vmem>>, vector<1x1x16xf32>,
        %parallel_loop3A_368 = vector.shape_cast %parallel_loop3A_367 : vector<1x1x16xf32> to vector<16xf32>
        %parallel_loop3A_369 = vector.shape_cast %parallel_loop3A_363 : vector<16xf32> to vector<1x1x16xf32>
        tpu.vector_store %arg11[%parallel_loop3A_364, %parallel_loop3A_365, %parallel_loop3A_366], %parallel_loop3A_369 {strides = array<i32>} : memref<2x128x64xf32, #tpu.memory_space<vmem>>, vector<1x1x16xf32>,
        %parallel_loop3A_370 = arith.index_cast %rem3A_234 : i32 to index
        %parallel_loop3A_371 = arith.index_cast %parallel_loop3A_329 : i32 to index
        %parallel_loop3A_372 = arith.constant 48 : index
        %parallel_loop3A_373 = tpu.vector_load %arg10[%parallel_loop3A_370, %parallel_loop3A_371, %parallel_loop3A_372] {strides = array<i32>} : memref<2x128x64xf32, #tpu.memory_space<vmem>>, vector<1x1x16xf32>,
        %parallel_loop3A_374 = vector.shape_cast %parallel_loop3A_373 : vector<1x1x16xf32> to vector<16xf32>
        %parallel_loop3A_375 = arith.mulf %parallel_loop3A_374, %parallel_loop3A_333 : vector<16xf32>
        %parallel_loop3A_376 = arith.index_cast %rem3A_234 : i32 to index
        %parallel_loop3A_377 = arith.index_cast %parallel_loop3A_329 : i32 to index
        %parallel_loop3A_378 = arith.constant 48 : index
        %parallel_loop3A_379 = tpu.vector_load %arg11[%parallel_loop3A_376, %parallel_loop3A_377, %parallel_loop3A_378] {strides = array<i32>} : memref<2x128x64xf32, #tpu.memory_space<vmem>>, vector<1x1x16xf32>,
        %parallel_loop3A_380 = vector.shape_cast %parallel_loop3A_379 : vector<1x1x16xf32> to vector<16xf32>
        %parallel_loop3A_381 = vector.shape_cast %parallel_loop3A_375 : vector<16xf32> to vector<1x1x16xf32>
        tpu.vector_store %arg11[%parallel_loop3A_376, %parallel_loop3A_377, %parallel_loop3A_378], %parallel_loop3A_381 {strides = array<i32>} : memref<2x128x64xf32, #tpu.memory_space<vmem>>, vector<1x1x16xf32>,
        %parallel_loop3A_382 = arith.constant 16 : i32
        %parallel_loop3A_383 = arith.muli %parallel_loop3A_263, %parallel_loop3A_382 : i32
        %parallel_loop3A_384 = arith.constant 2 : i32
        %parallel_loop3A_385 = arith.addi %parallel_loop3A_383, %parallel_loop3A_384 : i32
        %parallel_loop3A_386 = arith.constant 2 : i32
        %parallel_loop3A_387 = vector.broadcast %parallel_loop3A_386 : i32 to vector<16x1xi32>
        %parallel_loop3A_388 = vector.shape_cast %parallel_loop3A_387 : vector<16x1xi32> to vector<16xi32>
        %parallel_loop3A_389 = tpu.dynamic_gather %parallel_loop3A_269[%parallel_loop3A_388] in [0] : vector<16xf32>, vector<16xi32> -> vector<16xf32>
        %parallel_loop3A_390 = arith.index_cast %rem3A_234 : i32 to index
        %parallel_loop3A_391 = arith.index_cast %parallel_loop3A_385 : i32 to index
        %parallel_loop3A_392 = arith.constant 0 : index
        %parallel_loop3A_393 = tpu.vector_load %arg10[%parallel_loop3A_390, %parallel_loop3A_391, %parallel_loop3A_392] {strides = array<i32>} : memref<2x128x64xf32, #tpu.memory_space<vmem>>, vector<1x1x16xf32>,
        %parallel_loop3A_394 = vector.shape_cast %parallel_loop3A_393 : vector<1x1x16xf32> to vector<16xf32>
        %parallel_loop3A_395 = arith.mulf %parallel_loop3A_394, %parallel_loop3A_389 : vector<16xf32>
        %parallel_loop3A_396 = arith.index_cast %rem3A_234 : i32 to index
        %parallel_loop3A_397 = arith.index_cast %parallel_loop3A_385 : i32 to index
        %parallel_loop3A_398 = arith.constant 0 : index
        %parallel_loop3A_399 = tpu.vector_load %arg11[%parallel_loop3A_396, %parallel_loop3A_397, %parallel_loop3A_398] {strides = array<i32>} : memref<2x128x64xf32, #tpu.memory_space<vmem>>, vector<1x1x16xf32>,
        %parallel_loop3A_400 = vector.shape_cast %parallel_loop3A_399 : vector<1x1x16xf32> to vector<16xf32>
        %parallel_loop3A_401 = vector.shape_cast %parallel_loop3A_395 : vector<16xf32> to vector<1x1x16xf32>
        tpu.vector_store %arg11[%parallel_loop3A_396, %parallel_loop3A_397, %parallel_loop3A_398], %parallel_loop3A_401 {strides = array<i32>} : memref<2x128x64xf32, #tpu.memory_space<vmem>>, vector<1x1x16xf32>,
        %parallel_loop3A_402 = arith.index_cast %rem3A_234 : i32 to index
        %parallel_loop3A_403 = arith.index_cast %parallel_loop3A_385 : i32 to index
        %parallel_loop3A_404 = arith.constant 16 : index
        %parallel_loop3A_405 = tpu.vector_load %arg10[%parallel_loop3A_402, %parallel_loop3A_403, %parallel_loop3A_404] {strides = array<i32>} : memref<2x128x64xf32, #tpu.memory_space<vmem>>, vector<1x1x16xf32>,
        %parallel_loop3A_406 = vector.shape_cast %parallel_loop3A_405 : vector<1x1x16xf32> to vector<16xf32>
        %parallel_loop3A_407 = arith.mulf %parallel_loop3A_406, %parallel_loop3A_389 : vector<16xf32>
        %parallel_loop3A_408 = arith.index_cast %rem3A_234 : i32 to index
        %parallel_loop3A_409 = arith.index_cast %parallel_loop3A_385 : i32 to index
        %parallel_loop3A_410 = arith.constant 16 : index
        %parallel_loop3A_411 = tpu.vector_load %arg11[%parallel_loop3A_408, %parallel_loop3A_409, %parallel_loop3A_410] {strides = array<i32>} : memref<2x128x64xf32, #tpu.memory_space<vmem>>, vector<1x1x16xf32>,
        %parallel_loop3A_412 = vector.shape_cast %parallel_loop3A_411 : vector<1x1x16xf32> to vector<16xf32>
        %parallel_loop3A_413 = vector.shape_cast %parallel_loop3A_407 : vector<16xf32> to vector<1x1x16xf32>
        tpu.vector_store %arg11[%parallel_loop3A_408, %parallel_loop3A_409, %parallel_loop3A_410], %parallel_loop3A_413 {strides = array<i32>} : memref<2x128x64xf32, #tpu.memory_space<vmem>>, vector<1x1x16xf32>,
        %parallel_loop3A_414 = arith.index_cast %rem3A_234 : i32 to index
        %parallel_loop3A_415 = arith.index_cast %parallel_loop3A_385 : i32 to index
        %parallel_loop3A_416 = arith.constant 32 : index
        %parallel_loop3A_417 = tpu.vector_load %arg10[%parallel_loop3A_414, %parallel_loop3A_415, %parallel_loop3A_416] {strides = array<i32>} : memref<2x128x64xf32, #tpu.memory_space<vmem>>, vector<1x1x16xf32>,
        %parallel_loop3A_418 = vector.shape_cast %parallel_loop3A_417 : vector<1x1x16xf32> to vector<16xf32>
        %parallel_loop3A_419 = arith.mulf %parallel_loop3A_418, %parallel_loop3A_389 : vector<16xf32>
        %parallel_loop3A_420 = arith.index_cast %rem3A_234 : i32 to index
        %parallel_loop3A_421 = arith.index_cast %parallel_loop3A_385 : i32 to index
        %parallel_loop3A_422 = arith.constant 32 : index
        %parallel_loop3A_423 = tpu.vector_load %arg11[%parallel_loop3A_420, %parallel_loop3A_421, %parallel_loop3A_422] {strides = array<i32>} : memref<2x128x64xf32, #tpu.memory_space<vmem>>, vector<1x1x16xf32>,
        %parallel_loop3A_424 = vector.shape_cast %parallel_loop3A_423 : vector<1x1x16xf32> to vector<16xf32>
        %parallel_loop3A_425 = vector.shape_cast %parallel_loop3A_419 : vector<16xf32> to vector<1x1x16xf32>
        tpu.vector_store %arg11[%parallel_loop3A_420, %parallel_loop3A_421, %parallel_loop3A_422], %parallel_loop3A_425 {strides = array<i32>} : memref<2x128x64xf32, #tpu.memory_space<vmem>>, vector<1x1x16xf32>,
        %parallel_loop3A_426 = arith.index_cast %rem3A_234 : i32 to index
        %parallel_loop3A_427 = arith.index_cast %parallel_loop3A_385 : i32 to index
        %parallel_loop3A_428 = arith.constant 48 : index
        %parallel_loop3A_429 = tpu.vector_load %arg10[%parallel_loop3A_426, %parallel_loop3A_427, %parallel_loop3A_428] {strides = array<i32>} : memref<2x128x64xf32, #tpu.memory_space<vmem>>, vector<1x1x16xf32>,
        %parallel_loop3A_430 = vector.shape_cast %parallel_loop3A_429 : vector<1x1x16xf32> to vector<16xf32>
        %parallel_loop3A_431 = arith.mulf %parallel_loop3A_430, %parallel_loop3A_389 : vector<16xf32>
        %parallel_loop3A_432 = arith.index_cast %rem3A_234 : i32 to index
        %parallel_loop3A_433 = arith.index_cast %parallel_loop3A_385 : i32 to index
        %parallel_loop3A_434 = arith.constant 48 : index
        %parallel_loop3A_435 = tpu.vector_load %arg11[%parallel_loop3A_432, %parallel_loop3A_433, %parallel_loop3A_434] {strides = array<i32>} : memref<2x128x64xf32, #tpu.memory_space<vmem>>, vector<1x1x16xf32>,
        %parallel_loop3A_436 = vector.shape_cast %parallel_loop3A_435 : vector<1x1x16xf32> to vector<16xf32>
        %parallel_loop3A_437 = vector.shape_cast %parallel_loop3A_431 : vector<16xf32> to vector<1x1x16xf32>
        tpu.vector_store %arg11[%parallel_loop3A_432, %parallel_loop3A_433, %parallel_loop3A_434], %parallel_loop3A_437 {strides = array<i32>} : memref<2x128x64xf32, #tpu.memory_space<vmem>>, vector<1x1x16xf32>,
        %parallel_loop3A_438 = arith.constant 16 : i32
        %parallel_loop3A_439 = arith.muli %parallel_loop3A_263, %parallel_loop3A_438 : i32
        %parallel_loop3A_440 = arith.constant 3 : i32
        %parallel_loop3A_441 = arith.addi %parallel_loop3A_439, %parallel_loop3A_440 : i32
        %parallel_loop3A_442 = arith.constant 3 : i32
        %parallel_loop3A_443 = vector.broadcast %parallel_loop3A_442 : i32 to vector<16x1xi32>
        %parallel_loop3A_444 = vector.shape_cast %parallel_loop3A_443 : vector<16x1xi32> to vector<16xi32>
        %parallel_loop3A_445 = tpu.dynamic_gather %parallel_loop3A_269[%parallel_loop3A_444] in [0] : vector<16xf32>, vector<16xi32> -> vector<16xf32>
        %parallel_loop3A_446 = arith.index_cast %rem3A_234 : i32 to index
        %parallel_loop3A_447 = arith.index_cast %parallel_loop3A_441 : i32 to index
        %parallel_loop3A_448 = arith.constant 0 : index
        %parallel_loop3A_449 = tpu.vector_load %arg10[%parallel_loop3A_446, %parallel_loop3A_447, %parallel_loop3A_448] {strides = array<i32>} : memref<2x128x64xf32, #tpu.memory_space<vmem>>, vector<1x1x16xf32>,
        %parallel_loop3A_450 = vector.shape_cast %parallel_loop3A_449 : vector<1x1x16xf32> to vector<16xf32>
        %parallel_loop3A_451 = arith.mulf %parallel_loop3A_450, %parallel_loop3A_445 : vector<16xf32>
        %parallel_loop3A_452 = arith.index_cast %rem3A_234 : i32 to index
        %parallel_loop3A_453 = arith.index_cast %parallel_loop3A_441 : i32 to index
        %parallel_loop3A_454 = arith.constant 0 : index
        %parallel_loop3A_455 = tpu.vector_load %arg11[%parallel_loop3A_452, %parallel_loop3A_453, %parallel_loop3A_454] {strides = array<i32>} : memref<2x128x64xf32, #tpu.memory_space<vmem>>, vector<1x1x16xf32>,
        %parallel_loop3A_456 = vector.shape_cast %parallel_loop3A_455 : vector<1x1x16xf32> to vector<16xf32>
        %parallel_loop3A_457 = vector.shape_cast %parallel_loop3A_451 : vector<16xf32> to vector<1x1x16xf32>
        tpu.vector_store %arg11[%parallel_loop3A_452, %parallel_loop3A_453, %parallel_loop3A_454], %parallel_loop3A_457 {strides = array<i32>} : memref<2x128x64xf32, #tpu.memory_space<vmem>>, vector<1x1x16xf32>,
        %parallel_loop3A_458 = arith.index_cast %rem3A_234 : i32 to index
        %parallel_loop3A_459 = arith.index_cast %parallel_loop3A_441 : i32 to index
        %parallel_loop3A_460 = arith.constant 16 : index
        %parallel_loop3A_461 = tpu.vector_load %arg10[%parallel_loop3A_458, %parallel_loop3A_459, %parallel_loop3A_460] {strides = array<i32>} : memref<2x128x64xf32, #tpu.memory_space<vmem>>, vector<1x1x16xf32>,
        %parallel_loop3A_462 = vector.shape_cast %parallel_loop3A_461 : vector<1x1x16xf32> to vector<16xf32>
        %parallel_loop3A_463 = arith.mulf %parallel_loop3A_462, %parallel_loop3A_445 : vector<16xf32>
        %parallel_loop3A_464 = arith.index_cast %rem3A_234 : i32 to index
        %parallel_loop3A_465 = arith.index_cast %parallel_loop3A_441 : i32 to index
        %parallel_loop3A_466 = arith.constant 16 : index
        %parallel_loop3A_467 = tpu.vector_load %arg11[%parallel_loop3A_464, %parallel_loop3A_465, %parallel_loop3A_466] {strides = array<i32>} : memref<2x128x64xf32, #tpu.memory_space<vmem>>, vector<1x1x16xf32>,
        %parallel_loop3A_468 = vector.shape_cast %parallel_loop3A_467 : vector<1x1x16xf32> to vector<16xf32>
        %parallel_loop3A_469 = vector.shape_cast %parallel_loop3A_463 : vector<16xf32> to vector<1x1x16xf32>
        tpu.vector_store %arg11[%parallel_loop3A_464, %parallel_loop3A_465, %parallel_loop3A_466], %parallel_loop3A_469 {strides = array<i32>} : memref<2x128x64xf32, #tpu.memory_space<vmem>>, vector<1x1x16xf32>,
        %parallel_loop3A_470 = arith.index_cast %rem3A_234 : i32 to index
        %parallel_loop3A_471 = arith.index_cast %parallel_loop3A_441 : i32 to index
        %parallel_loop3A_472 = arith.constant 32 : index
        %parallel_loop3A_473 = tpu.vector_load %arg10[%parallel_loop3A_470, %parallel_loop3A_471, %parallel_loop3A_472] {strides = array<i32>} : memref<2x128x64xf32, #tpu.memory_space<vmem>>, vector<1x1x16xf32>,
        %parallel_loop3A_474 = vector.shape_cast %parallel_loop3A_473 : vector<1x1x16xf32> to vector<16xf32>
        %parallel_loop3A_475 = arith.mulf %parallel_loop3A_474, %parallel_loop3A_445 : vector<16xf32>
        %parallel_loop3A_476 = arith.index_cast %rem3A_234 : i32 to index
        %parallel_loop3A_477 = arith.index_cast %parallel_loop3A_441 : i32 to index
        %parallel_loop3A_478 = arith.constant 32 : index
        %parallel_loop3A_479 = tpu.vector_load %arg11[%parallel_loop3A_476, %parallel_loop3A_477, %parallel_loop3A_478] {strides = array<i32>} : memref<2x128x64xf32, #tpu.memory_space<vmem>>, vector<1x1x16xf32>,
        %parallel_loop3A_480 = vector.shape_cast %parallel_loop3A_479 : vector<1x1x16xf32> to vector<16xf32>
        %parallel_loop3A_481 = vector.shape_cast %parallel_loop3A_475 : vector<16xf32> to vector<1x1x16xf32>
        tpu.vector_store %arg11[%parallel_loop3A_476, %parallel_loop3A_477, %parallel_loop3A_478], %parallel_loop3A_481 {strides = array<i32>} : memref<2x128x64xf32, #tpu.memory_space<vmem>>, vector<1x1x16xf32>,
        %parallel_loop3A_482 = arith.index_cast %rem3A_234 : i32 to index
        %parallel_loop3A_483 = arith.index_cast %parallel_loop3A_441 : i32 to index
        %parallel_loop3A_484 = arith.constant 48 : index
        %parallel_loop3A_485 = tpu.vector_load %arg10[%parallel_loop3A_482, %parallel_loop3A_483, %parallel_loop3A_484] {strides = array<i32>} : memref<2x128x64xf32, #tpu.memory_space<vmem>>, vector<1x1x16xf32>,
        %parallel_loop3A_486 = vector.shape_cast %parallel_loop3A_485 : vector<1x1x16xf32> to vector<16xf32>
        %parallel_loop3A_487 = arith.mulf %parallel_loop3A_486, %parallel_loop3A_445 : vector<16xf32>
        %parallel_loop3A_488 = arith.index_cast %rem3A_234 : i32 to index
        %parallel_loop3A_489 = arith.index_cast %parallel_loop3A_441 : i32 to index
        %parallel_loop3A_490 = arith.constant 48 : index
        %parallel_loop3A_491 = tpu.vector_load %arg11[%parallel_loop3A_488, %parallel_loop3A_489, %parallel_loop3A_490] {strides = array<i32>} : memref<2x128x64xf32, #tpu.memory_space<vmem>>, vector<1x1x16xf32>,
        %parallel_loop3A_492 = vector.shape_cast %parallel_loop3A_491 : vector<1x1x16xf32> to vector<16xf32>
        %parallel_loop3A_493 = vector.shape_cast %parallel_loop3A_487 : vector<16xf32> to vector<1x1x16xf32>
        tpu.vector_store %arg11[%parallel_loop3A_488, %parallel_loop3A_489, %parallel_loop3A_490], %parallel_loop3A_493 {strides = array<i32>} : memref<2x128x64xf32, #tpu.memory_space<vmem>>, vector<1x1x16xf32>,
        %parallel_loop3A_494 = arith.constant 16 : i32
        %parallel_loop3A_495 = arith.muli %parallel_loop3A_263, %parallel_loop3A_494 : i32
        %parallel_loop3A_496 = arith.constant 4 : i32
        %parallel_loop3A_497 = arith.addi %parallel_loop3A_495, %parallel_loop3A_496 : i32
        %parallel_loop3A_498 = arith.constant 4 : i32
        %parallel_loop3A_499 = vector.broadcast %parallel_loop3A_498 : i32 to vector<16x1xi32>
        %parallel_loop3A_500 = vector.shape_cast %parallel_loop3A_499 : vector<16x1xi32> to vector<16xi32>
        %parallel_loop3A_501 = tpu.dynamic_gather %parallel_loop3A_269[%parallel_loop3A_500] in [0] : vector<16xf32>, vector<16xi32> -> vector<16xf32>
        %parallel_loop3A_502 = arith.index_cast %rem3A_234 : i32 to index
        %parallel_loop3A_503 = arith.index_cast %parallel_loop3A_497 : i32 to index
        %parallel_loop3A_504 = arith.constant 0 : index
        %parallel_loop3A_505 = tpu.vector_load %arg10[%parallel_loop3A_502, %parallel_loop3A_503, %parallel_loop3A_504] {strides = array<i32>} : memref<2x128x64xf32, #tpu.memory_space<vmem>>, vector<1x1x16xf32>,
        %parallel_loop3A_506 = vector.shape_cast %parallel_loop3A_505 : vector<1x1x16xf32> to vector<16xf32>
        %parallel_loop3A_507 = arith.mulf %parallel_loop3A_506, %parallel_loop3A_501 : vector<16xf32>
        %parallel_loop3A_508 = arith.index_cast %rem3A_234 : i32 to index
        %parallel_loop3A_509 = arith.index_cast %parallel_loop3A_497 : i32 to index
        %parallel_loop3A_510 = arith.constant 0 : index
        %parallel_loop3A_511 = tpu.vector_load %arg11[%parallel_loop3A_508, %parallel_loop3A_509, %parallel_loop3A_510] {strides = array<i32>} : memref<2x128x64xf32, #tpu.memory_space<vmem>>, vector<1x1x16xf32>,
        %parallel_loop3A_512 = vector.shape_cast %parallel_loop3A_511 : vector<1x1x16xf32> to vector<16xf32>
        %parallel_loop3A_513 = vector.shape_cast %parallel_loop3A_507 : vector<16xf32> to vector<1x1x16xf32>
        tpu.vector_store %arg11[%parallel_loop3A_508, %parallel_loop3A_509, %parallel_loop3A_510], %parallel_loop3A_513 {strides = array<i32>} : memref<2x128x64xf32, #tpu.memory_space<vmem>>, vector<1x1x16xf32>,
        %parallel_loop3A_514 = arith.index_cast %rem3A_234 : i32 to index
        %parallel_loop3A_515 = arith.index_cast %parallel_loop3A_497 : i32 to index
        %parallel_loop3A_516 = arith.constant 16 : index
        %parallel_loop3A_517 = tpu.vector_load %arg10[%parallel_loop3A_514, %parallel_loop3A_515, %parallel_loop3A_516] {strides = array<i32>} : memref<2x128x64xf32, #tpu.memory_space<vmem>>, vector<1x1x16xf32>,
        %parallel_loop3A_518 = vector.shape_cast %parallel_loop3A_517 : vector<1x1x16xf32> to vector<16xf32>
        %parallel_loop3A_519 = arith.mulf %parallel_loop3A_518, %parallel_loop3A_501 : vector<16xf32>
        %parallel_loop3A_520 = arith.index_cast %rem3A_234 : i32 to index
        %parallel_loop3A_521 = arith.index_cast %parallel_loop3A_497 : i32 to index
        %parallel_loop3A_522 = arith.constant 16 : index
        %parallel_loop3A_523 = tpu.vector_load %arg11[%parallel_loop3A_520, %parallel_loop3A_521, %parallel_loop3A_522] {strides = array<i32>} : memref<2x128x64xf32, #tpu.memory_space<vmem>>, vector<1x1x16xf32>,
        %parallel_loop3A_524 = vector.shape_cast %parallel_loop3A_523 : vector<1x1x16xf32> to vector<16xf32>
        %parallel_loop3A_525 = vector.shape_cast %parallel_loop3A_519 : vector<16xf32> to vector<1x1x16xf32>
        tpu.vector_store %arg11[%parallel_loop3A_520, %parallel_loop3A_521, %parallel_loop3A_522], %parallel_loop3A_525 {strides = array<i32>} : memref<2x128x64xf32, #tpu.memory_space<vmem>>, vector<1x1x16xf32>,
        %parallel_loop3A_526 = arith.index_cast %rem3A_234 : i32 to index
        %parallel_loop3A_527 = arith.index_cast %parallel_loop3A_497 : i32 to index
        %parallel_loop3A_528 = arith.constant 32 : index
        %parallel_loop3A_529 = tpu.vector_load %arg10[%parallel_loop3A_526, %parallel_loop3A_527, %parallel_loop3A_528] {strides = array<i32>} : memref<2x128x64xf32, #tpu.memory_space<vmem>>, vector<1x1x16xf32>,
        %parallel_loop3A_530 = vector.shape_cast %parallel_loop3A_529 : vector<1x1x16xf32> to vector<16xf32>
        %parallel_loop3A_531 = arith.mulf %parallel_loop3A_530, %parallel_loop3A_501 : vector<16xf32>
        %parallel_loop3A_532 = arith.index_cast %rem3A_234 : i32 to index
        %parallel_loop3A_533 = arith.index_cast %parallel_loop3A_497 : i32 to index
        %parallel_loop3A_534 = arith.constant 32 : index
        %parallel_loop3A_535 = tpu.vector_load %arg11[%parallel_loop3A_532, %parallel_loop3A_533, %parallel_loop3A_534] {strides = array<i32>} : memref<2x128x64xf32, #tpu.memory_space<vmem>>, vector<1x1x16xf32>,
        %parallel_loop3A_536 = vector.shape_cast %parallel_loop3A_535 : vector<1x1x16xf32> to vector<16xf32>
        %parallel_loop3A_537 = vector.shape_cast %parallel_loop3A_531 : vector<16xf32> to vector<1x1x16xf32>
        tpu.vector_store %arg11[%parallel_loop3A_532, %parallel_loop3A_533, %parallel_loop3A_534], %parallel_loop3A_537 {strides = array<i32>} : memref<2x128x64xf32, #tpu.memory_space<vmem>>, vector<1x1x16xf32>,
        %parallel_loop3A_538 = arith.index_cast %rem3A_234 : i32 to index
        %parallel_loop3A_539 = arith.index_cast %parallel_loop3A_497 : i32 to index
        %parallel_loop3A_540 = arith.constant 48 : index
        %parallel_loop3A_541 = tpu.vector_load %arg10[%parallel_loop3A_538, %parallel_loop3A_539, %parallel_loop3A_540] {strides = array<i32>} : memref<2x128x64xf32, #tpu.memory_space<vmem>>, vector<1x1x16xf32>,
        %parallel_loop3A_542 = vector.shape_cast %parallel_loop3A_541 : vector<1x1x16xf32> to vector<16xf32>
        %parallel_loop3A_543 = arith.mulf %parallel_loop3A_542, %parallel_loop3A_501 : vector<16xf32>
        %parallel_loop3A_544 = arith.index_cast %rem3A_234 : i32 to index
        %parallel_loop3A_545 = arith.index_cast %parallel_loop3A_497 : i32 to index
        %parallel_loop3A_546 = arith.constant 48 : index
        %parallel_loop3A_547 = tpu.vector_load %arg11[%parallel_loop3A_544, %parallel_loop3A_545, %parallel_loop3A_546] {strides = array<i32>} : memref<2x128x64xf32, #tpu.memory_space<vmem>>, vector<1x1x16xf32>,
        %parallel_loop3A_548 = vector.shape_cast %parallel_loop3A_547 : vector<1x1x16xf32> to vector<16xf32>
        %parallel_loop3A_549 = vector.shape_cast %parallel_loop3A_543 : vector<16xf32> to vector<1x1x16xf32>
        tpu.vector_store %arg11[%parallel_loop3A_544, %parallel_loop3A_545, %parallel_loop3A_546], %parallel_loop3A_549 {strides = array<i32>} : memref<2x128x64xf32, #tpu.memory_space<vmem>>, vector<1x1x16xf32>,
        %parallel_loop3A_550 = arith.constant 16 : i32
        %parallel_loop3A_551 = arith.muli %parallel_loop3A_263, %parallel_loop3A_550 : i32
        %parallel_loop3A_552 = arith.constant 5 : i32
        %parallel_loop3A_553 = arith.addi %parallel_loop3A_551, %parallel_loop3A_552 : i32
        %parallel_loop3A_554 = arith.constant 5 : i32
        %parallel_loop3A_555 = vector.broadcast %parallel_loop3A_554 : i32 to vector<16x1xi32>
        %parallel_loop3A_556 = vector.shape_cast %parallel_loop3A_555 : vector<16x1xi32> to vector<16xi32>
        %parallel_loop3A_557 = tpu.dynamic_gather %parallel_loop3A_269[%parallel_loop3A_556] in [0] : vector<16xf32>, vector<16xi32> -> vector<16xf32>
        %parallel_loop3A_558 = arith.index_cast %rem3A_234 : i32 to index
        %parallel_loop3A_559 = arith.index_cast %parallel_loop3A_553 : i32 to index
        %parallel_loop3A_560 = arith.constant 0 : index
        %parallel_loop3A_561 = tpu.vector_load %arg10[%parallel_loop3A_558, %parallel_loop3A_559, %parallel_loop3A_560] {strides = array<i32>} : memref<2x128x64xf32, #tpu.memory_space<vmem>>, vector<1x1x16xf32>,
        %parallel_loop3A_562 = vector.shape_cast %parallel_loop3A_561 : vector<1x1x16xf32> to vector<16xf32>
        %parallel_loop3A_563 = arith.mulf %parallel_loop3A_562, %parallel_loop3A_557 : vector<16xf32>
        %parallel_loop3A_564 = arith.index_cast %rem3A_234 : i32 to index
        %parallel_loop3A_565 = arith.index_cast %parallel_loop3A_553 : i32 to index
        %parallel_loop3A_566 = arith.constant 0 : index
        %parallel_loop3A_567 = tpu.vector_load %arg11[%parallel_loop3A_564, %parallel_loop3A_565, %parallel_loop3A_566] {strides = array<i32>} : memref<2x128x64xf32, #tpu.memory_space<vmem>>, vector<1x1x16xf32>,
        %parallel_loop3A_568 = vector.shape_cast %parallel_loop3A_567 : vector<1x1x16xf32> to vector<16xf32>
        %parallel_loop3A_569 = vector.shape_cast %parallel_loop3A_563 : vector<16xf32> to vector<1x1x16xf32>
        tpu.vector_store %arg11[%parallel_loop3A_564, %parallel_loop3A_565, %parallel_loop3A_566], %parallel_loop3A_569 {strides = array<i32>} : memref<2x128x64xf32, #tpu.memory_space<vmem>>, vector<1x1x16xf32>,
        %parallel_loop3A_570 = arith.index_cast %rem3A_234 : i32 to index
        %parallel_loop3A_571 = arith.index_cast %parallel_loop3A_553 : i32 to index
        %parallel_loop3A_572 = arith.constant 16 : index
        %parallel_loop3A_573 = tpu.vector_load %arg10[%parallel_loop3A_570, %parallel_loop3A_571, %parallel_loop3A_572] {strides = array<i32>} : memref<2x128x64xf32, #tpu.memory_space<vmem>>, vector<1x1x16xf32>,
        %parallel_loop3A_574 = vector.shape_cast %parallel_loop3A_573 : vector<1x1x16xf32> to vector<16xf32>
        %parallel_loop3A_575 = arith.mulf %parallel_loop3A_574, %parallel_loop3A_557 : vector<16xf32>
        %parallel_loop3A_576 = arith.index_cast %rem3A_234 : i32 to index
        %parallel_loop3A_577 = arith.index_cast %parallel_loop3A_553 : i32 to index
        %parallel_loop3A_578 = arith.constant 16 : index
        %parallel_loop3A_579 = tpu.vector_load %arg11[%parallel_loop3A_576, %parallel_loop3A_577, %parallel_loop3A_578] {strides = array<i32>} : memref<2x128x64xf32, #tpu.memory_space<vmem>>, vector<1x1x16xf32>,
        %parallel_loop3A_580 = vector.shape_cast %parallel_loop3A_579 : vector<1x1x16xf32> to vector<16xf32>
        %parallel_loop3A_581 = vector.shape_cast %parallel_loop3A_575 : vector<16xf32> to vector<1x1x16xf32>
        tpu.vector_store %arg11[%parallel_loop3A_576, %parallel_loop3A_577, %parallel_loop3A_578], %parallel_loop3A_581 {strides = array<i32>} : memref<2x128x64xf32, #tpu.memory_space<vmem>>, vector<1x1x16xf32>,
        %parallel_loop3A_582 = arith.index_cast %rem3A_234 : i32 to index
        %parallel_loop3A_583 = arith.index_cast %parallel_loop3A_553 : i32 to index
        %parallel_loop3A_584 = arith.constant 32 : index
        %parallel_loop3A_585 = tpu.vector_load %arg10[%parallel_loop3A_582, %parallel_loop3A_583, %parallel_loop3A_584] {strides = array<i32>} : memref<2x128x64xf32, #tpu.memory_space<vmem>>, vector<1x1x16xf32>,
        %parallel_loop3A_586 = vector.shape_cast %parallel_loop3A_585 : vector<1x1x16xf32> to vector<16xf32>
        %parallel_loop3A_587 = arith.mulf %parallel_loop3A_586, %parallel_loop3A_557 : vector<16xf32>
        %parallel_loop3A_588 = arith.index_cast %rem3A_234 : i32 to index
        %parallel_loop3A_589 = arith.index_cast %parallel_loop3A_553 : i32 to index
        %parallel_loop3A_590 = arith.constant 32 : index
        %parallel_loop3A_591 = tpu.vector_load %arg11[%parallel_loop3A_588, %parallel_loop3A_589, %parallel_loop3A_590] {strides = array<i32>} : memref<2x128x64xf32, #tpu.memory_space<vmem>>, vector<1x1x16xf32>,
        %parallel_loop3A_592 = vector.shape_cast %parallel_loop3A_591 : vector<1x1x16xf32> to vector<16xf32>
        %parallel_loop3A_593 = vector.shape_cast %parallel_loop3A_587 : vector<16xf32> to vector<1x1x16xf32>
        tpu.vector_store %arg11[%parallel_loop3A_588, %parallel_loop3A_589, %parallel_loop3A_590], %parallel_loop3A_593 {strides = array<i32>} : memref<2x128x64xf32, #tpu.memory_space<vmem>>, vector<1x1x16xf32>,
        %parallel_loop3A_594 = arith.index_cast %rem3A_234 : i32 to index
        %parallel_loop3A_595 = arith.index_cast %parallel_loop3A_553 : i32 to index
        %parallel_loop3A_596 = arith.constant 48 : index
        %parallel_loop3A_597 = tpu.vector_load %arg10[%parallel_loop3A_594, %parallel_loop3A_595, %parallel_loop3A_596] {strides = array<i32>} : memref<2x128x64xf32, #tpu.memory_space<vmem>>, vector<1x1x16xf32>,
        %parallel_loop3A_598 = vector.shape_cast %parallel_loop3A_597 : vector<1x1x16xf32> to vector<16xf32>
        %parallel_loop3A_599 = arith.mulf %parallel_loop3A_598, %parallel_loop3A_557 : vector<16xf32>
        %parallel_loop3A_600 = arith.index_cast %rem3A_234 : i32 to index
        %parallel_loop3A_601 = arith.index_cast %parallel_loop3A_553 : i32 to index
        %parallel_loop3A_602 = arith.constant 48 : index
        %parallel_loop3A_603 = tpu.vector_load %arg11[%parallel_loop3A_600, %parallel_loop3A_601, %parallel_loop3A_602] {strides = array<i32>} : memref<2x128x64xf32, #tpu.memory_space<vmem>>, vector<1x1x16xf32>,
        %parallel_loop3A_604 = vector.shape_cast %parallel_loop3A_603 : vector<1x1x16xf32> to vector<16xf32>
        %parallel_loop3A_605 = vector.shape_cast %parallel_loop3A_599 : vector<16xf32> to vector<1x1x16xf32>
        tpu.vector_store %arg11[%parallel_loop3A_600, %parallel_loop3A_601, %parallel_loop3A_602], %parallel_loop3A_605 {strides = array<i32>} : memref<2x128x64xf32, #tpu.memory_space<vmem>>, vector<1x1x16xf32>,
        %parallel_loop3A_606 = arith.constant 16 : i32
        %parallel_loop3A_607 = arith.muli %parallel_loop3A_263, %parallel_loop3A_606 : i32
        %parallel_loop3A_608 = arith.constant 6 : i32
        %parallel_loop3A_609 = arith.addi %parallel_loop3A_607, %parallel_loop3A_608 : i32
        %parallel_loop3A_610 = arith.constant 6 : i32
        %parallel_loop3A_611 = vector.broadcast %parallel_loop3A_610 : i32 to vector<16x1xi32>
        %parallel_loop3A_612 = vector.shape_cast %parallel_loop3A_611 : vector<16x1xi32> to vector<16xi32>
        %parallel_loop3A_613 = tpu.dynamic_gather %parallel_loop3A_269[%parallel_loop3A_612] in [0] : vector<16xf32>, vector<16xi32> -> vector<16xf32>
        %parallel_loop3A_614 = arith.index_cast %rem3A_234 : i32 to index
        %parallel_loop3A_615 = arith.index_cast %parallel_loop3A_609 : i32 to index
        %parallel_loop3A_616 = arith.constant 0 : index
        %parallel_loop3A_617 = tpu.vector_load %arg10[%parallel_loop3A_614, %parallel_loop3A_615, %parallel_loop3A_616] {strides = array<i32>} : memref<2x128x64xf32, #tpu.memory_space<vmem>>, vector<1x1x16xf32>,
        %parallel_loop3A_618 = vector.shape_cast %parallel_loop3A_617 : vector<1x1x16xf32> to vector<16xf32>
        %parallel_loop3A_619 = arith.mulf %parallel_loop3A_618, %parallel_loop3A_613 : vector<16xf32>
        %parallel_loop3A_620 = arith.index_cast %rem3A_234 : i32 to index
        %parallel_loop3A_621 = arith.index_cast %parallel_loop3A_609 : i32 to index
        %parallel_loop3A_622 = arith.constant 0 : index
        %parallel_loop3A_623 = tpu.vector_load %arg11[%parallel_loop3A_620, %parallel_loop3A_621, %parallel_loop3A_622] {strides = array<i32>} : memref<2x128x64xf32, #tpu.memory_space<vmem>>, vector<1x1x16xf32>,
        %parallel_loop3A_624 = vector.shape_cast %parallel_loop3A_623 : vector<1x1x16xf32> to vector<16xf32>
        %parallel_loop3A_625 = vector.shape_cast %parallel_loop3A_619 : vector<16xf32> to vector<1x1x16xf32>
        tpu.vector_store %arg11[%parallel_loop3A_620, %parallel_loop3A_621, %parallel_loop3A_622], %parallel_loop3A_625 {strides = array<i32>} : memref<2x128x64xf32, #tpu.memory_space<vmem>>, vector<1x1x16xf32>,
        %parallel_loop3A_626 = arith.index_cast %rem3A_234 : i32 to index
        %parallel_loop3A_627 = arith.index_cast %parallel_loop3A_609 : i32 to index
        %parallel_loop3A_628 = arith.constant 16 : index
        %parallel_loop3A_629 = tpu.vector_load %arg10[%parallel_loop3A_626, %parallel_loop3A_627, %parallel_loop3A_628] {strides = array<i32>} : memref<2x128x64xf32, #tpu.memory_space<vmem>>, vector<1x1x16xf32>,
        %parallel_loop3A_630 = vector.shape_cast %parallel_loop3A_629 : vector<1x1x16xf32> to vector<16xf32>
        %parallel_loop3A_631 = arith.mulf %parallel_loop3A_630, %parallel_loop3A_613 : vector<16xf32>
        %parallel_loop3A_632 = arith.index_cast %rem3A_234 : i32 to index
        %parallel_loop3A_633 = arith.index_cast %parallel_loop3A_609 : i32 to index
        %parallel_loop3A_634 = arith.constant 16 : index
        %parallel_loop3A_635 = tpu.vector_load %arg11[%parallel_loop3A_632, %parallel_loop3A_633, %parallel_loop3A_634] {strides = array<i32>} : memref<2x128x64xf32, #tpu.memory_space<vmem>>, vector<1x1x16xf32>,
        %parallel_loop3A_636 = vector.shape_cast %parallel_loop3A_635 : vector<1x1x16xf32> to vector<16xf32>
        %parallel_loop3A_637 = vector.shape_cast %parallel_loop3A_631 : vector<16xf32> to vector<1x1x16xf32>
        tpu.vector_store %arg11[%parallel_loop3A_632, %parallel_loop3A_633, %parallel_loop3A_634], %parallel_loop3A_637 {strides = array<i32>} : memref<2x128x64xf32, #tpu.memory_space<vmem>>, vector<1x1x16xf32>,
        %parallel_loop3A_638 = arith.index_cast %rem3A_234 : i32 to index
        %parallel_loop3A_639 = arith.index_cast %parallel_loop3A_609 : i32 to index
        %parallel_loop3A_640 = arith.constant 32 : index
        %parallel_loop3A_641 = tpu.vector_load %arg10[%parallel_loop3A_638, %parallel_loop3A_639, %parallel_loop3A_640] {strides = array<i32>} : memref<2x128x64xf32, #tpu.memory_space<vmem>>, vector<1x1x16xf32>,
        %parallel_loop3A_642 = vector.shape_cast %parallel_loop3A_641 : vector<1x1x16xf32> to vector<16xf32>
        %parallel_loop3A_643 = arith.mulf %parallel_loop3A_642, %parallel_loop3A_613 : vector<16xf32>
        %parallel_loop3A_644 = arith.index_cast %rem3A_234 : i32 to index
        %parallel_loop3A_645 = arith.index_cast %parallel_loop3A_609 : i32 to index
        %parallel_loop3A_646 = arith.constant 32 : index
        %parallel_loop3A_647 = tpu.vector_load %arg11[%parallel_loop3A_644, %parallel_loop3A_645, %parallel_loop3A_646] {strides = array<i32>} : memref<2x128x64xf32, #tpu.memory_space<vmem>>, vector<1x1x16xf32>,
        %parallel_loop3A_648 = vector.shape_cast %parallel_loop3A_647 : vector<1x1x16xf32> to vector<16xf32>
        %parallel_loop3A_649 = vector.shape_cast %parallel_loop3A_643 : vector<16xf32> to vector<1x1x16xf32>
        tpu.vector_store %arg11[%parallel_loop3A_644, %parallel_loop3A_645, %parallel_loop3A_646], %parallel_loop3A_649 {strides = array<i32>} : memref<2x128x64xf32, #tpu.memory_space<vmem>>, vector<1x1x16xf32>,
        %parallel_loop3A_650 = arith.index_cast %rem3A_234 : i32 to index
        %parallel_loop3A_651 = arith.index_cast %parallel_loop3A_609 : i32 to index
        %parallel_loop3A_652 = arith.constant 48 : index
        %parallel_loop3A_653 = tpu.vector_load %arg10[%parallel_loop3A_650, %parallel_loop3A_651, %parallel_loop3A_652] {strides = array<i32>} : memref<2x128x64xf32, #tpu.memory_space<vmem>>, vector<1x1x16xf32>,
        %parallel_loop3A_654 = vector.shape_cast %parallel_loop3A_653 : vector<1x1x16xf32> to vector<16xf32>
        %parallel_loop3A_655 = arith.mulf %parallel_loop3A_654, %parallel_loop3A_613 : vector<16xf32>
        %parallel_loop3A_656 = arith.index_cast %rem3A_234 : i32 to index
        %parallel_loop3A_657 = arith.index_cast %parallel_loop3A_609 : i32 to index
        %parallel_loop3A_658 = arith.constant 48 : index
        %parallel_loop3A_659 = tpu.vector_load %arg11[%parallel_loop3A_656, %parallel_loop3A_657, %parallel_loop3A_658] {strides = array<i32>} : memref<2x128x64xf32, #tpu.memory_space<vmem>>, vector<1x1x16xf32>,
        %parallel_loop3A_660 = vector.shape_cast %parallel_loop3A_659 : vector<1x1x16xf32> to vector<16xf32>
        %parallel_loop3A_661 = vector.shape_cast %parallel_loop3A_655 : vector<16xf32> to vector<1x1x16xf32>
        tpu.vector_store %arg11[%parallel_loop3A_656, %parallel_loop3A_657, %parallel_loop3A_658], %parallel_loop3A_661 {strides = array<i32>} : memref<2x128x64xf32, #tpu.memory_space<vmem>>, vector<1x1x16xf32>,
        %parallel_loop3A_662 = arith.constant 16 : i32
        %parallel_loop3A_663 = arith.muli %parallel_loop3A_263, %parallel_loop3A_662 : i32
        %parallel_loop3A_664 = arith.constant 7 : i32
        %parallel_loop3A_665 = arith.addi %parallel_loop3A_663, %parallel_loop3A_664 : i32
        %parallel_loop3A_666 = arith.constant 7 : i32
        %parallel_loop3A_667 = vector.broadcast %parallel_loop3A_666 : i32 to vector<16x1xi32>
        %parallel_loop3A_668 = vector.shape_cast %parallel_loop3A_667 : vector<16x1xi32> to vector<16xi32>
        %parallel_loop3A_669 = tpu.dynamic_gather %parallel_loop3A_269[%parallel_loop3A_668] in [0] : vector<16xf32>, vector<16xi32> -> vector<16xf32>
        %parallel_loop3A_670 = arith.index_cast %rem3A_234 : i32 to index
        %parallel_loop3A_671 = arith.index_cast %parallel_loop3A_665 : i32 to index
        %parallel_loop3A_672 = arith.constant 0 : index
        %parallel_loop3A_673 = tpu.vector_load %arg10[%parallel_loop3A_670, %parallel_loop3A_671, %parallel_loop3A_672] {strides = array<i32>} : memref<2x128x64xf32, #tpu.memory_space<vmem>>, vector<1x1x16xf32>,
        %parallel_loop3A_674 = vector.shape_cast %parallel_loop3A_673 : vector<1x1x16xf32> to vector<16xf32>
        %parallel_loop3A_675 = arith.mulf %parallel_loop3A_674, %parallel_loop3A_669 : vector<16xf32>
        %parallel_loop3A_676 = arith.index_cast %rem3A_234 : i32 to index
        %parallel_loop3A_677 = arith.index_cast %parallel_loop3A_665 : i32 to index
        %parallel_loop3A_678 = arith.constant 0 : index
        %parallel_loop3A_679 = tpu.vector_load %arg11[%parallel_loop3A_676, %parallel_loop3A_677, %parallel_loop3A_678] {strides = array<i32>} : memref<2x128x64xf32, #tpu.memory_space<vmem>>, vector<1x1x16xf32>,
        %parallel_loop3A_680 = vector.shape_cast %parallel_loop3A_679 : vector<1x1x16xf32> to vector<16xf32>
        %parallel_loop3A_681 = vector.shape_cast %parallel_loop3A_675 : vector<16xf32> to vector<1x1x16xf32>
        tpu.vector_store %arg11[%parallel_loop3A_676, %parallel_loop3A_677, %parallel_loop3A_678], %parallel_loop3A_681 {strides = array<i32>} : memref<2x128x64xf32, #tpu.memory_space<vmem>>, vector<1x1x16xf32>,
        %parallel_loop3A_682 = arith.index_cast %rem3A_234 : i32 to index
        %parallel_loop3A_683 = arith.index_cast %parallel_loop3A_665 : i32 to index
        %parallel_loop3A_684 = arith.constant 16 : index
        %parallel_loop3A_685 = tpu.vector_load %arg10[%parallel_loop3A_682, %parallel_loop3A_683, %parallel_loop3A_684] {strides = array<i32>} : memref<2x128x64xf32, #tpu.memory_space<vmem>>, vector<1x1x16xf32>,
        %parallel_loop3A_686 = vector.shape_cast %parallel_loop3A_685 : vector<1x1x16xf32> to vector<16xf32>
        %parallel_loop3A_687 = arith.mulf %parallel_loop3A_686, %parallel_loop3A_669 : vector<16xf32>
        %parallel_loop3A_688 = arith.index_cast %rem3A_234 : i32 to index
        %parallel_loop3A_689 = arith.index_cast %parallel_loop3A_665 : i32 to index
        %parallel_loop3A_690 = arith.constant 16 : index
        %parallel_loop3A_691 = tpu.vector_load %arg11[%parallel_loop3A_688, %parallel_loop3A_689, %parallel_loop3A_690] {strides = array<i32>} : memref<2x128x64xf32, #tpu.memory_space<vmem>>, vector<1x1x16xf32>,
        %parallel_loop3A_692 = vector.shape_cast %parallel_loop3A_691 : vector<1x1x16xf32> to vector<16xf32>
        %parallel_loop3A_693 = vector.shape_cast %parallel_loop3A_687 : vector<16xf32> to vector<1x1x16xf32>
        tpu.vector_store %arg11[%parallel_loop3A_688, %parallel_loop3A_689, %parallel_loop3A_690], %parallel_loop3A_693 {strides = array<i32>} : memref<2x128x64xf32, #tpu.memory_space<vmem>>, vector<1x1x16xf32>,
        %parallel_loop3A_694 = arith.index_cast %rem3A_234 : i32 to index
        %parallel_loop3A_695 = arith.index_cast %parallel_loop3A_665 : i32 to index
        %parallel_loop3A_696 = arith.constant 32 : index
        %parallel_loop3A_697 = tpu.vector_load %arg10[%parallel_loop3A_694, %parallel_loop3A_695, %parallel_loop3A_696] {strides = array<i32>} : memref<2x128x64xf32, #tpu.memory_space<vmem>>, vector<1x1x16xf32>,
        %parallel_loop3A_698 = vector.shape_cast %parallel_loop3A_697 : vector<1x1x16xf32> to vector<16xf32>
        %parallel_loop3A_699 = arith.mulf %parallel_loop3A_698, %parallel_loop3A_669 : vector<16xf32>
        %parallel_loop3A_700 = arith.index_cast %rem3A_234 : i32 to index
        %parallel_loop3A_701 = arith.index_cast %parallel_loop3A_665 : i32 to index
        %parallel_loop3A_702 = arith.constant 32 : index
        %parallel_loop3A_703 = tpu.vector_load %arg11[%parallel_loop3A_700, %parallel_loop3A_701, %parallel_loop3A_702] {strides = array<i32>} : memref<2x128x64xf32, #tpu.memory_space<vmem>>, vector<1x1x16xf32>,
        %parallel_loop3A_704 = vector.shape_cast %parallel_loop3A_703 : vector<1x1x16xf32> to vector<16xf32>
        %parallel_loop3A_705 = vector.shape_cast %parallel_loop3A_699 : vector<16xf32> to vector<1x1x16xf32>
        tpu.vector_store %arg11[%parallel_loop3A_700, %parallel_loop3A_701, %parallel_loop3A_702], %parallel_loop3A_705 {strides = array<i32>} : memref<2x128x64xf32, #tpu.memory_space<vmem>>, vector<1x1x16xf32>,
        %parallel_loop3A_706 = arith.index_cast %rem3A_234 : i32 to index
        %parallel_loop3A_707 = arith.index_cast %parallel_loop3A_665 : i32 to index
        %parallel_loop3A_708 = arith.constant 48 : index
        %parallel_loop3A_709 = tpu.vector_load %arg10[%parallel_loop3A_706, %parallel_loop3A_707, %parallel_loop3A_708] {strides = array<i32>} : memref<2x128x64xf32, #tpu.memory_space<vmem>>, vector<1x1x16xf32>,
        %parallel_loop3A_710 = vector.shape_cast %parallel_loop3A_709 : vector<1x1x16xf32> to vector<16xf32>
        %parallel_loop3A_711 = arith.mulf %parallel_loop3A_710, %parallel_loop3A_669 : vector<16xf32>
        %parallel_loop3A_712 = arith.index_cast %rem3A_234 : i32 to index
        %parallel_loop3A_713 = arith.index_cast %parallel_loop3A_665 : i32 to index
        %parallel_loop3A_714 = arith.constant 48 : index
        %parallel_loop3A_715 = tpu.vector_load %arg11[%parallel_loop3A_712, %parallel_loop3A_713, %parallel_loop3A_714] {strides = array<i32>} : memref<2x128x64xf32, #tpu.memory_space<vmem>>, vector<1x1x16xf32>,
        %parallel_loop3A_716 = vector.shape_cast %parallel_loop3A_715 : vector<1x1x16xf32> to vector<16xf32>
        %parallel_loop3A_717 = vector.shape_cast %parallel_loop3A_711 : vector<16xf32> to vector<1x1x16xf32>
        tpu.vector_store %arg11[%parallel_loop3A_712, %parallel_loop3A_713, %parallel_loop3A_714], %parallel_loop3A_717 {strides = array<i32>} : memref<2x128x64xf32, #tpu.memory_space<vmem>>, vector<1x1x16xf32>,
        %parallel_loop3A_718 = arith.constant 16 : i32
        %parallel_loop3A_719 = arith.muli %parallel_loop3A_263, %parallel_loop3A_718 : i32
        %parallel_loop3A_720 = arith.constant 8 : i32
        %parallel_loop3A_721 = arith.addi %parallel_loop3A_719, %parallel_loop3A_720 : i32
        %parallel_loop3A_722 = arith.constant 8 : i32
        %parallel_loop3A_723 = vector.broadcast %parallel_loop3A_722 : i32 to vector<16x1xi32>
        %parallel_loop3A_724 = vector.shape_cast %parallel_loop3A_723 : vector<16x1xi32> to vector<16xi32>
        %parallel_loop3A_725 = tpu.dynamic_gather %parallel_loop3A_269[%parallel_loop3A_724] in [0] : vector<16xf32>, vector<16xi32> -> vector<16xf32>
        %parallel_loop3A_726 = arith.index_cast %rem3A_234 : i32 to index
        %parallel_loop3A_727 = arith.index_cast %parallel_loop3A_721 : i32 to index
        %parallel_loop3A_728 = arith.constant 0 : index
        %parallel_loop3A_729 = tpu.vector_load %arg10[%parallel_loop3A_726, %parallel_loop3A_727, %parallel_loop3A_728] {strides = array<i32>} : memref<2x128x64xf32, #tpu.memory_space<vmem>>, vector<1x1x16xf32>,
        %parallel_loop3A_730 = vector.shape_cast %parallel_loop3A_729 : vector<1x1x16xf32> to vector<16xf32>
        %parallel_loop3A_731 = arith.mulf %parallel_loop3A_730, %parallel_loop3A_725 : vector<16xf32>
        %parallel_loop3A_732 = arith.index_cast %rem3A_234 : i32 to index
        %parallel_loop3A_733 = arith.index_cast %parallel_loop3A_721 : i32 to index
        %parallel_loop3A_734 = arith.constant 0 : index
        %parallel_loop3A_735 = tpu.vector_load %arg11[%parallel_loop3A_732, %parallel_loop3A_733, %parallel_loop3A_734] {strides = array<i32>} : memref<2x128x64xf32, #tpu.memory_space<vmem>>, vector<1x1x16xf32>,
        %parallel_loop3A_736 = vector.shape_cast %parallel_loop3A_735 : vector<1x1x16xf32> to vector<16xf32>
        %parallel_loop3A_737 = vector.shape_cast %parallel_loop3A_731 : vector<16xf32> to vector<1x1x16xf32>
        tpu.vector_store %arg11[%parallel_loop3A_732, %parallel_loop3A_733, %parallel_loop3A_734], %parallel_loop3A_737 {strides = array<i32>} : memref<2x128x64xf32, #tpu.memory_space<vmem>>, vector<1x1x16xf32>,
        %parallel_loop3A_738 = arith.index_cast %rem3A_234 : i32 to index
        %parallel_loop3A_739 = arith.index_cast %parallel_loop3A_721 : i32 to index
        %parallel_loop3A_740 = arith.constant 16 : index
        %parallel_loop3A_741 = tpu.vector_load %arg10[%parallel_loop3A_738, %parallel_loop3A_739, %parallel_loop3A_740] {strides = array<i32>} : memref<2x128x64xf32, #tpu.memory_space<vmem>>, vector<1x1x16xf32>,
        %parallel_loop3A_742 = vector.shape_cast %parallel_loop3A_741 : vector<1x1x16xf32> to vector<16xf32>
        %parallel_loop3A_743 = arith.mulf %parallel_loop3A_742, %parallel_loop3A_725 : vector<16xf32>
        %parallel_loop3A_744 = arith.index_cast %rem3A_234 : i32 to index
        %parallel_loop3A_745 = arith.index_cast %parallel_loop3A_721 : i32 to index
        %parallel_loop3A_746 = arith.constant 16 : index
        %parallel_loop3A_747 = tpu.vector_load %arg11[%parallel_loop3A_744, %parallel_loop3A_745, %parallel_loop3A_746] {strides = array<i32>} : memref<2x128x64xf32, #tpu.memory_space<vmem>>, vector<1x1x16xf32>,
        %parallel_loop3A_748 = vector.shape_cast %parallel_loop3A_747 : vector<1x1x16xf32> to vector<16xf32>
        %parallel_loop3A_749 = vector.shape_cast %parallel_loop3A_743 : vector<16xf32> to vector<1x1x16xf32>
        tpu.vector_store %arg11[%parallel_loop3A_744, %parallel_loop3A_745, %parallel_loop3A_746], %parallel_loop3A_749 {strides = array<i32>} : memref<2x128x64xf32, #tpu.memory_space<vmem>>, vector<1x1x16xf32>,
        %parallel_loop3A_750 = arith.index_cast %rem3A_234 : i32 to index
        %parallel_loop3A_751 = arith.index_cast %parallel_loop3A_721 : i32 to index
        %parallel_loop3A_752 = arith.constant 32 : index
        %parallel_loop3A_753 = tpu.vector_load %arg10[%parallel_loop3A_750, %parallel_loop3A_751, %parallel_loop3A_752] {strides = array<i32>} : memref<2x128x64xf32, #tpu.memory_space<vmem>>, vector<1x1x16xf32>,
        %parallel_loop3A_754 = vector.shape_cast %parallel_loop3A_753 : vector<1x1x16xf32> to vector<16xf32>
        %parallel_loop3A_755 = arith.mulf %parallel_loop3A_754, %parallel_loop3A_725 : vector<16xf32>
        %parallel_loop3A_756 = arith.index_cast %rem3A_234 : i32 to index
        %parallel_loop3A_757 = arith.index_cast %parallel_loop3A_721 : i32 to index
        %parallel_loop3A_758 = arith.constant 32 : index
        %parallel_loop3A_759 = tpu.vector_load %arg11[%parallel_loop3A_756, %parallel_loop3A_757, %parallel_loop3A_758] {strides = array<i32>} : memref<2x128x64xf32, #tpu.memory_space<vmem>>, vector<1x1x16xf32>,
        %parallel_loop3A_760 = vector.shape_cast %parallel_loop3A_759 : vector<1x1x16xf32> to vector<16xf32>
        %parallel_loop3A_761 = vector.shape_cast %parallel_loop3A_755 : vector<16xf32> to vector<1x1x16xf32>
        tpu.vector_store %arg11[%parallel_loop3A_756, %parallel_loop3A_757, %parallel_loop3A_758], %parallel_loop3A_761 {strides = array<i32>} : memref<2x128x64xf32, #tpu.memory_space<vmem>>, vector<1x1x16xf32>,
        %parallel_loop3A_762 = arith.index_cast %rem3A_234 : i32 to index
        %parallel_loop3A_763 = arith.index_cast %parallel_loop3A_721 : i32 to index
        %parallel_loop3A_764 = arith.constant 48 : index
        %parallel_loop3A_765 = tpu.vector_load %arg10[%parallel_loop3A_762, %parallel_loop3A_763, %parallel_loop3A_764] {strides = array<i32>} : memref<2x128x64xf32, #tpu.memory_space<vmem>>, vector<1x1x16xf32>,
        %parallel_loop3A_766 = vector.shape_cast %parallel_loop3A_765 : vector<1x1x16xf32> to vector<16xf32>
        %parallel_loop3A_767 = arith.mulf %parallel_loop3A_766, %parallel_loop3A_725 : vector<16xf32>
        %parallel_loop3A_768 = arith.index_cast %rem3A_234 : i32 to index
        %parallel_loop3A_769 = arith.index_cast %parallel_loop3A_721 : i32 to index
        %parallel_loop3A_770 = arith.constant 48 : index
        %parallel_loop3A_771 = tpu.vector_load %arg11[%parallel_loop3A_768, %parallel_loop3A_769, %parallel_loop3A_770] {strides = array<i32>} : memref<2x128x64xf32, #tpu.memory_space<vmem>>, vector<1x1x16xf32>,
        %parallel_loop3A_772 = vector.shape_cast %parallel_loop3A_771 : vector<1x1x16xf32> to vector<16xf32>
        %parallel_loop3A_773 = vector.shape_cast %parallel_loop3A_767 : vector<16xf32> to vector<1x1x16xf32>
        tpu.vector_store %arg11[%parallel_loop3A_768, %parallel_loop3A_769, %parallel_loop3A_770], %parallel_loop3A_773 {strides = array<i32>} : memref<2x128x64xf32, #tpu.memory_space<vmem>>, vector<1x1x16xf32>,
        %parallel_loop3A_774 = arith.constant 16 : i32
        %parallel_loop3A_775 = arith.muli %parallel_loop3A_263, %parallel_loop3A_774 : i32
        %parallel_loop3A_776 = arith.constant 9 : i32
        %parallel_loop3A_777 = arith.addi %parallel_loop3A_775, %parallel_loop3A_776 : i32
        %parallel_loop3A_778 = arith.constant 9 : i32
        %parallel_loop3A_779 = vector.broadcast %parallel_loop3A_778 : i32 to vector<16x1xi32>
        %parallel_loop3A_780 = vector.shape_cast %parallel_loop3A_779 : vector<16x1xi32> to vector<16xi32>
        %parallel_loop3A_781 = tpu.dynamic_gather %parallel_loop3A_269[%parallel_loop3A_780] in [0] : vector<16xf32>, vector<16xi32> -> vector<16xf32>
        %parallel_loop3A_782 = arith.index_cast %rem3A_234 : i32 to index
        %parallel_loop3A_783 = arith.index_cast %parallel_loop3A_777 : i32 to index
        %parallel_loop3A_784 = arith.constant 0 : index
        %parallel_loop3A_785 = tpu.vector_load %arg10[%parallel_loop3A_782, %parallel_loop3A_783, %parallel_loop3A_784] {strides = array<i32>} : memref<2x128x64xf32, #tpu.memory_space<vmem>>, vector<1x1x16xf32>,
        %parallel_loop3A_786 = vector.shape_cast %parallel_loop3A_785 : vector<1x1x16xf32> to vector<16xf32>
        %parallel_loop3A_787 = arith.mulf %parallel_loop3A_786, %parallel_loop3A_781 : vector<16xf32>
        %parallel_loop3A_788 = arith.index_cast %rem3A_234 : i32 to index
        %parallel_loop3A_789 = arith.index_cast %parallel_loop3A_777 : i32 to index
        %parallel_loop3A_790 = arith.constant 0 : index
        %parallel_loop3A_791 = tpu.vector_load %arg11[%parallel_loop3A_788, %parallel_loop3A_789, %parallel_loop3A_790] {strides = array<i32>} : memref<2x128x64xf32, #tpu.memory_space<vmem>>, vector<1x1x16xf32>,
        %parallel_loop3A_792 = vector.shape_cast %parallel_loop3A_791 : vector<1x1x16xf32> to vector<16xf32>
        %parallel_loop3A_793 = vector.shape_cast %parallel_loop3A_787 : vector<16xf32> to vector<1x1x16xf32>
        tpu.vector_store %arg11[%parallel_loop3A_788, %parallel_loop3A_789, %parallel_loop3A_790], %parallel_loop3A_793 {strides = array<i32>} : memref<2x128x64xf32, #tpu.memory_space<vmem>>, vector<1x1x16xf32>,
        %parallel_loop3A_794 = arith.index_cast %rem3A_234 : i32 to index
        %parallel_loop3A_795 = arith.index_cast %parallel_loop3A_777 : i32 to index
        %parallel_loop3A_796 = arith.constant 16 : index
        %parallel_loop3A_797 = tpu.vector_load %arg10[%parallel_loop3A_794, %parallel_loop3A_795, %parallel_loop3A_796] {strides = array<i32>} : memref<2x128x64xf32, #tpu.memory_space<vmem>>, vector<1x1x16xf32>,
        %parallel_loop3A_798 = vector.shape_cast %parallel_loop3A_797 : vector<1x1x16xf32> to vector<16xf32>
        %parallel_loop3A_799 = arith.mulf %parallel_loop3A_798, %parallel_loop3A_781 : vector<16xf32>
        %parallel_loop3A_800 = arith.index_cast %rem3A_234 : i32 to index
        %parallel_loop3A_801 = arith.index_cast %parallel_loop3A_777 : i32 to index
        %parallel_loop3A_802 = arith.constant 16 : index
        %parallel_loop3A_803 = tpu.vector_load %arg11[%parallel_loop3A_800, %parallel_loop3A_801, %parallel_loop3A_802] {strides = array<i32>} : memref<2x128x64xf32, #tpu.memory_space<vmem>>, vector<1x1x16xf32>,
        %parallel_loop3A_804 = vector.shape_cast %parallel_loop3A_803 : vector<1x1x16xf32> to vector<16xf32>
        %parallel_loop3A_805 = vector.shape_cast %parallel_loop3A_799 : vector<16xf32> to vector<1x1x16xf32>
        tpu.vector_store %arg11[%parallel_loop3A_800, %parallel_loop3A_801, %parallel_loop3A_802], %parallel_loop3A_805 {strides = array<i32>} : memref<2x128x64xf32, #tpu.memory_space<vmem>>, vector<1x1x16xf32>,
        %parallel_loop3A_806 = arith.index_cast %rem3A_234 : i32 to index
        %parallel_loop3A_807 = arith.index_cast %parallel_loop3A_777 : i32 to index
        %parallel_loop3A_808 = arith.constant 32 : index
        %parallel_loop3A_809 = tpu.vector_load %arg10[%parallel_loop3A_806, %parallel_loop3A_807, %parallel_loop3A_808] {strides = array<i32>} : memref<2x128x64xf32, #tpu.memory_space<vmem>>, vector<1x1x16xf32>,
        %parallel_loop3A_810 = vector.shape_cast %parallel_loop3A_809 : vector<1x1x16xf32> to vector<16xf32>
        %parallel_loop3A_811 = arith.mulf %parallel_loop3A_810, %parallel_loop3A_781 : vector<16xf32>
        %parallel_loop3A_812 = arith.index_cast %rem3A_234 : i32 to index
        %parallel_loop3A_813 = arith.index_cast %parallel_loop3A_777 : i32 to index
        %parallel_loop3A_814 = arith.constant 32 : index
        %parallel_loop3A_815 = tpu.vector_load %arg11[%parallel_loop3A_812, %parallel_loop3A_813, %parallel_loop3A_814] {strides = array<i32>} : memref<2x128x64xf32, #tpu.memory_space<vmem>>, vector<1x1x16xf32>,
        %parallel_loop3A_816 = vector.shape_cast %parallel_loop3A_815 : vector<1x1x16xf32> to vector<16xf32>
        %parallel_loop3A_817 = vector.shape_cast %parallel_loop3A_811 : vector<16xf32> to vector<1x1x16xf32>
        tpu.vector_store %arg11[%parallel_loop3A_812, %parallel_loop3A_813, %parallel_loop3A_814], %parallel_loop3A_817 {strides = array<i32>} : memref<2x128x64xf32, #tpu.memory_space<vmem>>, vector<1x1x16xf32>,
        %parallel_loop3A_818 = arith.index_cast %rem3A_234 : i32 to index
        %parallel_loop3A_819 = arith.index_cast %parallel_loop3A_777 : i32 to index
        %parallel_loop3A_820 = arith.constant 48 : index
        %parallel_loop3A_821 = tpu.vector_load %arg10[%parallel_loop3A_818, %parallel_loop3A_819, %parallel_loop3A_820] {strides = array<i32>} : memref<2x128x64xf32, #tpu.memory_space<vmem>>, vector<1x1x16xf32>,
        %parallel_loop3A_822 = vector.shape_cast %parallel_loop3A_821 : vector<1x1x16xf32> to vector<16xf32>
        %parallel_loop3A_823 = arith.mulf %parallel_loop3A_822, %parallel_loop3A_781 : vector<16xf32>
        %parallel_loop3A_824 = arith.index_cast %rem3A_234 : i32 to index
        %parallel_loop3A_825 = arith.index_cast %parallel_loop3A_777 : i32 to index
        %parallel_loop3A_826 = arith.constant 48 : index
        %parallel_loop3A_827 = tpu.vector_load %arg11[%parallel_loop3A_824, %parallel_loop3A_825, %parallel_loop3A_826] {strides = array<i32>} : memref<2x128x64xf32, #tpu.memory_space<vmem>>, vector<1x1x16xf32>,
        %parallel_loop3A_828 = vector.shape_cast %parallel_loop3A_827 : vector<1x1x16xf32> to vector<16xf32>
        %parallel_loop3A_829 = vector.shape_cast %parallel_loop3A_823 : vector<16xf32> to vector<1x1x16xf32>
        tpu.vector_store %arg11[%parallel_loop3A_824, %parallel_loop3A_825, %parallel_loop3A_826], %parallel_loop3A_829 {strides = array<i32>} : memref<2x128x64xf32, #tpu.memory_space<vmem>>, vector<1x1x16xf32>,
        %parallel_loop3A_830 = arith.constant 16 : i32
        %parallel_loop3A_831 = arith.muli %parallel_loop3A_263, %parallel_loop3A_830 : i32
        %parallel_loop3A_832 = arith.constant 10 : i32
        %parallel_loop3A_833 = arith.addi %parallel_loop3A_831, %parallel_loop3A_832 : i32
        %parallel_loop3A_834 = arith.constant 10 : i32
        %parallel_loop3A_835 = vector.broadcast %parallel_loop3A_834 : i32 to vector<16x1xi32>
        %parallel_loop3A_836 = vector.shape_cast %parallel_loop3A_835 : vector<16x1xi32> to vector<16xi32>
        %parallel_loop3A_837 = tpu.dynamic_gather %parallel_loop3A_269[%parallel_loop3A_836] in [0] : vector<16xf32>, vector<16xi32> -> vector<16xf32>
        %parallel_loop3A_838 = arith.index_cast %rem3A_234 : i32 to index
        %parallel_loop3A_839 = arith.index_cast %parallel_loop3A_833 : i32 to index
        %parallel_loop3A_840 = arith.constant 0 : index
        %parallel_loop3A_841 = tpu.vector_load %arg10[%parallel_loop3A_838, %parallel_loop3A_839, %parallel_loop3A_840] {strides = array<i32>} : memref<2x128x64xf32, #tpu.memory_space<vmem>>, vector<1x1x16xf32>,
        %parallel_loop3A_842 = vector.shape_cast %parallel_loop3A_841 : vector<1x1x16xf32> to vector<16xf32>
        %parallel_loop3A_843 = arith.mulf %parallel_loop3A_842, %parallel_loop3A_837 : vector<16xf32>
        %parallel_loop3A_844 = arith.index_cast %rem3A_234 : i32 to index
        %parallel_loop3A_845 = arith.index_cast %parallel_loop3A_833 : i32 to index
        %parallel_loop3A_846 = arith.constant 0 : index
        %parallel_loop3A_847 = tpu.vector_load %arg11[%parallel_loop3A_844, %parallel_loop3A_845, %parallel_loop3A_846] {strides = array<i32>} : memref<2x128x64xf32, #tpu.memory_space<vmem>>, vector<1x1x16xf32>,
        %parallel_loop3A_848 = vector.shape_cast %parallel_loop3A_847 : vector<1x1x16xf32> to vector<16xf32>
        %parallel_loop3A_849 = vector.shape_cast %parallel_loop3A_843 : vector<16xf32> to vector<1x1x16xf32>
        tpu.vector_store %arg11[%parallel_loop3A_844, %parallel_loop3A_845, %parallel_loop3A_846], %parallel_loop3A_849 {strides = array<i32>} : memref<2x128x64xf32, #tpu.memory_space<vmem>>, vector<1x1x16xf32>,
        %parallel_loop3A_850 = arith.index_cast %rem3A_234 : i32 to index
        %parallel_loop3A_851 = arith.index_cast %parallel_loop3A_833 : i32 to index
        %parallel_loop3A_852 = arith.constant 16 : index
        %parallel_loop3A_853 = tpu.vector_load %arg10[%parallel_loop3A_850, %parallel_loop3A_851, %parallel_loop3A_852] {strides = array<i32>} : memref<2x128x64xf32, #tpu.memory_space<vmem>>, vector<1x1x16xf32>,
        %parallel_loop3A_854 = vector.shape_cast %parallel_loop3A_853 : vector<1x1x16xf32> to vector<16xf32>
        %parallel_loop3A_855 = arith.mulf %parallel_loop3A_854, %parallel_loop3A_837 : vector<16xf32>
        %parallel_loop3A_856 = arith.index_cast %rem3A_234 : i32 to index
        %parallel_loop3A_857 = arith.index_cast %parallel_loop3A_833 : i32 to index
        %parallel_loop3A_858 = arith.constant 16 : index
        %parallel_loop3A_859 = tpu.vector_load %arg11[%parallel_loop3A_856, %parallel_loop3A_857, %parallel_loop3A_858] {strides = array<i32>} : memref<2x128x64xf32, #tpu.memory_space<vmem>>, vector<1x1x16xf32>,
        %parallel_loop3A_860 = vector.shape_cast %parallel_loop3A_859 : vector<1x1x16xf32> to vector<16xf32>
        %parallel_loop3A_861 = vector.shape_cast %parallel_loop3A_855 : vector<16xf32> to vector<1x1x16xf32>
        tpu.vector_store %arg11[%parallel_loop3A_856, %parallel_loop3A_857, %parallel_loop3A_858], %parallel_loop3A_861 {strides = array<i32>} : memref<2x128x64xf32, #tpu.memory_space<vmem>>, vector<1x1x16xf32>,
        %parallel_loop3A_862 = arith.index_cast %rem3A_234 : i32 to index
        %parallel_loop3A_863 = arith.index_cast %parallel_loop3A_833 : i32 to index
        %parallel_loop3A_864 = arith.constant 32 : index
        %parallel_loop3A_865 = tpu.vector_load %arg10[%parallel_loop3A_862, %parallel_loop3A_863, %parallel_loop3A_864] {strides = array<i32>} : memref<2x128x64xf32, #tpu.memory_space<vmem>>, vector<1x1x16xf32>,
        %parallel_loop3A_866 = vector.shape_cast %parallel_loop3A_865 : vector<1x1x16xf32> to vector<16xf32>
        %parallel_loop3A_867 = arith.mulf %parallel_loop3A_866, %parallel_loop3A_837 : vector<16xf32>
        %parallel_loop3A_868 = arith.index_cast %rem3A_234 : i32 to index
        %parallel_loop3A_869 = arith.index_cast %parallel_loop3A_833 : i32 to index
        %parallel_loop3A_870 = arith.constant 32 : index
        %parallel_loop3A_871 = tpu.vector_load %arg11[%parallel_loop3A_868, %parallel_loop3A_869, %parallel_loop3A_870] {strides = array<i32>} : memref<2x128x64xf32, #tpu.memory_space<vmem>>, vector<1x1x16xf32>,
        %parallel_loop3A_872 = vector.shape_cast %parallel_loop3A_871 : vector<1x1x16xf32> to vector<16xf32>
        %parallel_loop3A_873 = vector.shape_cast %parallel_loop3A_867 : vector<16xf32> to vector<1x1x16xf32>
        tpu.vector_store %arg11[%parallel_loop3A_868, %parallel_loop3A_869, %parallel_loop3A_870], %parallel_loop3A_873 {strides = array<i32>} : memref<2x128x64xf32, #tpu.memory_space<vmem>>, vector<1x1x16xf32>,
        %parallel_loop3A_874 = arith.index_cast %rem3A_234 : i32 to index
        %parallel_loop3A_875 = arith.index_cast %parallel_loop3A_833 : i32 to index
        %parallel_loop3A_876 = arith.constant 48 : index
        %parallel_loop3A_877 = tpu.vector_load %arg10[%parallel_loop3A_874, %parallel_loop3A_875, %parallel_loop3A_876] {strides = array<i32>} : memref<2x128x64xf32, #tpu.memory_space<vmem>>, vector<1x1x16xf32>,
        %parallel_loop3A_878 = vector.shape_cast %parallel_loop3A_877 : vector<1x1x16xf32> to vector<16xf32>
        %parallel_loop3A_879 = arith.mulf %parallel_loop3A_878, %parallel_loop3A_837 : vector<16xf32>
        %parallel_loop3A_880 = arith.index_cast %rem3A_234 : i32 to index
        %parallel_loop3A_881 = arith.index_cast %parallel_loop3A_833 : i32 to index
        %parallel_loop3A_882 = arith.constant 48 : index
        %parallel_loop3A_883 = tpu.vector_load %arg11[%parallel_loop3A_880, %parallel_loop3A_881, %parallel_loop3A_882] {strides = array<i32>} : memref<2x128x64xf32, #tpu.memory_space<vmem>>, vector<1x1x16xf32>,
        %parallel_loop3A_884 = vector.shape_cast %parallel_loop3A_883 : vector<1x1x16xf32> to vector<16xf32>
        %parallel_loop3A_885 = vector.shape_cast %parallel_loop3A_879 : vector<16xf32> to vector<1x1x16xf32>
        tpu.vector_store %arg11[%parallel_loop3A_880, %parallel_loop3A_881, %parallel_loop3A_882], %parallel_loop3A_885 {strides = array<i32>} : memref<2x128x64xf32, #tpu.memory_space<vmem>>, vector<1x1x16xf32>,
        %parallel_loop3A_886 = arith.constant 16 : i32
        %parallel_loop3A_887 = arith.muli %parallel_loop3A_263, %parallel_loop3A_886 : i32
        %parallel_loop3A_888 = arith.constant 11 : i32
        %parallel_loop3A_889 = arith.addi %parallel_loop3A_887, %parallel_loop3A_888 : i32
        %parallel_loop3A_890 = arith.constant 11 : i32
        %parallel_loop3A_891 = vector.broadcast %parallel_loop3A_890 : i32 to vector<16x1xi32>
        %parallel_loop3A_892 = vector.shape_cast %parallel_loop3A_891 : vector<16x1xi32> to vector<16xi32>
        %parallel_loop3A_893 = tpu.dynamic_gather %parallel_loop3A_269[%parallel_loop3A_892] in [0] : vector<16xf32>, vector<16xi32> -> vector<16xf32>
        %parallel_loop3A_894 = arith.index_cast %rem3A_234 : i32 to index
        %parallel_loop3A_895 = arith.index_cast %parallel_loop3A_889 : i32 to index
        %parallel_loop3A_896 = arith.constant 0 : index
        %parallel_loop3A_897 = tpu.vector_load %arg10[%parallel_loop3A_894, %parallel_loop3A_895, %parallel_loop3A_896] {strides = array<i32>} : memref<2x128x64xf32, #tpu.memory_space<vmem>>, vector<1x1x16xf32>,
        %parallel_loop3A_898 = vector.shape_cast %parallel_loop3A_897 : vector<1x1x16xf32> to vector<16xf32>
        %parallel_loop3A_899 = arith.mulf %parallel_loop3A_898, %parallel_loop3A_893 : vector<16xf32>
        %parallel_loop3A_900 = arith.index_cast %rem3A_234 : i32 to index
        %parallel_loop3A_901 = arith.index_cast %parallel_loop3A_889 : i32 to index
        %parallel_loop3A_902 = arith.constant 0 : index
        %parallel_loop3A_903 = tpu.vector_load %arg11[%parallel_loop3A_900, %parallel_loop3A_901, %parallel_loop3A_902] {strides = array<i32>} : memref<2x128x64xf32, #tpu.memory_space<vmem>>, vector<1x1x16xf32>,
        %parallel_loop3A_904 = vector.shape_cast %parallel_loop3A_903 : vector<1x1x16xf32> to vector<16xf32>
        %parallel_loop3A_905 = vector.shape_cast %parallel_loop3A_899 : vector<16xf32> to vector<1x1x16xf32>
        tpu.vector_store %arg11[%parallel_loop3A_900, %parallel_loop3A_901, %parallel_loop3A_902], %parallel_loop3A_905 {strides = array<i32>} : memref<2x128x64xf32, #tpu.memory_space<vmem>>, vector<1x1x16xf32>,
        %parallel_loop3A_906 = arith.index_cast %rem3A_234 : i32 to index
        %parallel_loop3A_907 = arith.index_cast %parallel_loop3A_889 : i32 to index
        %parallel_loop3A_908 = arith.constant 16 : index
        %parallel_loop3A_909 = tpu.vector_load %arg10[%parallel_loop3A_906, %parallel_loop3A_907, %parallel_loop3A_908] {strides = array<i32>} : memref<2x128x64xf32, #tpu.memory_space<vmem>>, vector<1x1x16xf32>,
        %parallel_loop3A_910 = vector.shape_cast %parallel_loop3A_909 : vector<1x1x16xf32> to vector<16xf32>
        %parallel_loop3A_911 = arith.mulf %parallel_loop3A_910, %parallel_loop3A_893 : vector<16xf32>
        %parallel_loop3A_912 = arith.index_cast %rem3A_234 : i32 to index
        %parallel_loop3A_913 = arith.index_cast %parallel_loop3A_889 : i32 to index
        %parallel_loop3A_914 = arith.constant 16 : index
        %parallel_loop3A_915 = tpu.vector_load %arg11[%parallel_loop3A_912, %parallel_loop3A_913, %parallel_loop3A_914] {strides = array<i32>} : memref<2x128x64xf32, #tpu.memory_space<vmem>>, vector<1x1x16xf32>,
        %parallel_loop3A_916 = vector.shape_cast %parallel_loop3A_915 : vector<1x1x16xf32> to vector<16xf32>
        %parallel_loop3A_917 = vector.shape_cast %parallel_loop3A_911 : vector<16xf32> to vector<1x1x16xf32>
        tpu.vector_store %arg11[%parallel_loop3A_912, %parallel_loop3A_913, %parallel_loop3A_914], %parallel_loop3A_917 {strides = array<i32>} : memref<2x128x64xf32, #tpu.memory_space<vmem>>, vector<1x1x16xf32>,
        %parallel_loop3A_918 = arith.index_cast %rem3A_234 : i32 to index
        %parallel_loop3A_919 = arith.index_cast %parallel_loop3A_889 : i32 to index
        %parallel_loop3A_920 = arith.constant 32 : index
        %parallel_loop3A_921 = tpu.vector_load %arg10[%parallel_loop3A_918, %parallel_loop3A_919, %parallel_loop3A_920] {strides = array<i32>} : memref<2x128x64xf32, #tpu.memory_space<vmem>>, vector<1x1x16xf32>,
        %parallel_loop3A_922 = vector.shape_cast %parallel_loop3A_921 : vector<1x1x16xf32> to vector<16xf32>
        %parallel_loop3A_923 = arith.mulf %parallel_loop3A_922, %parallel_loop3A_893 : vector<16xf32>
        %parallel_loop3A_924 = arith.index_cast %rem3A_234 : i32 to index
        %parallel_loop3A_925 = arith.index_cast %parallel_loop3A_889 : i32 to index
        %parallel_loop3A_926 = arith.constant 32 : index
        %parallel_loop3A_927 = tpu.vector_load %arg11[%parallel_loop3A_924, %parallel_loop3A_925, %parallel_loop3A_926] {strides = array<i32>} : memref<2x128x64xf32, #tpu.memory_space<vmem>>, vector<1x1x16xf32>,
        %parallel_loop3A_928 = vector.shape_cast %parallel_loop3A_927 : vector<1x1x16xf32> to vector<16xf32>
        %parallel_loop3A_929 = vector.shape_cast %parallel_loop3A_923 : vector<16xf32> to vector<1x1x16xf32>
        tpu.vector_store %arg11[%parallel_loop3A_924, %parallel_loop3A_925, %parallel_loop3A_926], %parallel_loop3A_929 {strides = array<i32>} : memref<2x128x64xf32, #tpu.memory_space<vmem>>, vector<1x1x16xf32>,
        %parallel_loop3A_930 = arith.index_cast %rem3A_234 : i32 to index
        %parallel_loop3A_931 = arith.index_cast %parallel_loop3A_889 : i32 to index
        %parallel_loop3A_932 = arith.constant 48 : index
        %parallel_loop3A_933 = tpu.vector_load %arg10[%parallel_loop3A_930, %parallel_loop3A_931, %parallel_loop3A_932] {strides = array<i32>} : memref<2x128x64xf32, #tpu.memory_space<vmem>>, vector<1x1x16xf32>,
        %parallel_loop3A_934 = vector.shape_cast %parallel_loop3A_933 : vector<1x1x16xf32> to vector<16xf32>
        %parallel_loop3A_935 = arith.mulf %parallel_loop3A_934, %parallel_loop3A_893 : vector<16xf32>
        %parallel_loop3A_936 = arith.index_cast %rem3A_234 : i32 to index
        %parallel_loop3A_937 = arith.index_cast %parallel_loop3A_889 : i32 to index
        %parallel_loop3A_938 = arith.constant 48 : index
        %parallel_loop3A_939 = tpu.vector_load %arg11[%parallel_loop3A_936, %parallel_loop3A_937, %parallel_loop3A_938] {strides = array<i32>} : memref<2x128x64xf32, #tpu.memory_space<vmem>>, vector<1x1x16xf32>,
        %parallel_loop3A_940 = vector.shape_cast %parallel_loop3A_939 : vector<1x1x16xf32> to vector<16xf32>
        %parallel_loop3A_941 = vector.shape_cast %parallel_loop3A_935 : vector<16xf32> to vector<1x1x16xf32>
        tpu.vector_store %arg11[%parallel_loop3A_936, %parallel_loop3A_937, %parallel_loop3A_938], %parallel_loop3A_941 {strides = array<i32>} : memref<2x128x64xf32, #tpu.memory_space<vmem>>, vector<1x1x16xf32>,
        %parallel_loop3A_942 = arith.constant 16 : i32
        %parallel_loop3A_943 = arith.muli %parallel_loop3A_263, %parallel_loop3A_942 : i32
        %parallel_loop3A_944 = arith.constant 12 : i32
        %parallel_loop3A_945 = arith.addi %parallel_loop3A_943, %parallel_loop3A_944 : i32
        %parallel_loop3A_946 = arith.constant 12 : i32
        %parallel_loop3A_947 = vector.broadcast %parallel_loop3A_946 : i32 to vector<16x1xi32>
        %parallel_loop3A_948 = vector.shape_cast %parallel_loop3A_947 : vector<16x1xi32> to vector<16xi32>
        %parallel_loop3A_949 = tpu.dynamic_gather %parallel_loop3A_269[%parallel_loop3A_948] in [0] : vector<16xf32>, vector<16xi32> -> vector<16xf32>
        %parallel_loop3A_950 = arith.index_cast %rem3A_234 : i32 to index
        %parallel_loop3A_951 = arith.index_cast %parallel_loop3A_945 : i32 to index
        %parallel_loop3A_952 = arith.constant 0 : index
        %parallel_loop3A_953 = tpu.vector_load %arg10[%parallel_loop3A_950, %parallel_loop3A_951, %parallel_loop3A_952] {strides = array<i32>} : memref<2x128x64xf32, #tpu.memory_space<vmem>>, vector<1x1x16xf32>,
        %parallel_loop3A_954 = vector.shape_cast %parallel_loop3A_953 : vector<1x1x16xf32> to vector<16xf32>
        %parallel_loop3A_955 = arith.mulf %parallel_loop3A_954, %parallel_loop3A_949 : vector<16xf32>
        %parallel_loop3A_956 = arith.index_cast %rem3A_234 : i32 to index
        %parallel_loop3A_957 = arith.index_cast %parallel_loop3A_945 : i32 to index
        %parallel_loop3A_958 = arith.constant 0 : index
        %parallel_loop3A_959 = tpu.vector_load %arg11[%parallel_loop3A_956, %parallel_loop3A_957, %parallel_loop3A_958] {strides = array<i32>} : memref<2x128x64xf32, #tpu.memory_space<vmem>>, vector<1x1x16xf32>,
        %parallel_loop3A_960 = vector.shape_cast %parallel_loop3A_959 : vector<1x1x16xf32> to vector<16xf32>
        %parallel_loop3A_961 = vector.shape_cast %parallel_loop3A_955 : vector<16xf32> to vector<1x1x16xf32>
        tpu.vector_store %arg11[%parallel_loop3A_956, %parallel_loop3A_957, %parallel_loop3A_958], %parallel_loop3A_961 {strides = array<i32>} : memref<2x128x64xf32, #tpu.memory_space<vmem>>, vector<1x1x16xf32>,
        %parallel_loop3A_962 = arith.index_cast %rem3A_234 : i32 to index
        %parallel_loop3A_963 = arith.index_cast %parallel_loop3A_945 : i32 to index
        %parallel_loop3A_964 = arith.constant 16 : index
        %parallel_loop3A_965 = tpu.vector_load %arg10[%parallel_loop3A_962, %parallel_loop3A_963, %parallel_loop3A_964] {strides = array<i32>} : memref<2x128x64xf32, #tpu.memory_space<vmem>>, vector<1x1x16xf32>,
        %parallel_loop3A_966 = vector.shape_cast %parallel_loop3A_965 : vector<1x1x16xf32> to vector<16xf32>
        %parallel_loop3A_967 = arith.mulf %parallel_loop3A_966, %parallel_loop3A_949 : vector<16xf32>
        %parallel_loop3A_968 = arith.index_cast %rem3A_234 : i32 to index
        %parallel_loop3A_969 = arith.index_cast %parallel_loop3A_945 : i32 to index
        %parallel_loop3A_970 = arith.constant 16 : index
        %parallel_loop3A_971 = tpu.vector_load %arg11[%parallel_loop3A_968, %parallel_loop3A_969, %parallel_loop3A_970] {strides = array<i32>} : memref<2x128x64xf32, #tpu.memory_space<vmem>>, vector<1x1x16xf32>,
        %parallel_loop3A_972 = vector.shape_cast %parallel_loop3A_971 : vector<1x1x16xf32> to vector<16xf32>
        %parallel_loop3A_973 = vector.shape_cast %parallel_loop3A_967 : vector<16xf32> to vector<1x1x16xf32>
        tpu.vector_store %arg11[%parallel_loop3A_968, %parallel_loop3A_969, %parallel_loop3A_970], %parallel_loop3A_973 {strides = array<i32>} : memref<2x128x64xf32, #tpu.memory_space<vmem>>, vector<1x1x16xf32>,
        %parallel_loop3A_974 = arith.index_cast %rem3A_234 : i32 to index
        %parallel_loop3A_975 = arith.index_cast %parallel_loop3A_945 : i32 to index
        %parallel_loop3A_976 = arith.constant 32 : index
        %parallel_loop3A_977 = tpu.vector_load %arg10[%parallel_loop3A_974, %parallel_loop3A_975, %parallel_loop3A_976] {strides = array<i32>} : memref<2x128x64xf32, #tpu.memory_space<vmem>>, vector<1x1x16xf32>,
        %parallel_loop3A_978 = vector.shape_cast %parallel_loop3A_977 : vector<1x1x16xf32> to vector<16xf32>
        %parallel_loop3A_979 = arith.mulf %parallel_loop3A_978, %parallel_loop3A_949 : vector<16xf32>
        %parallel_loop3A_980 = arith.index_cast %rem3A_234 : i32 to index
        %parallel_loop3A_981 = arith.index_cast %parallel_loop3A_945 : i32 to index
        %parallel_loop3A_982 = arith.constant 32 : index
        %parallel_loop3A_983 = tpu.vector_load %arg11[%parallel_loop3A_980, %parallel_loop3A_981, %parallel_loop3A_982] {strides = array<i32>} : memref<2x128x64xf32, #tpu.memory_space<vmem>>, vector<1x1x16xf32>,
        %parallel_loop3A_984 = vector.shape_cast %parallel_loop3A_983 : vector<1x1x16xf32> to vector<16xf32>
        %parallel_loop3A_985 = vector.shape_cast %parallel_loop3A_979 : vector<16xf32> to vector<1x1x16xf32>
        tpu.vector_store %arg11[%parallel_loop3A_980, %parallel_loop3A_981, %parallel_loop3A_982], %parallel_loop3A_985 {strides = array<i32>} : memref<2x128x64xf32, #tpu.memory_space<vmem>>, vector<1x1x16xf32>,
        %parallel_loop3A_986 = arith.index_cast %rem3A_234 : i32 to index
        %parallel_loop3A_987 = arith.index_cast %parallel_loop3A_945 : i32 to index
        %parallel_loop3A_988 = arith.constant 48 : index
        %parallel_loop3A_989 = tpu.vector_load %arg10[%parallel_loop3A_986, %parallel_loop3A_987, %parallel_loop3A_988] {strides = array<i32>} : memref<2x128x64xf32, #tpu.memory_space<vmem>>, vector<1x1x16xf32>,
        %parallel_loop3A_990 = vector.shape_cast %parallel_loop3A_989 : vector<1x1x16xf32> to vector<16xf32>
        %parallel_loop3A_991 = arith.mulf %parallel_loop3A_990, %parallel_loop3A_949 : vector<16xf32>
        %parallel_loop3A_992 = arith.index_cast %rem3A_234 : i32 to index
        %parallel_loop3A_993 = arith.index_cast %parallel_loop3A_945 : i32 to index
        %parallel_loop3A_994 = arith.constant 48 : index
        %parallel_loop3A_995 = tpu.vector_load %arg11[%parallel_loop3A_992, %parallel_loop3A_993, %parallel_loop3A_994] {strides = array<i32>} : memref<2x128x64xf32, #tpu.memory_space<vmem>>, vector<1x1x16xf32>,
        %parallel_loop3A_996 = vector.shape_cast %parallel_loop3A_995 : vector<1x1x16xf32> to vector<16xf32>
        %parallel_loop3A_997 = vector.shape_cast %parallel_loop3A_991 : vector<16xf32> to vector<1x1x16xf32>
        tpu.vector_store %arg11[%parallel_loop3A_992, %parallel_loop3A_993, %parallel_loop3A_994], %parallel_loop3A_997 {strides = array<i32>} : memref<2x128x64xf32, #tpu.memory_space<vmem>>, vector<1x1x16xf32>,
        %parallel_loop3A_998 = arith.constant 16 : i32
        %parallel_loop3A_999 = arith.muli %parallel_loop3A_263, %parallel_loop3A_998 : i32
        %parallel_loop3A_1000 = arith.constant 13 : i32
        %parallel_loop3A_1001 = arith.addi %parallel_loop3A_999, %parallel_loop3A_1000 : i32
        %parallel_loop3A_1002 = arith.constant 13 : i32
        %parallel_loop3A_1003 = vector.broadcast %parallel_loop3A_1002 : i32 to vector<16x1xi32>
        %parallel_loop3A_1004 = vector.shape_cast %parallel_loop3A_1003 : vector<16x1xi32> to vector<16xi32>
        %parallel_loop3A_1005 = tpu.dynamic_gather %parallel_loop3A_269[%parallel_loop3A_1004] in [0] : vector<16xf32>, vector<16xi32> -> vector<16xf32>
        %parallel_loop3A_1006 = arith.index_cast %rem3A_234 : i32 to index
        %parallel_loop3A_1007 = arith.index_cast %parallel_loop3A_1001 : i32 to index
        %parallel_loop3A_1008 = arith.constant 0 : index
        %parallel_loop3A_1009 = tpu.vector_load %arg10[%parallel_loop3A_1006, %parallel_loop3A_1007, %parallel_loop3A_1008] {strides = array<i32>} : memref<2x128x64xf32, #tpu.memory_space<vmem>>, vector<1x1x16xf32>,
        %parallel_loop3A_1010 = vector.shape_cast %parallel_loop3A_1009 : vector<1x1x16xf32> to vector<16xf32>
        %parallel_loop3A_1011 = arith.mulf %parallel_loop3A_1010, %parallel_loop3A_1005 : vector<16xf32>
        %parallel_loop3A_1012 = arith.index_cast %rem3A_234 : i32 to index
        %parallel_loop3A_1013 = arith.index_cast %parallel_loop3A_1001 : i32 to index
        %parallel_loop3A_1014 = arith.constant 0 : index
        %parallel_loop3A_1015 = tpu.vector_load %arg11[%parallel_loop3A_1012, %parallel_loop3A_1013, %parallel_loop3A_1014] {strides = array<i32>} : memref<2x128x64xf32, #tpu.memory_space<vmem>>, vector<1x1x16xf32>,
        %parallel_loop3A_1016 = vector.shape_cast %parallel_loop3A_1015 : vector<1x1x16xf32> to vector<16xf32>
        %parallel_loop3A_1017 = vector.shape_cast %parallel_loop3A_1011 : vector<16xf32> to vector<1x1x16xf32>
        tpu.vector_store %arg11[%parallel_loop3A_1012, %parallel_loop3A_1013, %parallel_loop3A_1014], %parallel_loop3A_1017 {strides = array<i32>} : memref<2x128x64xf32, #tpu.memory_space<vmem>>, vector<1x1x16xf32>,
        %parallel_loop3A_1018 = arith.index_cast %rem3A_234 : i32 to index
        %parallel_loop3A_1019 = arith.index_cast %parallel_loop3A_1001 : i32 to index
        %parallel_loop3A_1020 = arith.constant 16 : index
        %parallel_loop3A_1021 = tpu.vector_load %arg10[%parallel_loop3A_1018, %parallel_loop3A_1019, %parallel_loop3A_1020] {strides = array<i32>} : memref<2x128x64xf32, #tpu.memory_space<vmem>>, vector<1x1x16xf32>,
        %parallel_loop3A_1022 = vector.shape_cast %parallel_loop3A_1021 : vector<1x1x16xf32> to vector<16xf32>
        %parallel_loop3A_1023 = arith.mulf %parallel_loop3A_1022, %parallel_loop3A_1005 : vector<16xf32>
        %parallel_loop3A_1024 = arith.index_cast %rem3A_234 : i32 to index
        %parallel_loop3A_1025 = arith.index_cast %parallel_loop3A_1001 : i32 to index
        %parallel_loop3A_1026 = arith.constant 16 : index
        %parallel_loop3A_1027 = tpu.vector_load %arg11[%parallel_loop3A_1024, %parallel_loop3A_1025, %parallel_loop3A_1026] {strides = array<i32>} : memref<2x128x64xf32, #tpu.memory_space<vmem>>, vector<1x1x16xf32>,
        %parallel_loop3A_1028 = vector.shape_cast %parallel_loop3A_1027 : vector<1x1x16xf32> to vector<16xf32>
        %parallel_loop3A_1029 = vector.shape_cast %parallel_loop3A_1023 : vector<16xf32> to vector<1x1x16xf32>
        tpu.vector_store %arg11[%parallel_loop3A_1024, %parallel_loop3A_1025, %parallel_loop3A_1026], %parallel_loop3A_1029 {strides = array<i32>} : memref<2x128x64xf32, #tpu.memory_space<vmem>>, vector<1x1x16xf32>,
        %parallel_loop3A_1030 = arith.index_cast %rem3A_234 : i32 to index
        %parallel_loop3A_1031 = arith.index_cast %parallel_loop3A_1001 : i32 to index
        %parallel_loop3A_1032 = arith.constant 32 : index
        %parallel_loop3A_1033 = tpu.vector_load %arg10[%parallel_loop3A_1030, %parallel_loop3A_1031, %parallel_loop3A_1032] {strides = array<i32>} : memref<2x128x64xf32, #tpu.memory_space<vmem>>, vector<1x1x16xf32>,
        %parallel_loop3A_1034 = vector.shape_cast %parallel_loop3A_1033 : vector<1x1x16xf32> to vector<16xf32>
        %parallel_loop3A_1035 = arith.mulf %parallel_loop3A_1034, %parallel_loop3A_1005 : vector<16xf32>
        %parallel_loop3A_1036 = arith.index_cast %rem3A_234 : i32 to index
        %parallel_loop3A_1037 = arith.index_cast %parallel_loop3A_1001 : i32 to index
        %parallel_loop3A_1038 = arith.constant 32 : index
        %parallel_loop3A_1039 = tpu.vector_load %arg11[%parallel_loop3A_1036, %parallel_loop3A_1037, %parallel_loop3A_1038] {strides = array<i32>} : memref<2x128x64xf32, #tpu.memory_space<vmem>>, vector<1x1x16xf32>,
        %parallel_loop3A_1040 = vector.shape_cast %parallel_loop3A_1039 : vector<1x1x16xf32> to vector<16xf32>
        %parallel_loop3A_1041 = vector.shape_cast %parallel_loop3A_1035 : vector<16xf32> to vector<1x1x16xf32>
        tpu.vector_store %arg11[%parallel_loop3A_1036, %parallel_loop3A_1037, %parallel_loop3A_1038], %parallel_loop3A_1041 {strides = array<i32>} : memref<2x128x64xf32, #tpu.memory_space<vmem>>, vector<1x1x16xf32>,
        %parallel_loop3A_1042 = arith.index_cast %rem3A_234 : i32 to index
        %parallel_loop3A_1043 = arith.index_cast %parallel_loop3A_1001 : i32 to index
        %parallel_loop3A_1044 = arith.constant 48 : index
        %parallel_loop3A_1045 = tpu.vector_load %arg10[%parallel_loop3A_1042, %parallel_loop3A_1043, %parallel_loop3A_1044] {strides = array<i32>} : memref<2x128x64xf32, #tpu.memory_space<vmem>>, vector<1x1x16xf32>,
        %parallel_loop3A_1046 = vector.shape_cast %parallel_loop3A_1045 : vector<1x1x16xf32> to vector<16xf32>
        %parallel_loop3A_1047 = arith.mulf %parallel_loop3A_1046, %parallel_loop3A_1005 : vector<16xf32>
        %parallel_loop3A_1048 = arith.index_cast %rem3A_234 : i32 to index
        %parallel_loop3A_1049 = arith.index_cast %parallel_loop3A_1001 : i32 to index
        %parallel_loop3A_1050 = arith.constant 48 : index
        %parallel_loop3A_1051 = tpu.vector_load %arg11[%parallel_loop3A_1048, %parallel_loop3A_1049, %parallel_loop3A_1050] {strides = array<i32>} : memref<2x128x64xf32, #tpu.memory_space<vmem>>, vector<1x1x16xf32>,
        %parallel_loop3A_1052 = vector.shape_cast %parallel_loop3A_1051 : vector<1x1x16xf32> to vector<16xf32>
        %parallel_loop3A_1053 = vector.shape_cast %parallel_loop3A_1047 : vector<16xf32> to vector<1x1x16xf32>
        tpu.vector_store %arg11[%parallel_loop3A_1048, %parallel_loop3A_1049, %parallel_loop3A_1050], %parallel_loop3A_1053 {strides = array<i32>} : memref<2x128x64xf32, #tpu.memory_space<vmem>>, vector<1x1x16xf32>,
        %parallel_loop3A_1054 = arith.constant 16 : i32
        %parallel_loop3A_1055 = arith.muli %parallel_loop3A_263, %parallel_loop3A_1054 : i32
        %parallel_loop3A_1056 = arith.constant 14 : i32
        %parallel_loop3A_1057 = arith.addi %parallel_loop3A_1055, %parallel_loop3A_1056 : i32
        %parallel_loop3A_1058 = arith.constant 14 : i32
        %parallel_loop3A_1059 = vector.broadcast %parallel_loop3A_1058 : i32 to vector<16x1xi32>
        %parallel_loop3A_1060 = vector.shape_cast %parallel_loop3A_1059 : vector<16x1xi32> to vector<16xi32>
        %parallel_loop3A_1061 = tpu.dynamic_gather %parallel_loop3A_269[%parallel_loop3A_1060] in [0] : vector<16xf32>, vector<16xi32> -> vector<16xf32>
        %parallel_loop3A_1062 = arith.index_cast %rem3A_234 : i32 to index
        %parallel_loop3A_1063 = arith.index_cast %parallel_loop3A_1057 : i32 to index
        %parallel_loop3A_1064 = arith.constant 0 : index
        %parallel_loop3A_1065 = tpu.vector_load %arg10[%parallel_loop3A_1062, %parallel_loop3A_1063, %parallel_loop3A_1064] {strides = array<i32>} : memref<2x128x64xf32, #tpu.memory_space<vmem>>, vector<1x1x16xf32>,
        %parallel_loop3A_1066 = vector.shape_cast %parallel_loop3A_1065 : vector<1x1x16xf32> to vector<16xf32>
        %parallel_loop3A_1067 = arith.mulf %parallel_loop3A_1066, %parallel_loop3A_1061 : vector<16xf32>
        %parallel_loop3A_1068 = arith.index_cast %rem3A_234 : i32 to index
        %parallel_loop3A_1069 = arith.index_cast %parallel_loop3A_1057 : i32 to index
        %parallel_loop3A_1070 = arith.constant 0 : index
        %parallel_loop3A_1071 = tpu.vector_load %arg11[%parallel_loop3A_1068, %parallel_loop3A_1069, %parallel_loop3A_1070] {strides = array<i32>} : memref<2x128x64xf32, #tpu.memory_space<vmem>>, vector<1x1x16xf32>,
        %parallel_loop3A_1072 = vector.shape_cast %parallel_loop3A_1071 : vector<1x1x16xf32> to vector<16xf32>
        %parallel_loop3A_1073 = vector.shape_cast %parallel_loop3A_1067 : vector<16xf32> to vector<1x1x16xf32>
        tpu.vector_store %arg11[%parallel_loop3A_1068, %parallel_loop3A_1069, %parallel_loop3A_1070], %parallel_loop3A_1073 {strides = array<i32>} : memref<2x128x64xf32, #tpu.memory_space<vmem>>, vector<1x1x16xf32>,
        %parallel_loop3A_1074 = arith.index_cast %rem3A_234 : i32 to index
        %parallel_loop3A_1075 = arith.index_cast %parallel_loop3A_1057 : i32 to index
        %parallel_loop3A_1076 = arith.constant 16 : index
        %parallel_loop3A_1077 = tpu.vector_load %arg10[%parallel_loop3A_1074, %parallel_loop3A_1075, %parallel_loop3A_1076] {strides = array<i32>} : memref<2x128x64xf32, #tpu.memory_space<vmem>>, vector<1x1x16xf32>,
        %parallel_loop3A_1078 = vector.shape_cast %parallel_loop3A_1077 : vector<1x1x16xf32> to vector<16xf32>
        %parallel_loop3A_1079 = arith.mulf %parallel_loop3A_1078, %parallel_loop3A_1061 : vector<16xf32>
        %parallel_loop3A_1080 = arith.index_cast %rem3A_234 : i32 to index
        %parallel_loop3A_1081 = arith.index_cast %parallel_loop3A_1057 : i32 to index
        %parallel_loop3A_1082 = arith.constant 16 : index
        %parallel_loop3A_1083 = tpu.vector_load %arg11[%parallel_loop3A_1080, %parallel_loop3A_1081, %parallel_loop3A_1082] {strides = array<i32>} : memref<2x128x64xf32, #tpu.memory_space<vmem>>, vector<1x1x16xf32>,
        %parallel_loop3A_1084 = vector.shape_cast %parallel_loop3A_1083 : vector<1x1x16xf32> to vector<16xf32>
        %parallel_loop3A_1085 = vector.shape_cast %parallel_loop3A_1079 : vector<16xf32> to vector<1x1x16xf32>
        tpu.vector_store %arg11[%parallel_loop3A_1080, %parallel_loop3A_1081, %parallel_loop3A_1082], %parallel_loop3A_1085 {strides = array<i32>} : memref<2x128x64xf32, #tpu.memory_space<vmem>>, vector<1x1x16xf32>,
        %parallel_loop3A_1086 = arith.index_cast %rem3A_234 : i32 to index
        %parallel_loop3A_1087 = arith.index_cast %parallel_loop3A_1057 : i32 to index
        %parallel_loop3A_1088 = arith.constant 32 : index
        %parallel_loop3A_1089 = tpu.vector_load %arg10[%parallel_loop3A_1086, %parallel_loop3A_1087, %parallel_loop3A_1088] {strides = array<i32>} : memref<2x128x64xf32, #tpu.memory_space<vmem>>, vector<1x1x16xf32>,
        %parallel_loop3A_1090 = vector.shape_cast %parallel_loop3A_1089 : vector<1x1x16xf32> to vector<16xf32>
        %parallel_loop3A_1091 = arith.mulf %parallel_loop3A_1090, %parallel_loop3A_1061 : vector<16xf32>
        %parallel_loop3A_1092 = arith.index_cast %rem3A_234 : i32 to index
        %parallel_loop3A_1093 = arith.index_cast %parallel_loop3A_1057 : i32 to index
        %parallel_loop3A_1094 = arith.constant 32 : index
        %parallel_loop3A_1095 = tpu.vector_load %arg11[%parallel_loop3A_1092, %parallel_loop3A_1093, %parallel_loop3A_1094] {strides = array<i32>} : memref<2x128x64xf32, #tpu.memory_space<vmem>>, vector<1x1x16xf32>,
        %parallel_loop3A_1096 = vector.shape_cast %parallel_loop3A_1095 : vector<1x1x16xf32> to vector<16xf32>
        %parallel_loop3A_1097 = vector.shape_cast %parallel_loop3A_1091 : vector<16xf32> to vector<1x1x16xf32>
        tpu.vector_store %arg11[%parallel_loop3A_1092, %parallel_loop3A_1093, %parallel_loop3A_1094], %parallel_loop3A_1097 {strides = array<i32>} : memref<2x128x64xf32, #tpu.memory_space<vmem>>, vector<1x1x16xf32>,
        %parallel_loop3A_1098 = arith.index_cast %rem3A_234 : i32 to index
        %parallel_loop3A_1099 = arith.index_cast %parallel_loop3A_1057 : i32 to index
        %parallel_loop3A_1100 = arith.constant 48 : index
        %parallel_loop3A_1101 = tpu.vector_load %arg10[%parallel_loop3A_1098, %parallel_loop3A_1099, %parallel_loop3A_1100] {strides = array<i32>} : memref<2x128x64xf32, #tpu.memory_space<vmem>>, vector<1x1x16xf32>,
        %parallel_loop3A_1102 = vector.shape_cast %parallel_loop3A_1101 : vector<1x1x16xf32> to vector<16xf32>
        %parallel_loop3A_1103 = arith.mulf %parallel_loop3A_1102, %parallel_loop3A_1061 : vector<16xf32>
        %parallel_loop3A_1104 = arith.index_cast %rem3A_234 : i32 to index
        %parallel_loop3A_1105 = arith.index_cast %parallel_loop3A_1057 : i32 to index
        %parallel_loop3A_1106 = arith.constant 48 : index
        %parallel_loop3A_1107 = tpu.vector_load %arg11[%parallel_loop3A_1104, %parallel_loop3A_1105, %parallel_loop3A_1106] {strides = array<i32>} : memref<2x128x64xf32, #tpu.memory_space<vmem>>, vector<1x1x16xf32>,
        %parallel_loop3A_1108 = vector.shape_cast %parallel_loop3A_1107 : vector<1x1x16xf32> to vector<16xf32>
        %parallel_loop3A_1109 = vector.shape_cast %parallel_loop3A_1103 : vector<16xf32> to vector<1x1x16xf32>
        tpu.vector_store %arg11[%parallel_loop3A_1104, %parallel_loop3A_1105, %parallel_loop3A_1106], %parallel_loop3A_1109 {strides = array<i32>} : memref<2x128x64xf32, #tpu.memory_space<vmem>>, vector<1x1x16xf32>,
        %parallel_loop3A_1110 = arith.constant 16 : i32
        %parallel_loop3A_1111 = arith.muli %parallel_loop3A_263, %parallel_loop3A_1110 : i32
        %parallel_loop3A_1112 = arith.constant 15 : i32
        %parallel_loop3A_1113 = arith.addi %parallel_loop3A_1111, %parallel_loop3A_1112 : i32
        %parallel_loop3A_1114 = arith.constant 15 : i32
        %parallel_loop3A_1115 = vector.broadcast %parallel_loop3A_1114 : i32 to vector<16x1xi32>
        %parallel_loop3A_1116 = vector.shape_cast %parallel_loop3A_1115 : vector<16x1xi32> to vector<16xi32>
        %parallel_loop3A_1117 = tpu.dynamic_gather %parallel_loop3A_269[%parallel_loop3A_1116] in [0] : vector<16xf32>, vector<16xi32> -> vector<16xf32>
        %parallel_loop3A_1118 = arith.index_cast %rem3A_234 : i32 to index
        %parallel_loop3A_1119 = arith.index_cast %parallel_loop3A_1113 : i32 to index
        %parallel_loop3A_1120 = arith.constant 0 : index
        %parallel_loop3A_1121 = tpu.vector_load %arg10[%parallel_loop3A_1118, %parallel_loop3A_1119, %parallel_loop3A_1120] {strides = array<i32>} : memref<2x128x64xf32, #tpu.memory_space<vmem>>, vector<1x1x16xf32>,
        %parallel_loop3A_1122 = vector.shape_cast %parallel_loop3A_1121 : vector<1x1x16xf32> to vector<16xf32>
        %parallel_loop3A_1123 = arith.mulf %parallel_loop3A_1122, %parallel_loop3A_1117 : vector<16xf32>
        %parallel_loop3A_1124 = arith.index_cast %rem3A_234 : i32 to index
        %parallel_loop3A_1125 = arith.index_cast %parallel_loop3A_1113 : i32 to index
        %parallel_loop3A_1126 = arith.constant 0 : index
        %parallel_loop3A_1127 = tpu.vector_load %arg11[%parallel_loop3A_1124, %parallel_loop3A_1125, %parallel_loop3A_1126] {strides = array<i32>} : memref<2x128x64xf32, #tpu.memory_space<vmem>>, vector<1x1x16xf32>,
        %parallel_loop3A_1128 = vector.shape_cast %parallel_loop3A_1127 : vector<1x1x16xf32> to vector<16xf32>
        %parallel_loop3A_1129 = vector.shape_cast %parallel_loop3A_1123 : vector<16xf32> to vector<1x1x16xf32>
        tpu.vector_store %arg11[%parallel_loop3A_1124, %parallel_loop3A_1125, %parallel_loop3A_1126], %parallel_loop3A_1129 {strides = array<i32>} : memref<2x128x64xf32, #tpu.memory_space<vmem>>, vector<1x1x16xf32>,
        %parallel_loop3A_1130 = arith.index_cast %rem3A_234 : i32 to index
        %parallel_loop3A_1131 = arith.index_cast %parallel_loop3A_1113 : i32 to index
        %parallel_loop3A_1132 = arith.constant 16 : index
        %parallel_loop3A_1133 = tpu.vector_load %arg10[%parallel_loop3A_1130, %parallel_loop3A_1131, %parallel_loop3A_1132] {strides = array<i32>} : memref<2x128x64xf32, #tpu.memory_space<vmem>>, vector<1x1x16xf32>,
        %parallel_loop3A_1134 = vector.shape_cast %parallel_loop3A_1133 : vector<1x1x16xf32> to vector<16xf32>
        %parallel_loop3A_1135 = arith.mulf %parallel_loop3A_1134, %parallel_loop3A_1117 : vector<16xf32>
        %parallel_loop3A_1136 = arith.index_cast %rem3A_234 : i32 to index
        %parallel_loop3A_1137 = arith.index_cast %parallel_loop3A_1113 : i32 to index
        %parallel_loop3A_1138 = arith.constant 16 : index
        %parallel_loop3A_1139 = tpu.vector_load %arg11[%parallel_loop3A_1136, %parallel_loop3A_1137, %parallel_loop3A_1138] {strides = array<i32>} : memref<2x128x64xf32, #tpu.memory_space<vmem>>, vector<1x1x16xf32>,
        %parallel_loop3A_1140 = vector.shape_cast %parallel_loop3A_1139 : vector<1x1x16xf32> to vector<16xf32>
        %parallel_loop3A_1141 = vector.shape_cast %parallel_loop3A_1135 : vector<16xf32> to vector<1x1x16xf32>
        tpu.vector_store %arg11[%parallel_loop3A_1136, %parallel_loop3A_1137, %parallel_loop3A_1138], %parallel_loop3A_1141 {strides = array<i32>} : memref<2x128x64xf32, #tpu.memory_space<vmem>>, vector<1x1x16xf32>,
        %parallel_loop3A_1142 = arith.index_cast %rem3A_234 : i32 to index
        %parallel_loop3A_1143 = arith.index_cast %parallel_loop3A_1113 : i32 to index
        %parallel_loop3A_1144 = arith.constant 32 : index
        %parallel_loop3A_1145 = tpu.vector_load %arg10[%parallel_loop3A_1142, %parallel_loop3A_1143, %parallel_loop3A_1144] {strides = array<i32>} : memref<2x128x64xf32, #tpu.memory_space<vmem>>, vector<1x1x16xf32>,
        %parallel_loop3A_1146 = vector.shape_cast %parallel_loop3A_1145 : vector<1x1x16xf32> to vector<16xf32>
        %parallel_loop3A_1147 = arith.mulf %parallel_loop3A_1146, %parallel_loop3A_1117 : vector<16xf32>
        %parallel_loop3A_1148 = arith.index_cast %rem3A_234 : i32 to index
        %parallel_loop3A_1149 = arith.index_cast %parallel_loop3A_1113 : i32 to index
        %parallel_loop3A_1150 = arith.constant 32 : index
        %parallel_loop3A_1151 = tpu.vector_load %arg11[%parallel_loop3A_1148, %parallel_loop3A_1149, %parallel_loop3A_1150] {strides = array<i32>} : memref<2x128x64xf32, #tpu.memory_space<vmem>>, vector<1x1x16xf32>,
        %parallel_loop3A_1152 = vector.shape_cast %parallel_loop3A_1151 : vector<1x1x16xf32> to vector<16xf32>
        %parallel_loop3A_1153 = vector.shape_cast %parallel_loop3A_1147 : vector<16xf32> to vector<1x1x16xf32>
        tpu.vector_store %arg11[%parallel_loop3A_1148, %parallel_loop3A_1149, %parallel_loop3A_1150], %parallel_loop3A_1153 {strides = array<i32>} : memref<2x128x64xf32, #tpu.memory_space<vmem>>, vector<1x1x16xf32>,
        %parallel_loop3A_1154 = arith.index_cast %rem3A_234 : i32 to index
        %parallel_loop3A_1155 = arith.index_cast %parallel_loop3A_1113 : i32 to index
        %parallel_loop3A_1156 = arith.constant 48 : index
        %parallel_loop3A_1157 = tpu.vector_load %arg10[%parallel_loop3A_1154, %parallel_loop3A_1155, %parallel_loop3A_1156] {strides = array<i32>} : memref<2x128x64xf32, #tpu.memory_space<vmem>>, vector<1x1x16xf32>,
        %parallel_loop3A_1158 = vector.shape_cast %parallel_loop3A_1157 : vector<1x1x16xf32> to vector<16xf32>
        %parallel_loop3A_1159 = arith.mulf %parallel_loop3A_1158, %parallel_loop3A_1117 : vector<16xf32>
        %parallel_loop3A_1160 = arith.index_cast %rem3A_234 : i32 to index
        %parallel_loop3A_1161 = arith.index_cast %parallel_loop3A_1113 : i32 to index
        %parallel_loop3A_1162 = arith.constant 48 : index
        %parallel_loop3A_1163 = tpu.vector_load %arg11[%parallel_loop3A_1160, %parallel_loop3A_1161, %parallel_loop3A_1162] {strides = array<i32>} : memref<2x128x64xf32, #tpu.memory_space<vmem>>, vector<1x1x16xf32>,
        %parallel_loop3A_1164 = vector.shape_cast %parallel_loop3A_1163 : vector<1x1x16xf32> to vector<16xf32>
        %parallel_loop3A_1165 = vector.shape_cast %parallel_loop3A_1159 : vector<16xf32> to vector<1x1x16xf32>
        tpu.vector_store %arg11[%parallel_loop3A_1160, %parallel_loop3A_1161, %parallel_loop3A_1162], %parallel_loop3A_1165 {strides = array<i32>} : memref<2x128x64xf32, #tpu.memory_space<vmem>>, vector<1x1x16xf32>,
      } {sc.loop_unroll_factor = 8 : i64, sc.parallel_access}
      %rem3A_239 = arith.constant 2 : i32
      %rem3A_240 = arith.remsi %scan3A_207, %rem3A_239 : i32
      %rem3A_241 = arith.constant 4 : i32
      %rem3A_242 = arith.remsi %scan3A_207, %rem3A_241 : i32
      %dma_start3A_243 = arith.constant 0 : i32
      %dma_start3A_244 = arith.constant 0 : i32
      %dma_start3A_245 = tpu.memref_slice %arg11[%rem3A_240, %dma_start3A_243, %dma_start3A_244] : memref<2x128x64xf32, #tpu.memory_space<vmem>> -> memref<1x128x64xf32, #tpu.memory_space<vmem>>
      %dma_start3A_246 = tpu.memref_squeeze %dma_start3A_245 : memref<1x128x64xf32, #tpu.memory_space<vmem>> -> memref<128x64xf32, #tpu.memory_space<vmem>>
      %dma_start3A_247 = arith.constant 0 : i32
      %dma_start3A_248 = tpu.memref_slice %arg8[%rem3A_242, %dma_start3A_247] : memref<4x128xi32, #tpu.memory_space<vmem>> -> memref<1x128xi32, #tpu.memory_space<vmem>>
      %dma_start3A_249 = tpu.memref_squeeze %dma_start3A_248 : memref<1x128xi32, #tpu.memory_space<vmem>> -> memref<128xi32, #tpu.memory_space<vmem>>
      %dma_start3A_250 = arith.constant 0 : i32
      %dma_start3A_251 = arith.constant 0 : i32
      %dma_start3A_252 = tpu.memref_slice %arg12[%dma_start3A_250, %dma_start3A_251] : memref<10240x64xf32, #tpu.memory_space<vmem_shared>> -> memref<10240x64xf32, #tpu.memory_space<vmem_shared>>
      %dma_start3A_253 = tpu.memref_slice %arg14[%rem3A_240] : memref<2x!tpu.dma_semaphore, #tpu.memory_space<semaphore_mem>> -> memref<1x!tpu.dma_semaphore, #tpu.memory_space<semaphore_mem>>
      %dma_start3A_254 = tpu.memref_squeeze %dma_start3A_253 : memref<1x!tpu.dma_semaphore, #tpu.memory_space<semaphore_mem>> -> memref<!tpu.dma_semaphore, #tpu.memory_space<semaphore_mem>>
      tpu.enqueue_indirect_dma source(%dma_start3A_246 : memref<128x64xf32, #tpu.memory_space<vmem>>) target(%dma_start3A_252 : memref<10240x64xf32, #tpu.memory_space<vmem_shared>>) offsets(%dma_start3A_249 : memref<128xi32, #tpu.memory_space<vmem>>) semaphore(%dma_start3A_254 : memref<!tpu.dma_semaphore, #tpu.memory_space<semaphore_mem>>) {add = true}
      %add3A_255 = arith.constant 2 : i32
      %add3A_256 = arith.addi %scan3A_207, %add3A_255 : i32
      %lt3A_257 = arith.constant 158 : i32
      %lt3A_258 = arith.cmpi slt, %add3A_256, %lt3A_257 : i32
      %convert_element_type3A_259 = arith.extui %lt3A_258 : i1 to i32
      %cond3A_260 = arith.constant 0 : i32
      %cond3A_261 = arith.cmpi ne, %convert_element_type3A_259, %cond3A_260 : i32
      scf.if %cond3A_261 {
        %add3A_263 = arith.constant 2 : i32
        %add3A_264 = arith.addi %scan3A_207, %add3A_263 : i32
        %rem3A_265 = arith.constant 4 : i32
        %rem3A_266 = arith.remsi %add3A_264, %rem3A_265 : i32
        %mul3A_267 = arith.constant 128 : i32
        %mul3A_268 = arith.muli %add3A_264, %mul3A_267 : i32
        %add3A_269 = arith.addi %mul3A_0, %mul3A_268 : i32
        %dma_start3A_270 = arith.constant 0 : i32
        %dma_start3A_271 = tpu.memref_slice %arg7[%rem3A_266, %dma_start3A_270] : memref<4x128xi32, #tpu.memory_space<vmem>> -> memref<1x128xi32, #tpu.memory_space<vmem>>
        %dma_start3A_272 = tpu.memref_squeeze %dma_start3A_271 : memref<1x128xi32, #tpu.memory_space<vmem>> -> memref<128xi32, #tpu.memory_space<vmem>>
        %dma_start3A_273 = tpu.memref_slice %arg3[%add3A_269] : memref<323584xi32, #tpu.memory_space<hbm>> -> memref<128xi32, #tpu.memory_space<hbm>>
        %dma_start3A_274 = tpu.memref_slice %arg15[%rem3A_266] : memref<4x!tpu.dma_semaphore, #tpu.memory_space<semaphore_mem>> -> memref<1x!tpu.dma_semaphore, #tpu.memory_space<semaphore_mem>>
        %dma_start3A_275 = tpu.memref_squeeze %dma_start3A_274 : memref<1x!tpu.dma_semaphore, #tpu.memory_space<semaphore_mem>> -> memref<!tpu.dma_semaphore, #tpu.memory_space<semaphore_mem>>
        %dma_start3A_276 = arith.constant 0 : i32
        %dma_start3A_277 = tpu.memref_slice %arg7[%rem3A_266, %dma_start3A_276] : memref<4x128xi32, #tpu.memory_space<vmem>> -> memref<1x128xi32, #tpu.memory_space<vmem>>
        %dma_start3A_278 = tpu.memref_squeeze %dma_start3A_277 : memref<1x128xi32, #tpu.memory_space<vmem>> -> memref<128xi32, #tpu.memory_space<vmem>>
        %dma_start3A_279 = tpu.memref_slice %arg3[%add3A_269] : memref<323584xi32, #tpu.memory_space<hbm>> -> memref<128xi32, #tpu.memory_space<hbm>>
        tpu.enqueue_dma source(%dma_start3A_279 : memref<128xi32, #tpu.memory_space<hbm>>) target(%dma_start3A_278 : memref<128xi32, #tpu.memory_space<vmem>>) target_semaphore(%dma_start3A_275 : memref<!tpu.dma_semaphore, #tpu.memory_space<semaphore_mem>>)
        %dma_start3A_280 = arith.constant 0 : i32
        %dma_start3A_281 = tpu.memref_slice %arg8[%rem3A_266, %dma_start3A_280] : memref<4x128xi32, #tpu.memory_space<vmem>> -> memref<1x128xi32, #tpu.memory_space<vmem>>
        %dma_start3A_282 = tpu.memref_squeeze %dma_start3A_281 : memref<1x128xi32, #tpu.memory_space<vmem>> -> memref<128xi32, #tpu.memory_space<vmem>>
        %dma_start3A_283 = tpu.memref_slice %arg2[%add3A_269] : memref<323584xi32, #tpu.memory_space<hbm>> -> memref<128xi32, #tpu.memory_space<hbm>>
        %dma_start3A_284 = tpu.memref_slice %arg16[%rem3A_266] : memref<4x!tpu.dma_semaphore, #tpu.memory_space<semaphore_mem>> -> memref<1x!tpu.dma_semaphore, #tpu.memory_space<semaphore_mem>>
        %dma_start3A_285 = tpu.memref_squeeze %dma_start3A_284 : memref<1x!tpu.dma_semaphore, #tpu.memory_space<semaphore_mem>> -> memref<!tpu.dma_semaphore, #tpu.memory_space<semaphore_mem>>
        %dma_start3A_286 = arith.constant 0 : i32
        %dma_start3A_287 = tpu.memref_slice %arg8[%rem3A_266, %dma_start3A_286] : memref<4x128xi32, #tpu.memory_space<vmem>> -> memref<1x128xi32, #tpu.memory_space<vmem>>
        %dma_start3A_288 = tpu.memref_squeeze %dma_start3A_287 : memref<1x128xi32, #tpu.memory_space<vmem>> -> memref<128xi32, #tpu.memory_space<vmem>>
        %dma_start3A_289 = tpu.memref_slice %arg2[%add3A_269] : memref<323584xi32, #tpu.memory_space<hbm>> -> memref<128xi32, #tpu.memory_space<hbm>>
        tpu.enqueue_dma source(%dma_start3A_289 : memref<128xi32, #tpu.memory_space<hbm>>) target(%dma_start3A_288 : memref<128xi32, #tpu.memory_space<vmem>>) target_semaphore(%dma_start3A_285 : memref<!tpu.dma_semaphore, #tpu.memory_space<semaphore_mem>>)
        %dma_start3A_290 = arith.constant 0 : i32
        %dma_start3A_291 = tpu.memref_slice %arg9[%rem3A_266, %dma_start3A_290] : memref<4x128xf32, #tpu.memory_space<vmem>> -> memref<1x128xf32, #tpu.memory_space<vmem>>
        %dma_start3A_292 = tpu.memref_squeeze %dma_start3A_291 : memref<1x128xf32, #tpu.memory_space<vmem>> -> memref<128xf32, #tpu.memory_space<vmem>>
        %dma_start3A_293 = tpu.memref_slice %arg4[%add3A_269] : memref<323584xf32, #tpu.memory_space<hbm>> -> memref<128xf32, #tpu.memory_space<hbm>>
        %dma_start3A_294 = tpu.memref_slice %arg17[%rem3A_266] : memref<4x!tpu.dma_semaphore, #tpu.memory_space<semaphore_mem>> -> memref<1x!tpu.dma_semaphore, #tpu.memory_space<semaphore_mem>>
        %dma_start3A_295 = tpu.memref_squeeze %dma_start3A_294 : memref<1x!tpu.dma_semaphore, #tpu.memory_space<semaphore_mem>> -> memref<!tpu.dma_semaphore, #tpu.memory_space<semaphore_mem>>
        %dma_start3A_296 = arith.constant 0 : i32
        %dma_start3A_297 = tpu.memref_slice %arg9[%rem3A_266, %dma_start3A_296] : memref<4x128xf32, #tpu.memory_space<vmem>> -> memref<1x128xf32, #tpu.memory_space<vmem>>
        %dma_start3A_298 = tpu.memref_squeeze %dma_start3A_297 : memref<1x128xf32, #tpu.memory_space<vmem>> -> memref<128xf32, #tpu.memory_space<vmem>>
        %dma_start3A_299 = tpu.memref_slice %arg4[%add3A_269] : memref<323584xf32, #tpu.memory_space<hbm>> -> memref<128xf32, #tpu.memory_space<hbm>>
        tpu.enqueue_dma source(%dma_start3A_299 : memref<128xf32, #tpu.memory_space<hbm>>) target(%dma_start3A_298 : memref<128xf32, #tpu.memory_space<vmem>>) target_semaphore(%dma_start3A_295 : memref<!tpu.dma_semaphore, #tpu.memory_space<semaphore_mem>>)
      } else {
      }
      %scan3A_262 = arith.constant 0 : i32
      scf.yield %scan3A_262 : i32
    }
    %scan3A_165 = arith.constant 158 : i32
    %rem3A_166 = arith.constant 156 : i32
    %rem3A_167 = arith.constant 2 : i32
    %rem3A_168 = arith.remsi %rem3A_166, %rem3A_167 : i32
    %rem3A_169 = arith.constant 156 : i32
    %rem3A_170 = arith.constant 4 : i32
    %rem3A_171 = arith.remsi %rem3A_169, %rem3A_170 : i32
    %dma_wait3A_172 = arith.constant 0 : i32
    %dma_wait3A_173 = arith.constant 0 : i32
    %dma_wait3A_174 = tpu.memref_slice %arg11[%rem3A_168, %dma_wait3A_172, %dma_wait3A_173] : memref<2x128x64xf32, #tpu.memory_space<vmem>> -> memref<1x128x64xf32, #tpu.memory_space<vmem>>
    %dma_wait3A_175 = tpu.memref_squeeze %dma_wait3A_174 : memref<1x128x64xf32, #tpu.memory_space<vmem>> -> memref<128x64xf32, #tpu.memory_space<vmem>>
    %dma_wait3A_176 = arith.constant 0 : i32
    %dma_wait3A_177 = tpu.memref_slice %arg8[%rem3A_171, %dma_wait3A_176] : memref<4x128xi32, #tpu.memory_space<vmem>> -> memref<1x128xi32, #tpu.memory_space<vmem>>
    %dma_wait3A_178 = tpu.memref_squeeze %dma_wait3A_177 : memref<1x128xi32, #tpu.memory_space<vmem>> -> memref<128xi32, #tpu.memory_space<vmem>>
    %dma_wait3A_179 = arith.constant 0 : i32
    %dma_wait3A_180 = arith.constant 0 : i32
    %dma_wait3A_181 = tpu.memref_slice %arg12[%dma_wait3A_179, %dma_wait3A_180] : memref<10240x64xf32, #tpu.memory_space<vmem_shared>> -> memref<10240x64xf32, #tpu.memory_space<vmem_shared>>
    %dma_wait3A_182 = tpu.memref_slice %arg14[%rem3A_168] : memref<2x!tpu.dma_semaphore, #tpu.memory_space<semaphore_mem>> -> memref<1x!tpu.dma_semaphore, #tpu.memory_space<semaphore_mem>>
    %dma_wait3A_183 = tpu.memref_squeeze %dma_wait3A_182 : memref<1x!tpu.dma_semaphore, #tpu.memory_space<semaphore_mem>> -> memref<!tpu.dma_semaphore, #tpu.memory_space<semaphore_mem>>
    tpu.wait_indirect_dma semaphore(%dma_wait3A_183 : memref<!tpu.dma_semaphore, #tpu.memory_space<semaphore_mem>>) src(%dma_wait3A_175 : memref<128x64xf32, #tpu.memory_space<vmem>>) dst(%dma_wait3A_181 : memref<10240x64xf32, #tpu.memory_space<vmem_shared>>)
    %rem3A_184 = arith.constant 157 : i32
    %rem3A_185 = arith.constant 2 : i32
    %rem3A_186 = arith.remsi %rem3A_184, %rem3A_185 : i32
    %rem3A_187 = arith.constant 157 : i32
    %rem3A_188 = arith.constant 4 : i32
    %rem3A_189 = arith.remsi %rem3A_187, %rem3A_188 : i32
    %dma_wait3A_190 = arith.constant 0 : i32
    %dma_wait3A_191 = arith.constant 0 : i32
    %dma_wait3A_192 = tpu.memref_slice %arg11[%rem3A_186, %dma_wait3A_190, %dma_wait3A_191] : memref<2x128x64xf32, #tpu.memory_space<vmem>> -> memref<1x128x64xf32, #tpu.memory_space<vmem>>
    %dma_wait3A_193 = tpu.memref_squeeze %dma_wait3A_192 : memref<1x128x64xf32, #tpu.memory_space<vmem>> -> memref<128x64xf32, #tpu.memory_space<vmem>>
    %dma_wait3A_194 = arith.constant 0 : i32
    %dma_wait3A_195 = tpu.memref_slice %arg8[%rem3A_189, %dma_wait3A_194] : memref<4x128xi32, #tpu.memory_space<vmem>> -> memref<1x128xi32, #tpu.memory_space<vmem>>
    %dma_wait3A_196 = tpu.memref_squeeze %dma_wait3A_195 : memref<1x128xi32, #tpu.memory_space<vmem>> -> memref<128xi32, #tpu.memory_space<vmem>>
    %dma_wait3A_197 = arith.constant 0 : i32
    %dma_wait3A_198 = arith.constant 0 : i32
    %dma_wait3A_199 = tpu.memref_slice %arg12[%dma_wait3A_197, %dma_wait3A_198] : memref<10240x64xf32, #tpu.memory_space<vmem_shared>> -> memref<10240x64xf32, #tpu.memory_space<vmem_shared>>
    %dma_wait3A_200 = tpu.memref_slice %arg14[%rem3A_186] : memref<2x!tpu.dma_semaphore, #tpu.memory_space<semaphore_mem>> -> memref<1x!tpu.dma_semaphore, #tpu.memory_space<semaphore_mem>>
    %dma_wait3A_201 = tpu.memref_squeeze %dma_wait3A_200 : memref<1x!tpu.dma_semaphore, #tpu.memory_space<semaphore_mem>> -> memref<!tpu.dma_semaphore, #tpu.memory_space<semaphore_mem>>
    tpu.wait_indirect_dma semaphore(%dma_wait3A_201 : memref<!tpu.dma_semaphore, #tpu.memory_space<semaphore_mem>>) src(%dma_wait3A_193 : memref<128x64xf32, #tpu.memory_space<vmem>>) dst(%dma_wait3A_199 : memref<10240x64xf32, #tpu.memory_space<vmem_shared>>)
    %barrier3A_202 = arith.constant 0 : index
    tpu.barrier barrier_id(%barrier3A_202)
    %mul3A_203 = arith.constant 640 : i32
    %mul3A_204 = arith.muli %arg1, %mul3A_203 : i32
    %mul3A_205 = arith.constant 640 : i32
    %mul3A_206 = arith.muli %arg1, %mul3A_205 : i32
    "tpu.region"() ({
      %run_scoped3A_207 = tpu.sem_alloc : memref<!tpu.dma_semaphore, #tpu.memory_space<semaphore_mem>>
      %dma_start3A_208 = arith.constant 0 : i32
      %dma_start3A_209 = tpu.memref_slice %arg6[%arg0, %mul3A_206, %dma_start3A_208] : memref<2x10240x64xf32, #tpu.memory_space<hbm>> -> memref<1x640x64xf32, #tpu.memory_space<hbm>>
      %dma_start3A_210 = tpu.memref_squeeze %dma_start3A_209 : memref<1x640x64xf32, #tpu.memory_space<hbm>> -> memref<640x64xf32, #tpu.memory_space<hbm>>
      %dma_start3A_211 = arith.constant 0 : i32
      %dma_start3A_212 = tpu.memref_slice %arg12[%mul3A_204, %dma_start3A_211] : memref<10240x64xf32, #tpu.memory_space<vmem_shared>> -> memref<640x64xf32, #tpu.memory_space<vmem_shared>>
      tpu.enqueue_dma source(%dma_start3A_212 : memref<640x64xf32, #tpu.memory_space<vmem_shared>>) target(%dma_start3A_210 : memref<640x64xf32, #tpu.memory_space<hbm>>) target_semaphore(%run_scoped3A_207 : memref<!tpu.dma_semaphore, #tpu.memory_space<semaphore_mem>>)
      %dma_wait3A_213 = arith.constant 0 : i32
      %dma_wait3A_214 = tpu.memref_slice %arg6[%arg0, %mul3A_206, %dma_wait3A_213] : memref<2x10240x64xf32, #tpu.memory_space<hbm>> -> memref<1x640x64xf32, #tpu.memory_space<hbm>>
      %dma_wait3A_215 = tpu.memref_squeeze %dma_wait3A_214 : memref<1x640x64xf32, #tpu.memory_space<hbm>> -> memref<640x64xf32, #tpu.memory_space<hbm>>
      %dma_wait3A_216 = arith.constant 0 : i32
      %dma_wait3A_217 = tpu.memref_slice %arg12[%mul3A_204, %dma_wait3A_216] : memref<10240x64xf32, #tpu.memory_space<vmem_shared>> -> memref<640x64xf32, #tpu.memory_space<vmem_shared>>
      tpu.wait_dma2 semaphore(%run_scoped3A_207 : memref<!tpu.dma_semaphore, #tpu.memory_space<semaphore_mem>>) src(%dma_wait3A_217 : memref<640x64xf32, #tpu.memory_space<vmem_shared>>) dst(%dma_wait3A_215 : memref<640x64xf32, #tpu.memory_space<hbm>>)
      tpu.yield
    }) : () -> ()
    return
  }
}

module attributes {stable_mosaic.version = 14 : i64} {
  func.func @_tc_matmul_body(%arg0: memref<256x128xf32, #tpu.memory_space<vmem>>, %arg1: memref<10240x64xf32, #tpu.memory_space<vmem>>, %arg2: memref<10240x64xf32, #tpu.memory_space<vmem>>, %arg3: memref<10240xf32, #tpu.memory_space<vmem>>, %arg4: memref<256x10240xf32, #tpu.memory_space<vmem>>) attributes {dimension_semantics = [], scalar_prefetch = 0 : i64, scratch_operands = 0 : i64, tpu.core_type = #tpu.core_type<tc>} {
    %get3A = arith.constant 0 : index
    %get3A_0 = arith.constant 0 : index
    %get3A_1 = vector.load %arg0[%get3A, %get3A_0] : memref<256x128xf32, #tpu.memory_space<vmem>>, vector<256x64xf32>
    %get3A_2 = arith.constant 0 : index
    %get3A_3 = arith.constant 0 : index
    %get3A_4 = vector.load %arg1[%get3A_2, %get3A_3] : memref<10240x64xf32, #tpu.memory_space<vmem>>, vector<10240x64xf32>
    %dot_general3A = arith.constant dense<0.000000e+00> : vector<256x10240xf32>
    %dot_general3A_5 = tpu.matmul %get3A_1, %get3A_4, %dot_general3A {dimension_numbers = #tpu.dot_dimension_numbers<[1], [1], [0], [0], [0, 0, 1, 0], [], []>, transpose_lhs_hint = false} : vector<256x64xf32>, vector<10240x64xf32>, vector<256x10240xf32> -> vector<256x10240xf32>
    %get3A_6 = arith.constant 0 : index
    %get3A_7 = arith.constant 64 : index
    %get3A_8 = vector.load %arg0[%get3A_6, %get3A_7] : memref<256x128xf32, #tpu.memory_space<vmem>>, vector<256x64xf32>
    %get3A_9 = arith.constant 0 : index
    %get3A_10 = arith.constant 0 : index
    %get3A_11 = vector.load %arg2[%get3A_9, %get3A_10] : memref<10240x64xf32, #tpu.memory_space<vmem>>, vector<10240x64xf32>
    %dot_general3A_12 = arith.constant dense<0.000000e+00> : vector<256x10240xf32>
    %dot_general3A_13 = tpu.matmul %get3A_8, %get3A_11, %dot_general3A_12 {dimension_numbers = #tpu.dot_dimension_numbers<[1], [1], [0], [0], [0, 0, 1, 0], [], []>, transpose_lhs_hint = false} : vector<256x64xf32>, vector<10240x64xf32>, vector<256x10240xf32> -> vector<256x10240xf32>
    %add3A = arith.addf %dot_general3A_5, %dot_general3A_13 : vector<256x10240xf32>
    %get3A_14 = arith.constant 0 : index
    %get3A_15 = vector.load %arg3[%get3A_14] : memref<10240xf32, #tpu.memory_space<vmem>>, vector<10240xf32>
    %broadcast_in_dim3A = vector.shape_cast %get3A_15 : vector<10240xf32> to vector<1x10240xf32>
    %add3A_16 = vector.broadcast %broadcast_in_dim3A : vector<1x10240xf32> to vector<256x10240xf32>
    %add3A_17 = arith.addf %add3A, %add3A_16 : vector<256x10240xf32>
    %swap3A = arith.constant 0 : index
    %swap3A_18 = arith.constant 0 : index
    %swap3A_19 = vector.load %arg4[%swap3A, %swap3A_18] : memref<256x10240xf32, #tpu.memory_space<vmem>>, vector<256x10240xf32>
    tpu.vector_store %arg4[%swap3A, %swap3A_18], %add3A_17 {strides = array<i32>} : memref<256x10240xf32, #tpu.memory_space<vmem>>, vector<256x10240xf32>,
    return
  }
}

</mosaic_0001>

<sc_bundles>
// kernel: kernel.4.cloned.1.call-start
scs
__scs_entry_jumppad:
0x0: {  	(pc) =	sbr.rel $0x88, $3  }
0x1: {  	(tag) =	ssettag $0x0;
	lr =	simm.s32 $0x1  }
0x2: {  	[smem:$0x3F9C] =	sst lr;
	_ =	strace $0xD0000000  }
0x3: {  	_ = 	snop  }
0x4: {  	_ = 	snop  }
0x5: {  	_ = 	snop  }
0x6: {  	_ = 	snop  }
0x7: {  	_ = 	snop  }
__scs_overlays_trampoline_lowered:
0x8: {  	[smem:$0x3FAB] =	sst s0  }
0x9: {  	[smem:$0x3FAC] =	sst s1  }
0xa: {  	[smem:$0x3FAD] =	sst s2  }
0xb: {  	[smem:$0x3FAE] =	sst s3  }
0xc: {  	[smem:$0x3FAF] =	sst s4  }
0xd: {  	[smem:$0x3FB0] =	sst s5  }
0xe: {  	[smem:$0x3FB1] =	sst s6  }
0xf: {  	[smem:$0x3FB2] =	sst s7  }
0x10: {  	[smem:$0x3FB3] =	sst s8  }
0x11: {  	[smem:$0x3FB4] =	sst s9;
	s0 =	simm.s32 @!p0 $0x0  }
0x12: {  	s1 =	sld [smem:$0x3F9A];
	s0 =	simm.s32 @p0 $0x1  }
0x13: {  	[smem:$0x3FB5] =	sst s0;
	s0 =	simm.s32 @!p1 $0x0  }
0x14: {  	s2 =	sld [smem:$0x3F99];
	s0 =	simm.s32 @p1 $0x1  }
0x15: {  	[smem:$0x3FB6] =	sst s0;
	s0 =	simm.s32 @!p2 $0x0  }
0x16: {  	s3 =	sld [smem:$0x3FDB];
	s0 =	simm.s32 @p2 $0x1  }
0x17: {  	s4 =	simm.s32 $0x1BF5;
	[smem:$0x3FB8] =	sst s0  }
0x18: {  	s0 =	sld [smem:$0x3F9B];
	_ =	swait.ge [sflag:s4], $0x0  }
0x19: {  	s7 =	sld [smem:$0x3F9C]  }
0x1a: {  	s8 =	sadd.s32 $0xFFFFE003, lr  }
0x1b: {  	s9 =	sadd.s32 $0xFFFFFEF7, lr;
	s5 =	simm.s32 $0xFFFFFFFF;
	p2 =	slt.u32 s8, $0xFFFFF086  }
0x1c: {  	p1 =	slt.u32 s9, $0xF7A;
	s5 =	simm.s32 @!p2 $0x0  }
0x1d: {  	s5 =	simm.s32 @p1 $0x1;
	p0 =	seq.s32 s7, s2  }
0x1e: {  	s7 =	smul.u32 @!p0 $0xF7A, s2;
	p2 =	seq.s32 @!p0 s5, $0x0  }
0x1f: {  	s9 =	smul.u32 $0xF7A, s1;
	s8 =	simm.s32 @!p0 $0x1BF5;
	p2 =	por !p2, p0  }
0x20: {  	[sflag:s8] =	ssyncset.s32 @!p0 $0xFFFFF086;
	s6 =	sadd.s32 @!p0 s3, s7;
	s7 =	simm.s32 @!p0 $0x108  }
0x21: {  	s3 =	sadd.s32 s3, s9;
	s6 =	sadd.s32 @!p0 $0x88, s6;
	s7 =	simm.s32 @p2 $0x1082  }
0x22: {  	[simem:s7], [sflag:s8] =	dma.local @!p0 [hbm:s6], $0xF7A  }
0x23: {  	s9 =	sor.u32 $0xD0000000, s2;
	s6 =	simm.s32 $0x108;
	_ =	swait.ge @!p0 [sflag:s8], $0x0  }
0x24: {  	s3 =	sadd.s32 $0x88, s3;
	s6 =	simm.s32 @!p1 $0x1082;
	[sflag:s4] =	ssyncset.s32 $0xFFFFF086  }
0x25: {  	[simem:s6], [sflag:s4] =	dma.local [hbm:s3], $0xF7A  }
0x26: {  	[smem:$0x3F9C] =	sst s1;
	(tag) =	ssettag s2;
	_ =	strace s9  }
0x27: {  	s1 =	sld [smem:$0x3FAC]  }
0x28: {  	s2 =	sld [smem:$0x3FAD]  }
0x29: {  	s4 =	sld [smem:$0x3FAF]  }
0x2a: {  	p0 =	seq.s32 s5, $0x0;
	s5 =	sld [smem:$0x3FB0]  }
0x2b: {  	s6 =	sld [smem:$0x3FB1]  }
0x2c: {  	s7 =	sld [smem:$0x3FB2]  }
0x2d: {  	s3 =	simm.s32 $0x108;
	s8 =	sld [smem:$0x3FB3]  }
0x2e: {  	s3 =	simm.s32 @!p0 $0x1082;
	s9 =	sld [smem:$0x3FB4]  }
0x2f: {  	lr =	sadd.s32 s0, s3;
	s0 =	sld [smem:$0x3FAB]  }
0x30: {  	s3 =	sld [smem:$0x3FAE]  }
0x31: {  	[smem:$0x3FB7] =	sst s10  }
0x32: {  	s10 =	sld [smem:$0x3FB5];
	_ =	sdelay $0x3  }
0x33: {  	p0 =	seq.s32 s10, $0x1;
	s10 =	sld [smem:$0x3FB7];
	_ =	sdelay $0x3  }
0x34: {  	[smem:$0x3FB7] =	sst s10  }
0x35: {  	s10 =	sld [smem:$0x3FB6];
	_ =	sdelay $0x3  }
0x36: {  	p1 =	seq.s32 s10, $0x1;
	s10 =	sld [smem:$0x3FB7];
	_ =	sdelay $0x3  }
0x37: {  	[smem:$0x3FB7] =	sst s10  }
0x38: {  	s10 =	sld [smem:$0x3FB8]  }
0x39: {  	_ = 	snop;
	(pc) =	sbr.ind lr, $3  }
0x3a: {  	_ = 	snop  }
0x3b: {  	_ = 	snop  }
0x3c: {  	p2 =	seq.s32 s10, $0x1;
	s10 =	sld [smem:$0x3FB7]  }
0x3d: {  	_ =	shalt  }
0x3e: {  	_ =	shalt  }
0x3f: {  	_ =	shalt  }
0x40: {  	_ =	shalt  }
0x41: {  	_ =	shalt  }
0x42: {  	_ =	shalt  }
0x43: {  	_ =	shalt  }
0x44: {  	_ =	shalt  }
0x45: {  	_ =	shalt  }
0x46: {  	_ =	shalt  }
0x47: {  	_ =	shalt  }
0x48: {  	_ =	shalt  }
0x49: {  	_ =	shalt  }
0x4a: {  	_ =	shalt  }
0x4b: {  	_ =	shalt  }
0x4c: {  	_ =	shalt  }
0x4d: {  	_ =	shalt  }
0x4e: {  	_ =	shalt  }
0x4f: {  	_ =	shalt  }
0x50: {  	_ =	shalt  }
0x51: {  	_ =	shalt  }
0x52: {  	_ =	shalt  }
0x53: {  	_ =	shalt  }
0x54: {  	_ =	shalt  }
0x55: {  	_ =	shalt  }
0x56: {  	_ =	shalt  }
0x57: {  	_ =	shalt  }
0x58: {  	_ =	shalt  }
0x59: {  	_ =	shalt  }
0x5a: {  	_ =	shalt  }
0x5b: {  	_ =	shalt  }
0x5c: {  	_ =	shalt  }
0x5d: {  	_ =	shalt  }
0x5e: {  	_ =	shalt  }
0x5f: {  	_ =	shalt  }
0x60: {  	_ =	shalt  }
0x61: {  	_ =	shalt  }
0x62: {  	_ =	shalt  }
0x63: {  	_ =	shalt  }
0x64: {  	_ =	shalt  }
0x65: {  	_ =	shalt  }
0x66: {  	_ =	shalt  }
0x67: {  	_ =	shalt  }
0x68: {  	_ =	shalt  }
0x69: {  	_ =	shalt  }
0x6a: {  	_ =	shalt  }
0x6b: {  	_ =	shalt  }
0x6c: {  	_ =	shalt  }
0x6d: {  	_ =	shalt  }
0x6e: {  	_ =	shalt  }
0x6f: {  	_ =	shalt  }
0x70: {  	_ =	shalt  }
0x71: {  	_ =	shalt  }
0x72: {  	_ =	shalt  }
0x73: {  	_ =	shalt  }
0x74: {  	_ =	shalt  }
0x75: {  	_ =	shalt  }
0x76: {  	_ =	shalt  }
0x77: {  	_ =	shalt  }
0x78: {  	_ =	shalt  }
0x79: {  	_ =	shalt  }
0x7a: {  	_ =	shalt  }
0x7b: {  	_ =	shalt  }
0x7c: {  	_ =	shalt  }
0x7d: {  	_ =	shalt  }
0x7e: {  	_ =	shalt  }
0x7f: {  	_ =	shalt  }
0x80: {  	_ =	shalt  }
0x81: {  	_ =	shalt  }
0x82: {  	_ =	shalt  }
0x83: {  	_ =	shalt  }
0x84: {  	_ =	shalt  }
0x85: {  	_ =	shalt  }
0x86: {  	_ =	shalt  }
0x87: {  	_ =	shalt  }
.Lfunc_end0:
.L_simem_size_0:
called_computation_lowered:
.L_overlay_start_0:
0x88: {  	s2 =	sld [smem:$0x3FD9]  }
0x89: {  	s3 =	sld [smem:$0x3FFE];
	_ =	sdelay $0x1  }
0x8a: {  	s1 =	srdreg.scid  }
0x8b: {  	s0 =	sand.u32 $0x1, s1  }
0x8c: {  	s17 =	sshll.u32 s0, $0xA;
	s2 =	sadd.s32 s3, s2  }
0x8d: {  	s2 =	sadd.s32 s2, s17  }
0x8e: {  	[smem:$0x3FC3] =	sst s2  }
0x8f: {  	_ = 	snop  }
0x90: {  	s2 =	sld [smem:$0x3FD0];
	(tm) =	ssettm $0x1  }
0x91: {  	s18 =	sld [smem:$0x3FFB];
	_ =	sdelay $0x3  }
0x92: {  	_ =	strace s18  }
0x93: {  	s3 =	sld [smem:$0x3FFC];
	_ =	sdelay $0x3  }
0x94: {  	_ =	strace s3  }
0x95: {  	s3 =	sld [smem:$0x3FFD];
	_ =	sdelay $0x3  }
0x96: {  	_ =	strace s3  }
0x97: {  	_ =	strace $0x8FFFFFFF  }
0x98: {  	s19 =	sld [smem:$0x3FDB];
	_ =	sdelay $0x1  }
0x99: {  	s4 =	simm.s32 $_scs_section_size  }
0x9a: {  	s5 =	simm.s32 $_size__tile_overlayer_lowered;
	s6 =	simm.s32 $_tile_overlayer_lowered  }
0x9b: {  	s22 =	simm.s32 $0x1BFF;
	s21 =	sshll.u32 s6, $0x1;
	s3 =	sadd.s32 s4, s19  }
0x9c: {  	s7 =	simm.s32 $0x0;
	s20 =	sshll.u32 s5, $0x1;
	s5 =	sadd.s32 s21, s3  }
0x9d: {  	[timem:s7], [sflag:s22] =	dma.local [hbm:s5], s20  }
0x9e: {  	_ =	swait.ge [sflag:s22], s20  }
0x9f: {  	s4 =	ssub.s32 $0x0, s20;
	[sflag:s22] =	ssyncset.done $0x0  }
0xa0: {  	[sflag:s22] =	ssyncadd.s32 s4;
	_ =	sdelay $0x1  }
0xa1: {  	s23 =	simm.s32 $0x1B8B  }
0xa2: {  	_ =	swait.ge [sflag:s23], $0x1  }
0xa3: {  	[sflag:s23] =	ssyncset.done $0x0  }
0xa4: {  	s25 =	simm.s32 $0x1B8E;
	s24 =	sld [smem:$0x3FFE];
	[sflag:s23] =	ssyncadd.s32 $0xFFFFFFFF  }
0xa5: {  	s26 =	simm.s32 $execute0_lowered;
	[smem:$0x3FD2] =	sst s25  }
0xa6: {  	s5 =	sshll.u32 s26, $0x1;
	_ =	strace $0x80000046;
	[dreg:$0x1] =	wrdreg $0xFFFFFFFF  }
0xa7: {  	s28 =	simm.s32 $_size_execute0_lowered;
	s3 =	sadd.s32 s3, s5;
	[dreg:$0x0] =	wrdreg $0x0  }
0xa8: {  	s5 =	sshll.u32 s28, $0x1;
	[dreg:$0x2] =	wrdreg s3  }
0xa9: {  	[dreg:$0x3] =	wrdreg s5  }
0xaa: {  	[dreg:$0x4] =	wrdreg $0xC0  }
0xab: {  	_ =	task [dreg:s7], $0x5FFFF  }
0xac: {  	[dreg:$0x1] =	wrdreg $0xFFFFFFFF  }
0xad: {  	[dreg:$0x0] =	wrdreg $0x60  }
0xae: {  	[dreg:$0x2] =	wrdreg s24  }
0xaf: {  	[dreg:$0x3] =	wrdreg s2  }
0xb0: {  	[dreg:$0x4] =	wrdreg $0x86000  }
0xb1: {  	[dreg:$0x5] =	wrdreg $0x9  }
0xb2: {  	_ =	task.clear_ibuf [dreg:s7], $0x6FFFF;
	_ =	strace $0x90000046  }
0xb3: {  	s29 =	simm.s32 $0x9;
	_ =	strace $0x80000048  }
0xb4: {  	_ =	swait.ge [sflag:s29], $0x1  }
0xb5: {  	[sflag:s29] =	ssyncadd.s32 $0xFFFFFFFF  }
0xb6: {  	_ =	strace $0x90000048  }
0xb7: {  	_ =	sfence  }
0xb8: {  	s30 =	sld [smem:$0x0];
	_ =	sdelay $0x2  }
0xb9: {  	s31 =	sshll.u32 s1, $0xD;
	s1 =	sshrl.u32 s1, $0x2  }
0xba: {  	s3 =	sand.u32 $0x4000, s31;
	s1 =	sadd.s32 s1, s30  }
0xbb: {  	s0 =	sor.u32 s3, s0;
	s1 =	sshll.u32 s1, $0x11  }
0xbc: {  	s0 =	sor.u32 s1, s0  }
0xbd: {  	s0 =	sadd.s32 $0x8F2B, s0  }
0xbe: {  	[sflag:s0] =	ssyncadd.remote.s32 $0x1  }
0xbf: {  	_ =	sfence.sel $0xFFFF  }
0xc0: {  	[dreg:$0x0] =	wrdreg $0xFFFFFFFF;
	(pc) =	sbr.abs _section_cstart, $3  }
0xc1: {  	[dreg:$0x1] =	wrdreg $0xFFFFFFFF  }
0xc2: {  	_ =	task.clear_ibuf [dreg:s7], $0x2FFFF;
	_ =	strace $0x9FFFFFFF  }
0xc3: {  	(tm) =	ssettm $0x7FFFFFFF  }
tec
execute0_lowered:
.L_overlay_start_1:
0x0: {  	(tag) =	ssettag $0x1  }
0x1: {  	s0 =	rddreg [dreg:$0x0]  }
0x2: {  	s3 =	rddreg [dreg:$0x1]  }
0x3: {  	s1 =	rddreg [dreg:$0x2];
	s2 =	simm.s32 $0x0;
	s15 =	stileid.u32  }
0x4: {  	s4 =	srdreg.scid;
	s29 =	simm.s32 $0x5;
	s7 =	smul.u32 $0x28000, s15  }
0x5: {  	s30 =	simm.s32 $0x9;
	s31 =	simm.s32 $0xD;
	s14 =	smul.u32 $0xA000, s15  }
0x6: {  	[smem:$0x7FF] =	sst s2;
	s5 =	sand.u32 $0x1, s4;
	s11 =	smul.u32 $0x4F00, s15  }
0x7: {  	s6 =	sadd.s32 $0x31800, s0;
	s8 =	sadd.s32 $0x27A00, s0;
	s23 =	smul.u32 $0x9E0, s15  }
0x8: {  	s9 =	sadd.s32 $0x3B600, s0;
	s4 =	smul.u32 $0x13880, s5;
	_ =	strace $0x80000047  }
0x9: {  	s13 =	ssub.s32 $0x2, s5;
	s5 =	smul.u32 $0xA0000, s5;
	s7 =	sshrl.u32 s7, $0x2  }
0xa: {  	s10 =	sshrl.u32 s13, $0x1;
	s12 =	sshrl.u32 s11, $0x3;
	s24 =	sadd.s32 s23, s9  }
0xb: {  	s25 =	sadd.s32 s23, s6;
	s26 =	sadd.s32 s23, s8;
	s23 =	simm.s32 $0x4  }
0xc: {  	s0 =	sadd.s32 s4, s0;
	s7 =	sadd.s32 s7, s1;
	s17 =	ssub.s32 s13, s10  }
0xd: {  	s4 =	sadd.s32 s14, s1;
	s20 =	sadd.s32 s8, s12;
	s21 =	sadd.s32 s6, s12  }
0xe: {  	s11 =	sadd.s32 s9, s12;
	s22 =	sor.u32 $0x10, s12;
	s5 =	sadd.s32 s14, s5  }
0xf: {  	s28 =	sadd.s32 $0x20, s26;
	s16 =	sadd.s32 $0x2000, s7;
	s18 =	sadd.s32 $0x4000, s7  }
0x10: {  	s19 =	sadd.s32 $0x6000, s7;
	s7 =	sadd.s32 $0x8000, s7;
	[dreg:$0x8] =	wrdreg s20  }
0x11: {  	v0 =	vimm.f32 $0.0e+00;
	v1 =	vimm.s32 $0x0;
	[dreg:$0x9] =	wrdreg s21;
	s12 =	sadd.s32 s8, s22;
	s13 =	sadd.s32 s6, s22  }
0x12: {  	v2 =	vimm.s32 $0x1;
	v3 =	vimm.s32 $0x2;
	v4 =	vimm.s32 $0x3;
	s14 =	sadd.s32 s9, s22;
	s5 =	sshrl.u32 s5, $0x3;
	[dreg:$0x4] =	wrdreg s16  }
0x13: {  	v5 =	vimm.s32 $0x4;
	v6 =	vimm.s32 $0x5;
	v7 =	vimm.s32 $0x6;
	s15 =	sadd.s32 $0x800, s0;
	s17 =	smax.u32 s17, $0x1;
	[dreg:$0x5] =	wrdreg s18  }
0x14: {  	v8 =	vimm.s32 $0x7;
	v9 =	vimm.s32 $0x8;
	v10 =	vimm.s32 $0x9;
	s21 =	simm.s32 $0x600;
	s22 =	simm.s32 $0x11;
	[dreg:$0x6] =	wrdreg s19  }
0x15: {  	v11 =	vimm.s32 $0xA;
	v12 =	vimm.s32 $0xB;
	v13 =	vimm.s32 $0xC;
	s0 =	simm.s32 $0x3;
	[dreg:$0x7] =	wrdreg s7;
	s16 =	sadd.s32 s3, s5  }
0x16: {  	v14 =	vimm.s32 $0xD;
	v15 =	vimm.s32 $0xE;
	v16 =	vimm.s32 $0xF;
	s5 =	sadd.s32 $0x20, s24;
	s3 =	sadd.s32 $0x20, s25;
	s25 =	simm.s32 $0x80  }
.LBB2_1:
0x17: {  	s7 =	simm.s32 $0x100;
	s6 =	simm.s32 $0x0  }
.LBB2_2:
0x18: {  	p0 =	sne.s32 s7, $0x7F00;
	[tilespmem:s6+$0x630] =	vst v0;
	s8 =	smov.u32 s7;
	s7 =	sadd.s32 $0x100, s7  }
.Ltmp0:
0x19: {  	[tilespmem:s6+$0x620] =	vst v0;
	(pc) =	sbr.rel @p0 .LBB2_2-.Ltmp0, $3  }
0x1a: {  	[tilespmem:s6+$0x600] =	vst v0  }
0x1b: {  	[tilespmem:s6+$0x610] =	vst v0;
	_ =	sdelay $0x1  }
0x1c: {  	s6 =	sshra.s32 s8, $0x2  }
0x1d: {  	[tilespmem:s6+$0x630] =	vst v0  }
0x1e: {  	[tilespmem:s6+$0x620] =	vst v0  }
0x1f: {  	[tilespmem:s6+$0x600] =	vst v0  }
0x20: {  	[tilespmem:s6+$0x610] =	vst v0  }
0x21: {  	[spmem:s4] =	stream.linear.scatter [tilespmem:s21], [sflag:$0x11], $0x2000, $0x38;
	[tilespmem:$0x12600] =	vst v63  }
0x22: {  	_ =	swait.ge [sflag:s22], $0x2000  }
0x23: {  	[sflag:s22] =	ssyncset.done $0x0  }
0x24: {  	s26 =	rddreg [dreg:$0x4];
	[sflag:s22] =	ssyncadd.s32 $0xFFFFE000  }
0x25: {  	[spmem:s26] =	stream.linear.scatter [tilespmem:s21], [sflag:$0x11], $0x2000, $0x38;
	[tilespmem:$0x12600] =	vst v63  }
0x26: {  	_ =	swait.ge [sflag:s22], $0x2000  }
0x27: {  	[sflag:s22] =	ssyncset.done $0x0  }
0x28: {  	s7 =	rddreg [dreg:$0x5];
	[sflag:s22] =	ssyncadd.s32 $0xFFFFE000  }
0x29: {  	[spmem:s7] =	stream.linear.scatter [tilespmem:s21], [sflag:$0x11], $0x2000, $0x38;
	[tilespmem:$0x12600] =	vst v63  }
0x2a: {  	_ =	swait.ge [sflag:s22], $0x2000  }
0x2b: {  	[sflag:s22] =	ssyncset.done $0x0  }
0x2c: {  	s8 =	rddreg [dreg:$0x6];
	[sflag:s22] =	ssyncadd.s32 $0xFFFFE000  }
0x2d: {  	[spmem:s8] =	stream.linear.scatter [tilespmem:s21], [sflag:$0x11], $0x2000, $0x38;
	[tilespmem:$0x12600] =	vst v63  }
0x2e: {  	_ =	swait.ge [sflag:s22], $0x2000  }
0x2f: {  	[sflag:s22] =	ssyncset.done $0x0  }
0x30: {  	s9 =	rddreg [dreg:$0x7];
	[sflag:s22] =	ssyncadd.s32 $0xFFFFE000  }
0x31: {  	[spmem:s9] =	stream.linear.scatter [tilespmem:s21], [sflag:$0x11], $0x2000, $0x38;
	[tilespmem:$0x12600] =	vst v63  }
0x32: {  	_ =	swait.ge [sflag:s22], $0x2000  }
0x33: {  	[sflag:s22] =	ssyncset.done $0x0  }
0x34: {  	[sflag:s22] =	ssyncadd.s32 $0xFFFFE000  }
0x35: {  	[bflag:$0x0] =	sbarrier.arrive $0xFFFF  }
0x36: {  	s24 =	simm.s32 $0x0;
	s10 =	rddreg [dreg:$0x8]  }
0x37: {  	[tilespmem:s24], [sflag:$0x5] =	stream.linear.gather [hbm4b:s10+s24], $0x80, $0x38;
	[tilespmem:$0x12600] =	vst v63  }
0x38: {  	s7 =	simm.s32 $0x200;
	s18 =	rddreg [dreg:$0x9]  }
0x39: {  	[tilespmem:s7], [sflag:$0x9] =	stream.linear.gather [hbm4b:s18+s24], $0x80, $0x38;
	[tilespmem:$0x12600] =	vst v63  }
0x3a: {  	s19 =	simm.s32 $0x400  }
0x3b: {  	[tilespmem:s19], [sflag:$0xD] =	stream.linear.gather [hbm4b:s11+s24], $0x80, $0x38;
	[tilespmem:$0x12600] =	vst v63  }
0x3c: {  	_ = 	snop  }
0x3d: {  	[tilespmem:s25], [sflag:$0x6] =	stream.linear.gather [hbm4b:s12+s24], $0x80, $0x38;
	[tilespmem:$0x12600] =	vst v63  }
0x3e: {  	s20 =	simm.s32 $0x280  }
0x3f: {  	[tilespmem:s20], [sflag:$0xA] =	stream.linear.gather [hbm4b:s13+s24], $0x80, $0x38;
	[tilespmem:$0x12600] =	vst v63  }
0x40: {  	s26 =	simm.s32 $0x480  }
0x41: {  	[tilespmem:s26], [sflag:$0xE] =	stream.linear.gather [hbm4b:s14+s24], $0x80, $0x38;
	[tilespmem:$0x12600] =	vst v63  }
0x42: {  	_ =	swait.ge [sflag:s29], $0x80  }
0x43: {  	[sflag:s29] =	ssyncset.done $0x0  }
0x44: {  	[sflag:s29] =	ssyncadd.s32 $0xFFFFFF80  }
0x45: {  	_ =	swait.ge [sflag:s30], $0x80  }
0x46: {  	[sflag:s30] =	ssyncset.done $0x0  }
0x47: {  	[sflag:s30] =	ssyncadd.s32 $0xFFFFFF80  }
0x48: {  	_ =	swait.ge [sflag:s31], $0x80  }
0x49: {  	s18 =	smov.u32 s5;
	s19 =	smov.u32 s3;
	[sflag:s31] =	ssyncset.done $0x0  }
0x4a: {  	s20 =	smov.u32 s28;
	s26 =	simm.s32 $0x2;
	[sflag:s31] =	ssyncadd.s32 $0xFFFFFF80  }
0x4b: {  	[tilespmem:s21], [sflag:$0x1] =	stream.indirect.gather [hbm4b:s15+s25], $0x40, s24, s25, $0xb8;
	[tilespmem:$0x12600] =	vst v63  }
.LBB2_4:
0x4c: {  	s7 =	sadd.s32 $0xFFFFFFFF, s26;
	p0 =	seq.s32 s26, $0x9F  }
0x4d: {  	s8 =	sand.u32 @!p0 $0x3, s7  }
0x4e: {  	s6 =	sadd.s32 @!p0 $0x5, s8  }
0x4f: {  	_ =	swait.ge @!p0 [sflag:s6], $0x80  }
0x50: {  	[sflag:s6] =	ssyncset.done @!p0 $0x0  }
0x51: {  	s9 =	sadd.s32 @!p0 $0x9, s8;
	[sflag:s6] =	ssyncadd.s32 @!p0 $0xFFFFFF80  }
0x52: {  	p1 =	seq.s32 @!p0 s26, $0x2;
	_ =	swait.ge @!p0 [sflag:s9], $0x80  }
0x53: {  	p1 =	por p1, p0;
	[sflag:s9] =	ssyncset.done @!p0 $0x0  }
0x54: {  	s6 =	sadd.s32 $0xFFFFFFFE, s26;
	[sflag:s9] =	ssyncadd.s32 @!p0 $0xFFFFFF80;
	s9 =	sadd.s32 @!p0 $0xD, s8  }
0x55: {  	s10 =	sxor.u32 @!p1 $0xFFFFFFFF, s6;
	_ =	swait.ge @!p0 [sflag:s9], $0x80  }
0x56: {  	s10 =	sand.u32 @!p1 $0x1, s10;
	[sflag:s9] =	ssyncset.done @!p0 $0x0  }
0x57: {  	[sflag:s9] =	ssyncadd.s32 @!p0 $0xFFFFFF80;
	s9 =	sadd.s32 @!p1 $0x3, s10  }
0x58: {  	_ =	swait.ge @!p1 [sflag:s9], $0x2000  }
0x59: {  	s7 =	sand.u32 @!p0 $0x1, s7;
	[sflag:s9] =	ssyncset.done @!p1 $0x0  }
0x5a: {  	s8 =	sshll.u32 @!p0 s8, $0x7;
	[sflag:s9] =	ssyncadd.s32 @!p1 $0xFFFFE000;
	s9 =	sshll.u32 @!p0 s7, $0xD  }
0x5b: {  	s10 =	simm.s32 @!p0 $0x80;
	s7 =	sadd.s32 @!p0 $0x1, s7;
	s9 =	sor.u32 @!p0 $0x600, s9  }
0x5c: {  	[tilespmem:s9], [sflag:s7] =	stream.indirect.gather @!p0 [hbm4b:s15+s10], $0x40, s8, s10, $0xb8;
	[tilespmem:$0x12600] =	vst v63  }
0x5d: {  	s7 =	sand.u32 $0x1, s6  }
0x5e: {  	s10 =	sadd.s32 $0x1, s7  }
0x5f: {  	_ =	swait.ge [sflag:s10], $0x2000  }
0x60: {  	[sflag:s10] =	ssyncset.done $0x0  }
0x61: {  	s8 =	sand.u32 $0x180, s24;
	[sflag:s10] =	ssyncadd.s32 $0xFFFFE000  }
0x62: {  	v18 =	vld [tilespmem:s8+$0x400]  }
0x63: {  	s9 =	sshll.u32 s7, $0xD  }
0x64: {  	v17 =	vld [tilespmem:s9+$0x600]  }
0x65: {  	v19 =	vld [tilespmem:s9+$0x610]  }
0x66: {  	v20 =	vld [tilespmem:s9+$0x620]  }
0x67: {  	v22 =	vld [tilespmem:s9+$0x630];
	v21 =	vperm.xlane v18, v1  }
0x68: {  	v23 =	vld [tilespmem:s9+$0x640]  }
0x69: {  	v24 =	vld [tilespmem:s9+$0x650];
	v17 =	vmul.f32 v17, v21  }
0x6a: {  	v25 =	vld [tilespmem:s9+$0x660];
	v19 =	vmul.f32 v19, v21  }
0x6b: {  	v26 =	vld [tilespmem:s9+$0x670];
	v49 =	vperm.xlane v18, v2;
	[tilespmem:s9+$0x4600] =	vst v17;
	v17 =	vmul.f32 v20, v21  }
0x6c: {  	v50 =	vld [tilespmem:s9+$0x680];
	[tilespmem:s9+$0x4610] =	vst v19;
	v19 =	vmul.f32 v22, v21  }
0x6d: {  	v51 =	vld [tilespmem:s9+$0x690];
	[tilespmem:s9+$0x4620] =	vst v17;
	v17 =	vmul.f32 v23, v49  }
0x6e: {  	v52 =	vld [tilespmem:s9+$0x6A0];
	[tilespmem:s9+$0x4630] =	vst v19;
	v19 =	vmul.f32 v24, v49  }
0x6f: {  	v54 =	vld [tilespmem:s9+$0x6B0];
	v53 =	vperm.xlane v18, v3;
	[tilespmem:s9+$0x4640] =	vst v17;
	v17 =	vmul.f32 v25, v49  }
0x70: {  	v55 =	vld [tilespmem:s9+$0x6C0];
	[tilespmem:s9+$0x4650] =	vst v19;
	v19 =	vmul.f32 v26, v49  }
0x71: {  	v56 =	vld [tilespmem:s9+$0x6D0];
	[tilespmem:s9+$0x4660] =	vst v17;
	v17 =	vmul.f32 v50, v53  }
0x72: {  	v57 =	vld [tilespmem:s9+$0x6E0];
	[tilespmem:s9+$0x4670] =	vst v19;
	v19 =	vmul.f32 v51, v53  }
0x73: {  	v59 =	vld [tilespmem:s9+$0x6F0];
	v58 =	vperm.xlane v18, v4;
	[tilespmem:s9+$0x4680] =	vst v17;
	v17 =	vmul.f32 v52, v53  }
0x74: {  	v60 =	vld [tilespmem:s9+$0x700];
	[tilespmem:s9+$0x4690] =	vst v19;
	v19 =	vmul.f32 v54, v53  }
0x75: {  	v61 =	vld [tilespmem:s9+$0x710];
	[tilespmem:s9+$0x46A0] =	vst v17;
	v17 =	vmul.f32 v55, v58  }
0x76: {  	[tilespmem:s9+$0x46B0] =	vst v19;
	v19 =	vmul.f32 v56, v58  }
0x77: {  	v62 =	vperm.xlane v18, v5;
	[tilespmem:s9+$0x46C0] =	vst v17;
	v17 =	vmul.f32 v57, v58  }
0x78: {  	[tilespmem:s9+$0x46D0] =	vst v19;
	v19 =	vmul.f32 v59, v58  }
0x79: {  	[tilespmem:s9+$0x46E0] =	vst v17;
	v17 =	vmul.f32 v60, v62  }
0x7a: {  	[tilespmem:s9+$0x46F0] =	vst v19;
	v19 =	vmul.f32 v61, v62  }
0x7b: {  	[tilespmem:s9+$0x4700] =	vst v17  }
0x7c: {  	[tilespmem:s9+$0x4710] =	vst v19  }
0x7d: {  	v17 =	vld [tilespmem:s9+$0x720]  }
0x7e: {  	v19 =	vld [tilespmem:s9+$0x730]  }
0x7f: {  	v63 =	vld [tilespmem:s9+$0x740]  }
0x80: {  	v32 =	vld [tilespmem:s9+$0x750]  }
0x81: {  	v33 =	vld [tilespmem:s9+$0x760]  }
0x82: {  	v34 =	vld [tilespmem:s9+$0x770]  }
0x83: {  	v35 =	vld [tilespmem:s9+$0x780]  }
0x84: {  	v36 =	vld [tilespmem:s9+$0x790]  }
0x85: {  	v27 =	vld [tilespmem:s9+$0x7A0]  }
0x86: {  	v28 =	vperm.xlane v18, v6;
	v29 =	vld [tilespmem:s9+$0x7B0];
	v17 =	vmul.f32 v17, v62  }
0x87: {  	v37 =	vld [tilespmem:s9+$0x7C0];
	v19 =	vmul.f32 v19, v62  }
0x88: {  	v38 =	vld [tilespmem:s9+$0x7D0];
	[tilespmem:s9+$0x4720] =	vst v17;
	v17 =	vmul.f32 v63, v28  }
0x89: {  	v39 =	vld [tilespmem:s9+$0x7E0];
	[tilespmem:s9+$0x4730] =	vst v19;
	v19 =	vmul.f32 v32, v28  }
0x8a: {  	v40 =	vperm.xlane v18, v7;
	v30 =	vld [tilespmem:s9+$0x7F0];
	[tilespmem:s9+$0x4740] =	vst v17;
	v17 =	vmul.f32 v33, v28  }
0x8b: {  	v41 =	vld [tilespmem:s9+$0x800];
	[tilespmem:s9+$0x4750] =	vst v19;
	v19 =	vmul.f32 v34, v28  }
0x8c: {  	v42 =	vld [tilespmem:s9+$0x810];
	[tilespmem:s9+$0x4760] =	vst v17;
	v17 =	vmul.f32 v35, v40  }
0x8d: {  	v43 =	vld [tilespmem:s9+$0x820];
	[tilespmem:s9+$0x4770] =	vst v19;
	v19 =	vmul.f32 v36, v40  }
0x8e: {  	v44 =	vperm.xlane v18, v8;
	v45 =	vld [tilespmem:s9+$0x830];
	[tilespmem:s9+$0x4780] =	vst v17;
	v17 =	vmul.f32 v27, v40  }
0x8f: {  	v46 =	vld [tilespmem:s9+$0x840];
	[tilespmem:s9+$0x4790] =	vst v19;
	v19 =	vmul.f32 v29, v40  }
0x90: {  	v47 =	vld [tilespmem:s9+$0x850];
	[tilespmem:s9+$0x47A0] =	vst v17;
	v17 =	vmul.f32 v37, v44  }
0x91: {  	v48 =	vld [tilespmem:s9+$0x860];
	[tilespmem:s9+$0x47B0] =	vst v19;
	v19 =	vmul.f32 v38, v44  }
0x92: {  	v49 =	vperm.xlane v18, v9;
	v50 =	vld [tilespmem:s9+$0x870];
	[tilespmem:s9+$0x47C0] =	vst v17;
	v17 =	vmul.f32 v39, v44  }
0x93: {  	v51 =	vld [tilespmem:s9+$0x880];
	[tilespmem:s9+$0x47D0] =	vst v19;
	v19 =	vmul.f32 v30, v44  }
0x94: {  	v52 =	vld [tilespmem:s9+$0x890];
	[tilespmem:s9+$0x47E0] =	vst v17;
	v17 =	vmul.f32 v41, v49  }
0x95: {  	v37 =	vld [tilespmem:s9+$0x960];
	[tilespmem:s9+$0x47F0] =	vst v19;
	v19 =	vmul.f32 v42, v49  }
0x96: {  	v54 =	vperm.xlane v18, v10;
	v53 =	vld [tilespmem:s9+$0x8A0];
	[tilespmem:s9+$0x4800] =	vst v17;
	v17 =	vmul.f32 v43, v49  }
0x97: {  	v55 =	vld [tilespmem:s9+$0x8B0];
	[tilespmem:s9+$0x4810] =	vst v19;
	v19 =	vmul.f32 v45, v49  }
0x98: {  	v56 =	vld [tilespmem:s9+$0x8C0];
	v43 =	vperm.xlane v18, v14;
	[tilespmem:s9+$0x4820] =	vst v17;
	v17 =	vmul.f32 v46, v54  }
0x99: {  	v57 =	vld [tilespmem:s9+$0x8D0];
	[tilespmem:s9+$0x4830] =	vst v19;
	v19 =	vmul.f32 v47, v54  }
0x9a: {  	v40 =	vld [tilespmem:s9+$0x980];
	v23 =	vmul.f32 v37, v43;
	[tilespmem:s9+$0x4840] =	vst v17  }
0x9b: {  	v59 =	vperm.xlane v18, v11;
	v58 =	vld [tilespmem:s9+$0x8E0];
	v17 =	vmul.f32 v48, v54;
	[tilespmem:s9+$0x4850] =	vst v19  }
0x9c: {  	v60 =	vld [tilespmem:s9+$0x8F0];
	v19 =	vmul.f32 v50, v54;
	[tilespmem:s9+$0x4960] =	vst v23  }
0x9d: {  	v61 =	vld [tilespmem:s9+$0x900];
	v48 =	vperm.xlane v18, v15;
	[tilespmem:s9+$0x4860] =	vst v17;
	v17 =	vmul.f32 v51, v59  }
0x9e: {  	v31 =	vld [tilespmem:s9+$0x9F0];
	[tilespmem:s9+$0x4870] =	vst v19;
	v19 =	vmul.f32 v52, v59  }
0x9f: {  	v62 =	vld [tilespmem:s9+$0x910];
	v49 =	vmul.f32 v40, v48;
	[tilespmem:s9+$0x4880] =	vst v17  }
0xa0: {  	v63 =	vld [tilespmem:s9+$0x920];
	v33 =	vperm.xlane v18, v12;
	[tilespmem:s9+$0x4890] =	vst v19;
	v19 =	vmul.f32 v55, v59  }
0xa1: {  	v34 =	vld [tilespmem:s9+$0x930];
	v17 =	vmul.f32 v53, v59;
	[tilespmem:s9+$0x4980] =	vst v49  }
0xa2: {  	v35 =	vld [tilespmem:s9+$0x940];
	[tilespmem:s9+$0x48B0] =	vst v19;
	v19 =	vmul.f32 v57, v33  }
0xa3: {  	v36 =	vld [tilespmem:s9+$0x950];
	[tilespmem:s9+$0x48A0] =	vst v17;
	v17 =	vmul.f32 v56, v33  }
0xa4: {  	v29 =	vld [tilespmem:s9+$0x12D0];
	v38 =	vperm.xlane v18, v13;
	[tilespmem:s9+$0x48D0] =	vst v19;
	v19 =	vmul.f32 v60, v33  }
0xa5: {  	v39 =	vld [tilespmem:s9+$0x970];
	[tilespmem:s9+$0x48C0] =	vst v17;
	v17 =	vmul.f32 v58, v33  }
0xa6: {  	v44 =	vld [tilespmem:s9+$0x9B0];
	[tilespmem:s9+$0x48F0] =	vst v19;
	v19 =	vmul.f32 v62, v38  }
0xa7: {  	v41 =	vld [tilespmem:s9+$0x990];
	[tilespmem:s9+$0x48E0] =	vst v17;
	v17 =	vmul.f32 v61, v38  }
0xa8: {  	v42 =	vld [tilespmem:s9+$0x9A0];
	[tilespmem:s9+$0x4910] =	vst v19;
	v19 =	vmul.f32 v34, v38  }
0xa9: {  	v45 =	vld [tilespmem:s9+$0x9C0];
	[tilespmem:s9+$0x4900] =	vst v17;
	v17 =	vmul.f32 v63, v38  }
0xaa: {  	v46 =	vld [tilespmem:s9+$0x9D0];
	[tilespmem:s9+$0x4930] =	vst v19;
	v19 =	vmul.f32 v36, v43  }
0xab: {  	v47 =	vld [tilespmem:s9+$0x9E0];
	[tilespmem:s9+$0x4920] =	vst v17;
	v17 =	vmul.f32 v35, v43  }
0xac: {  	v37 =	vld [tilespmem:s9+$0xAD0];
	[tilespmem:s9+$0x4950] =	vst v19;
	v19 =	vmul.f32 v39, v43  }
0xad: {  	v18 =	vperm.xlane v18, v16;
	v52 =	vmul.f32 v42, v48;
	[tilespmem:s9+$0x4940] =	vst v17;
	v17 =	vld [tilespmem:s8+$0x410]  }
0xae: {  	v50 =	vld [tilespmem:s9+$0xA00];
	[tilespmem:s9+$0x4970] =	vst v19;
	v19 =	vmul.f32 v41, v48  }
0xaf: {  	v54 =	vld [tilespmem:s9+$0xA30];
	v21 =	vmul.f32 v45, v18;
	[tilespmem:s9+$0x49A0] =	vst v52  }
0xb0: {  	v53 =	vld [tilespmem:s9+$0xA20];
	[tilespmem:s9+$0x4990] =	vst v19;
	v19 =	vmul.f32 v44, v48  }
0xb1: {  	v55 =	vld [tilespmem:s9+$0xA40];
	[tilespmem:s9+$0x49C0] =	vst v21;
	v57 =	vmul.f32 v47, v18  }
0xb2: {  	v51 =	vld [tilespmem:s9+$0xA10];
	v58 =	vperm.xlane v17, v1;
	[tilespmem:s9+$0x49B0] =	vst v19;
	v19 =	vmul.f32 v46, v18  }
0xb3: {  	v59 =	vld [tilespmem:s9+$0xA60];
	[tilespmem:s9+$0x49E0] =	vst v57;
	v18 =	vmul.f32 v31, v18  }
0xb4: {  	v40 =	vld [tilespmem:s9+$0xAE0];
	v32 =	vperm.xlane v17, v2;
	v60 =	vmul.f32 v50, v58;
	[tilespmem:s9+$0x49D0] =	vst v19  }
0xb5: {  	v61 =	vld [tilespmem:s9+$0xA80];
	v63 =	vmul.f32 v53, v58;
	[tilespmem:s9+$0x49F0] =	vst v18  }
0xb6: {  	v56 =	vld [tilespmem:s9+$0xA50];
	v35 =	vmul.f32 v55, v32;
	[tilespmem:s9+$0x4A00] =	vst v60  }
0xb7: {  	v33 =	vld [tilespmem:s9+$0xAA0];
	v18 =	vmul.f32 v51, v58;
	[tilespmem:s9+$0x4A20] =	vst v63  }
0xb8: {  	v39 =	vperm.xlane v17, v3;
	v38 =	vmul.f32 v59, v32;
	v19 =	vld [tilespmem:s9+$0xA70];
	[tilespmem:s9+$0x4A40] =	vst v35  }
0xb9: {  	v36 =	vld [tilespmem:s9+$0xAC0];
	[tilespmem:s9+$0x4A10] =	vst v18;
	v18 =	vmul.f32 v54, v58  }
0xba: {  	v62 =	vld [tilespmem:s9+$0xA90];
	v41 =	vmul.f32 v61, v39;
	[tilespmem:s9+$0x4A60] =	vst v38  }
0xbb: {  	v42 =	vld [tilespmem:s9+$0xB00];
	[tilespmem:s9+$0x4A30] =	vst v18;
	v18 =	vmul.f32 v56, v32  }
0xbc: {  	v34 =	vld [tilespmem:s9+$0xAB0];
	v45 =	vperm.xlane v17, v4;
	v44 =	vmul.f32 v33, v39;
	[tilespmem:s9+$0x4A80] =	vst v41  }
0xbd: {  	v49 =	vld [tilespmem:s9+$0xB40];
	[tilespmem:s9+$0x4A50] =	vst v18;
	v18 =	vmul.f32 v19, v32  }
0xbe: {  	v47 =	vld [tilespmem:s9+$0xB30];
	v48 =	vmul.f32 v36, v45;
	[tilespmem:s9+$0x4AA0] =	vst v44  }
0xbf: {  	v46 =	vld [tilespmem:s9+$0xB20];
	[tilespmem:s9+$0x4A70] =	vst v18;
	v18 =	vmul.f32 v62, v39  }
0xc0: {  	v52 =	vperm.xlane v17, v5;
	v51 =	vmul.f32 v40, v45;
	[tilespmem:s9+$0x4AC0] =	vst v48;
	v19 =	vld [tilespmem:s9+$0xAF0]  }
0xc1: {  	v43 =	vld [tilespmem:s9+$0xB10];
	[tilespmem:s9+$0x4A90] =	vst v18;
	v18 =	vmul.f32 v34, v39  }
0xc2: {  	v50 =	vld [tilespmem:s9+$0xB50];
	[tilespmem:s9+$0x4AE0] =	vst v51;
	v54 =	vmul.f32 v42, v52  }
0xc3: {  	v55 =	vld [tilespmem:s9+$0xB80];
	[tilespmem:s9+$0x4AB0] =	vst v18;
	v18 =	vmul.f32 v37, v45  }
0xc4: {  	v53 =	vld [tilespmem:s9+$0xB60];
	v58 =	vperm.xlane v17, v6;
	v57 =	vmul.f32 v46, v52;
	[tilespmem:s9+$0x4B00] =	vst v54  }
0xc5: {  	v59 =	vld [tilespmem:s9+$0xBA0];
	[tilespmem:s9+$0x4AD0] =	vst v18;
	v18 =	vmul.f32 v19, v45  }
0xc6: {  	v33 =	vperm.xlane v17, v7;
	v36 =	vld [tilespmem:s9+$0xC00];
	v61 =	vmul.f32 v49, v58;
	[tilespmem:s9+$0x4B20] =	vst v57  }
0xc7: {  	v40 =	vld [tilespmem:s9+$0xC20];
	[tilespmem:s9+$0x4AF0] =	vst v18;
	v18 =	vmul.f32 v43, v52  }
0xc8: {  	v35 =	vmul.f32 v55, v33;
	[tilespmem:s9+$0x4B40] =	vst v61;
	v19 =	vld [tilespmem:s9+$0xB70]  }
0xc9: {  	v60 =	vld [tilespmem:s9+$0xBB0];
	[tilespmem:s9+$0x4B10] =	vst v18;
	v18 =	vmul.f32 v47, v52  }
0xca: {  	v46 =	vperm.xlane v17, v9;
	v56 =	vld [tilespmem:s9+$0xB90];
	v38 =	vmul.f32 v59, v33;
	[tilespmem:s9+$0x4B80] =	vst v35  }
0xcb: {  	v63 =	vld [tilespmem:s9+$0xBD0];
	[tilespmem:s9+$0x4B30] =	vst v18;
	v18 =	vmul.f32 v50, v58  }
0xcc: {  	v41 =	vld [tilespmem:s9+$0xC30];
	v48 =	vmul.f32 v36, v46;
	[tilespmem:s9+$0x4BA0] =	vst v38  }
0xcd: {  	v49 =	vld [tilespmem:s9+$0xC80];
	[tilespmem:s9+$0x4B50] =	vst v18;
	v18 =	vmul.f32 v19, v58  }
0xce: {  	v51 =	vmul.f32 v40, v46;
	v32 =	vmul.f32 v53, v58;
	v53 =	vld [tilespmem:s9+$0xCA0];
	[tilespmem:s9+$0x4C00] =	vst v48  }
0xcf: {  	v62 =	vld [tilespmem:s9+$0xBC0];
	[tilespmem:s9+$0x4B70] =	vst v18;
	v18 =	vmul.f32 v56, v33  }
0xd0: {  	v59 =	vperm.xlane v17, v11;
	[tilespmem:s9+$0x4C20] =	vst v51;
	v19 =	vld [tilespmem:s9+$0xBF0]  }
0xd1: {  	v34 =	vld [tilespmem:s9+$0xBE0];
	v39 =	vperm.xlane v17, v8;
	[tilespmem:s9+$0x4B90] =	vst v18;
	v18 =	vmul.f32 v60, v33  }
0xd2: {  	[tilespmem:s9+$0x4B60] =	vst v32;
	v61 =	vmul.f32 v49, v59;
	v37 =	vld [tilespmem:s9+$0xC10]  }
0xd3: {  	v44 =	vld [tilespmem:s9+$0xC50];
	[tilespmem:s9+$0x4BB0] =	vst v18;
	v18 =	vmul.f32 v63, v39  }
0xd4: {  	v54 =	vld [tilespmem:s9+$0xCB0];
	[tilespmem:s9+$0x4C80] =	vst v61;
	v32 =	vmul.f32 v53, v59  }
0xd5: {  	v42 =	vmul.f32 v62, v39;
	v62 =	vld [tilespmem:s9+$0xD00];
	[tilespmem:s9+$0x4BD0] =	vst v18;
	v18 =	vmul.f32 v19, v39  }
0xd6: {  	[tilespmem:s9+$0x4CA0] =	vst v32;
	v45 =	vmul.f32 v34, v39;
	v34 =	vld [tilespmem:s9+$0xD20]  }
0xd7: {  	v47 =	vld [tilespmem:s9+$0xC60];
	[tilespmem:s9+$0x4BF0] =	vst v18;
	v18 =	vmul.f32 v37, v46  }
0xd8: {  	v40 =	vperm.xlane v17, v13;
	[tilespmem:s9+$0x4BC0] =	vst v42;
	v19 =	vld [tilespmem:s9+$0xC70]  }
0xd9: {  	v43 =	vld [tilespmem:s9+$0xC40];
	v52 =	vperm.xlane v17, v10;
	[tilespmem:s9+$0x4C10] =	vst v18;
	v18 =	vmul.f32 v41, v46  }
0xda: {  	[tilespmem:s9+$0x4BE0] =	vst v45;
	v42 =	vmul.f32 v62, v40;
	v50 =	vld [tilespmem:s9+$0xC90]  }
0xdb: {  	v57 =	vld [tilespmem:s9+$0xCD0];
	[tilespmem:s9+$0x4C30] =	vst v18;
	v18 =	vmul.f32 v44, v52  }
0xdc: {  	v35 =	vld [tilespmem:s9+$0xD30];
	[tilespmem:s9+$0x4D00] =	vst v42;
	v45 =	vmul.f32 v34, v40  }
0xdd: {  	v58 =	vmul.f32 v47, v52;
	v47 =	vld [tilespmem:s9+$0xDA0];
	[tilespmem:s9+$0x4C50] =	vst v18;
	v18 =	vmul.f32 v19, v52  }
0xde: {  	v38 =	vld [tilespmem:s9+$0xD50];
	v55 =	vmul.f32 v43, v52;
	[tilespmem:s9+$0x4D20] =	vst v45  }
0xdf: {  	v56 =	vld [tilespmem:s9+$0xCC0];
	[tilespmem:s9+$0x4C70] =	vst v18;
	v18 =	vmul.f32 v50, v59  }
0xe0: {  	v53 =	vperm.xlane v17, v15;
	[tilespmem:s9+$0x4C40] =	vst v55;
	v19 =	vld [tilespmem:s9+$0xCF0]  }
0xe1: {  	v43 =	vld [tilespmem:s9+$0xD80];
	v33 =	vperm.xlane v17, v12;
	[tilespmem:s9+$0x4C90] =	vst v18;
	v18 =	vmul.f32 v54, v59  }
0xe2: {  	[tilespmem:s9+$0x4C60] =	vst v58;
	v63 =	vld [tilespmem:s9+$0xD10];
	v58 =	vmul.f32 v47, v53  }
0xe3: {  	v60 =	vld [tilespmem:s9+$0xCE0];
	[tilespmem:s9+$0x4CB0] =	vst v18;
	v18 =	vmul.f32 v57, v33  }
0xe4: {  	v48 =	vld [tilespmem:s9+$0xDB0];
	v36 =	vmul.f32 v56, v33;
	[tilespmem:s9+$0x4DA0] =	vst v58  }
0xe5: {  	v37 =	vld [tilespmem:s9+$0xD40];
	[tilespmem:s9+$0x4CD0] =	vst v18;
	v18 =	vmul.f32 v19, v33  }
0xe6: {  	v51 =	vld [tilespmem:s9+$0xDD0];
	v56 =	vmul.f32 v43, v53;
	[tilespmem:s9+$0x4CC0] =	vst v36  }
0xe7: {  	v19 =	vld [tilespmem:s9+$0xD70];
	[tilespmem:s9+$0x4CF0] =	vst v18;
	v18 =	vmul.f32 v63, v40  }
0xe8: {  	v39 =	vmul.f32 v60, v33;
	[tilespmem:s9+$0x4D80] =	vst v56;
	v41 =	vld [tilespmem:s9+$0xD60];
	v46 =	vperm.xlane v17, v14  }
0xe9: {  	v44 =	vld [tilespmem:s9+$0xD90];
	[tilespmem:s9+$0x4D10] =	vst v18;
	v18 =	vmul.f32 v35, v40  }
0xea: {  	[tilespmem:s9+$0x4CE0] =	vst v39;
	v49 =	vmul.f32 v37, v46;
	v50 =	vld [tilespmem:s9+$0xDC0]  }
0xeb: {  	v62 =	vld [tilespmem:s9+$0xE30];
	[tilespmem:s9+$0x4D30] =	vst v18;
	v18 =	vmul.f32 v38, v46  }
0xec: {  	[tilespmem:s9+$0x4D40] =	vst v49;
	v54 =	vld [tilespmem:s9+$0xDE0];
	v19 =	vmul.f32 v19, v46  }
0xed: {  	v17 =	vperm.xlane v17, v16;
	v52 =	vmul.f32 v41, v46;
	[tilespmem:s9+$0x4D50] =	vst v18;
	v18 =	vld [tilespmem:s8+$0x420]  }
0xee: {  	v55 =	vld [tilespmem:s9+$0xDF0];
	[tilespmem:s9+$0x4D70] =	vst v19;
	v19 =	vmul.f32 v44, v53  }
0xef: {  	[tilespmem:s9+$0x4D60] =	vst v52;
	v57 =	vld [tilespmem:s9+$0xE00];
	v61 =	vmul.f32 v50, v17  }
0xf0: {  	v59 =	vld [tilespmem:s9+$0xE10];
	[tilespmem:s9+$0x4D90] =	vst v19;
	v19 =	vmul.f32 v48, v53  }
0xf1: {  	v60 =	vld [tilespmem:s9+$0xE20];
	[tilespmem:s9+$0x4DC0] =	vst v61;
	v32 =	vmul.f32 v54, v17  }
0xf2: {  	v34 =	vld [tilespmem:s9+$0xE50];
	[tilespmem:s9+$0x4DB0] =	vst v19;
	v19 =	vmul.f32 v51, v17;
	v33 =	vperm.xlane v18, v1  }
0xf3: {  	v63 =	vld [tilespmem:s9+$0xE40];
	[tilespmem:s9+$0x4DE0] =	vst v32;
	v17 =	vmul.f32 v55, v17  }
0xf4: {  	v42 =	vld [tilespmem:s9+$0xEB0];
	[tilespmem:s9+$0x4DD0] =	vst v19;
	v35 =	vmul.f32 v57, v33  }
0xf5: {  	v19 =	vld [tilespmem:s9+$0xE60];
	[tilespmem:s9+$0x4DF0] =	vst v17;
	v17 =	vmul.f32 v59, v33  }
0xf6: {  	v36 =	vld [tilespmem:s9+$0xE70];
	v39 =	vperm.xlane v18, v2;
	v38 =	vmul.f32 v60, v33;
	[tilespmem:s9+$0x4E00] =	vst v35  }
0xf7: {  	v37 =	vld [tilespmem:s9+$0xE80];
	[tilespmem:s9+$0x4E10] =	vst v17;
	v17 =	vmul.f32 v62, v33  }
0xf8: {  	v40 =	vld [tilespmem:s9+$0xE90];
	v20 =	vmul.f32 v63, v39;
	[tilespmem:s9+$0x4E20] =	vst v38  }
0xf9: {  	v41 =	vld [tilespmem:s9+$0xEA0];
	[tilespmem:s9+$0x4E30] =	vst v17;
	v17 =	vmul.f32 v34, v39  }
0xfa: {  	v45 =	vld [tilespmem:s9+$0xED0];
	v44 =	vperm.xlane v18, v3;
	[tilespmem:s9+$0x4E40] =	vst v20;
	v19 =	vmul.f32 v19, v39  }
0xfb: {  	v43 =	vld [tilespmem:s9+$0xEC0];
	[tilespmem:s9+$0x4E50] =	vst v17;
	v17 =	vmul.f32 v36, v39  }
0xfc: {  	v47 =	vld [tilespmem:s9+$0xEF0];
	[tilespmem:s9+$0x4E60] =	vst v19;
	v19 =	vmul.f32 v37, v44  }
0xfd: {  	v46 =	vld [tilespmem:s9+$0xEE0];
	[tilespmem:s9+$0x4E70] =	vst v17;
	v17 =	vmul.f32 v40, v44  }
0xfe: {  	v58 =	vld [tilespmem:s9+$0xF80];
	v49 =	vperm.xlane v18, v4;
	[tilespmem:s9+$0x4E80] =	vst v19;
	v19 =	vmul.f32 v41, v44  }
0xff: {  	v48 =	vld [tilespmem:s9+$0xF00];
	[tilespmem:s9+$0x4E90] =	vst v17;
	v17 =	vmul.f32 v42, v44  }
0x100: {  	v50 =	vld [tilespmem:s9+$0xF10];
	[tilespmem:s9+$0x4EA0] =	vst v19;
	v19 =	vmul.f32 v43, v49  }
0x101: {  	v51 =	vld [tilespmem:s9+$0xF20];
	[tilespmem:s9+$0x4EB0] =	vst v17;
	v17 =	vmul.f32 v45, v49  }
0x102: {  	v52 =	vld [tilespmem:s9+$0xF30];
	v54 =	vperm.xlane v18, v5;
	[tilespmem:s9+$0x4EC0] =	vst v19;
	v19 =	vmul.f32 v46, v49  }
0x103: {  	v53 =	vld [tilespmem:s9+$0xF40];
	[tilespmem:s9+$0x4ED0] =	vst v17;
	v17 =	vmul.f32 v47, v49  }
0x104: {  	v55 =	vld [tilespmem:s9+$0xF50];
	[tilespmem:s9+$0x4EE0] =	vst v19;
	v19 =	vmul.f32 v48, v54  }
0x105: {  	v56 =	vld [tilespmem:s9+$0xF60];
	[tilespmem:s9+$0x4EF0] =	vst v17;
	v17 =	vmul.f32 v50, v54  }
0x106: {  	v57 =	vld [tilespmem:s9+$0xF70];
	v59 =	vperm.xlane v18, v6;
	[tilespmem:s9+$0x4F00] =	vst v19;
	v19 =	vmul.f32 v51, v54  }
0x107: {  	v61 =	vld [tilespmem:s9+$0xFA0];
	[tilespmem:s9+$0x4F10] =	vst v17;
	v17 =	vmul.f32 v52, v54  }
0x108: {  	v60 =	vld [tilespmem:s9+$0xF90];
	[tilespmem:s9+$0x4F20] =	vst v19;
	v19 =	vmul.f32 v53, v59  }
0x109: {  	v63 =	vld [tilespmem:s9+$0xFC0];
	[tilespmem:s9+$0x4F30] =	vst v17;
	v17 =	vmul.f32 v55, v59  }
0x10a: {  	v32 =	vperm.xlane v18, v7;
	v62 =	vld [tilespmem:s9+$0xFB0];
	[tilespmem:s9+$0x4F40] =	vst v19;
	v19 =	vmul.f32 v56, v59  }
0x10b: {  	v33 =	vld [tilespmem:s9+$0xFD0];
	[tilespmem:s9+$0x4F50] =	vst v17;
	v17 =	vmul.f32 v57, v59  }
0x10c: {  	v35 =	vld [tilespmem:s9+$0xFF0];
	[tilespmem:s9+$0x4F60] =	vst v19;
	v19 =	vmul.f32 v58, v32  }
0x10d: {  	v34 =	vld [tilespmem:s9+$0xFE0];
	[tilespmem:s9+$0x4F70] =	vst v17;
	v17 =	vmul.f32 v60, v32  }
0x10e: {  	v38 =	vld [tilespmem:s9+$0x1010];
	v37 =	vperm.xlane v18, v8;
	[tilespmem:s9+$0x4F80] =	vst v19;
	v19 =	vmul.f32 v61, v32  }
0x10f: {  	v36 =	vld [tilespmem:s9+$0x1000];
	[tilespmem:s9+$0x4F90] =	vst v17;
	v17 =	vmul.f32 v62, v32  }
0x110: {  	v39 =	vld [tilespmem:s9+$0x1020];
	[tilespmem:s9+$0x4FA0] =	vst v19;
	v19 =	vmul.f32 v63, v37  }
0x111: {  	v41 =	vld [tilespmem:s9+$0x1040];
	[tilespmem:s9+$0x4FB0] =	vst v17;
	v17 =	vmul.f32 v33, v37  }
0x112: {  	v40 =	vld [tilespmem:s9+$0x1030];
	v42 =	vperm.xlane v18, v9;
	[tilespmem:s9+$0x4FC0] =	vst v19;
	v19 =	vmul.f32 v34, v37  }
0x113: {  	v43 =	vld [tilespmem:s9+$0x1050];
	[tilespmem:s9+$0x4FD0] =	vst v17;
	v17 =	vmul.f32 v35, v37  }
0x114: {  	v44 =	vld [tilespmem:s9+$0x1060];
	[tilespmem:s9+$0x4FE0] =	vst v19;
	v19 =	vmul.f32 v36, v42  }
0x115: {  	v46 =	vld [tilespmem:s9+$0x1080];
	[tilespmem:s9+$0x4FF0] =	vst v17;
	v17 =	vmul.f32 v38, v42  }
0x116: {  	v45 =	vld [tilespmem:s9+$0x1070];
	v47 =	vperm.xlane v18, v10;
	[tilespmem:s9+$0x5000] =	vst v19;
	v19 =	vmul.f32 v39, v42  }
0x117: {  	v48 =	vld [tilespmem:s9+$0x1090];
	[tilespmem:s9+$0x5010] =	vst v17;
	v17 =	vmul.f32 v40, v42  }
0x118: {  	v49 =	vld [tilespmem:s9+$0x10A0];
	[tilespmem:s9+$0x5020] =	vst v19;
	v19 =	vmul.f32 v41, v47  }
0x119: {  	v51 =	vld [tilespmem:s9+$0x10C0];
	[tilespmem:s9+$0x5030] =	vst v17;
	v17 =	vmul.f32 v43, v47  }
0x11a: {  	v50 =	vld [tilespmem:s9+$0x10B0];
	v52 =	vperm.xlane v18, v11;
	[tilespmem:s9+$0x5040] =	vst v19;
	v19 =	vmul.f32 v44, v47  }
0x11b: {  	v53 =	vld [tilespmem:s9+$0x10D0];
	[tilespmem:s9+$0x5050] =	vst v17;
	v17 =	vmul.f32 v45, v47  }
0x11c: {  	v54 =	vld [tilespmem:s9+$0x10E0];
	[tilespmem:s9+$0x5060] =	vst v19;
	v19 =	vmul.f32 v46, v52  }
0x11d: {  	v56 =	vld [tilespmem:s9+$0x1100];
	[tilespmem:s9+$0x5070] =	vst v17;
	v17 =	vmul.f32 v48, v52  }
0x11e: {  	v55 =	vld [tilespmem:s9+$0x10F0];
	v57 =	vperm.xlane v18, v12;
	[tilespmem:s9+$0x5080] =	vst v19;
	v19 =	vmul.f32 v49, v52  }
0x11f: {  	v58 =	vld [tilespmem:s9+$0x1110];
	[tilespmem:s9+$0x5090] =	vst v17;
	v17 =	vmul.f32 v50, v52  }
0x120: {  	v59 =	vld [tilespmem:s9+$0x1120];
	[tilespmem:s9+$0x50A0] =	vst v19;
	v19 =	vmul.f32 v51, v57  }
0x121: {  	v61 =	vld [tilespmem:s9+$0x1140];
	[tilespmem:s9+$0x50B0] =	vst v17;
	v17 =	vmul.f32 v53, v57  }
0x122: {  	v60 =	vld [tilespmem:s9+$0x1130];
	v62 =	vperm.xlane v18, v13;
	[tilespmem:s9+$0x50C0] =	vst v19;
	v19 =	vmul.f32 v54, v57  }
0x123: {  	v63 =	vld [tilespmem:s9+$0x1150];
	[tilespmem:s9+$0x50D0] =	vst v17;
	v17 =	vmul.f32 v55, v57  }
0x124: {  	v32 =	vld [tilespmem:s9+$0x1160];
	[tilespmem:s9+$0x50E0] =	vst v19;
	v19 =	vmul.f32 v56, v62  }
0x125: {  	v34 =	vld [tilespmem:s9+$0x1180];
	[tilespmem:s9+$0x50F0] =	vst v17;
	v17 =	vmul.f32 v58, v62  }
0x126: {  	v33 =	vld [tilespmem:s9+$0x1170];
	v35 =	vperm.xlane v18, v14;
	[tilespmem:s9+$0x5100] =	vst v19;
	v19 =	vmul.f32 v59, v62  }
0x127: {  	v36 =	vld [tilespmem:s9+$0x1190];
	[tilespmem:s9+$0x5110] =	vst v17;
	v17 =	vmul.f32 v60, v62  }
0x128: {  	v37 =	vld [tilespmem:s9+$0x11A0];
	[tilespmem:s9+$0x5120] =	vst v19;
	v19 =	vmul.f32 v61, v35  }
0x129: {  	v39 =	vld [tilespmem:s9+$0x11C0];
	[tilespmem:s9+$0x5130] =	vst v17;
	v17 =	vmul.f32 v63, v35  }
0x12a: {  	v38 =	vld [tilespmem:s9+$0x11B0];
	v40 =	vperm.xlane v18, v15;
	[tilespmem:s9+$0x5140] =	vst v19;
	v19 =	vmul.f32 v32, v35  }
0x12b: {  	v41 =	vld [tilespmem:s9+$0x11D0];
	[tilespmem:s9+$0x5150] =	vst v17;
	v17 =	vmul.f32 v33, v35  }
0x12c: {  	v42 =	vld [tilespmem:s9+$0x11E0];
	v43 =	vmul.f32 v34, v40;
	[tilespmem:s9+$0x5160] =	vst v19  }
0x12d: {  	v19 =	vld [tilespmem:s8+$0x430];
	[tilespmem:s9+$0x5170] =	vst v17;
	v17 =	vmul.f32 v36, v40  }
0x12e: {  	v18 =	vperm.xlane v18, v16;
	v44 =	vld [tilespmem:s9+$0x11F0];
	v22 =	vmul.f32 v37, v40;
	[tilespmem:s9+$0x5180] =	vst v43  }
0x12f: {  	v45 =	vld [tilespmem:s9+$0x1200];
	[tilespmem:s9+$0x5190] =	vst v17;
	v17 =	vmul.f32 v38, v40  }
0x130: {  	v46 =	vld [tilespmem:s9+$0x1210];
	[tilespmem:s9+$0x51A0] =	vst v22;
	v47 =	vmul.f32 v39, v18  }
0x131: {  	v48 =	vld [tilespmem:s9+$0x1220];
	[tilespmem:s9+$0x51B0] =	vst v17;
	v17 =	vmul.f32 v41, v18  }
0x132: {  	v49 =	vld [tilespmem:s9+$0x1230];
	v21 =	vmul.f32 v42, v18;
	[tilespmem:s9+$0x51C0] =	vst v47;
	v50 =	vperm.xlane v19, v1  }
0x133: {  	v51 =	vld [tilespmem:s9+$0x1240];
	[tilespmem:s9+$0x51D0] =	vst v17;
	v17 =	vmul.f32 v44, v18  }
0x134: {  	[tilespmem:s9+$0x51E0] =	vst v21;
	v52 =	vmul.f32 v45, v50;
	v18 =	vld [tilespmem:s9+$0x1250]  }
0x135: {  	v53 =	vld [tilespmem:s9+$0x1260];
	[tilespmem:s9+$0x51F0] =	vst v17;
	v17 =	vmul.f32 v46, v50  }
0x136: {  	v54 =	vld [tilespmem:s9+$0x1270];
	v56 =	vperm.xlane v19, v2;
	v55 =	vmul.f32 v48, v50;
	[tilespmem:s9+$0x5200] =	vst v52  }
0x137: {  	v57 =	vld [tilespmem:s9+$0x1280];
	[tilespmem:s9+$0x5210] =	vst v17;
	v17 =	vmul.f32 v49, v50  }
0x138: {  	v58 =	vld [tilespmem:s9+$0x1290];
	v59 =	vmul.f32 v51, v56;
	[tilespmem:s9+$0x5220] =	vst v55  }
0x139: {  	v60 =	vld [tilespmem:s9+$0x12A0];
	[tilespmem:s9+$0x5230] =	vst v17;
	v17 =	vmul.f32 v18, v56  }
0x13a: {  	v62 =	vperm.xlane v19, v3;
	v61 =	vmul.f32 v53, v56;
	[tilespmem:s9+$0x5240] =	vst v59;
	v18 =	vld [tilespmem:s9+$0x12B0]  }
0x13b: {  	v63 =	vld [tilespmem:s9+$0x12C0];
	[tilespmem:s9+$0x5250] =	vst v17;
	v17 =	vmul.f32 v54, v56  }
0x13c: {  	v31 =	vld [tilespmem:s9+$0x12E0];
	v30 =	vmul.f32 v57, v62;
	[tilespmem:s9+$0x5260] =	vst v61  }
0x13d: {  	v37 =	vld [tilespmem:s9+$0x1320];
	[tilespmem:s9+$0x5270] =	vst v17;
	v17 =	vmul.f32 v58, v62  }
0x13e: {  	v32 =	vld [tilespmem:s9+$0x12F0];
	v34 =	vperm.xlane v19, v4;
	v33 =	vmul.f32 v60, v62;
	[tilespmem:s9+$0x5280] =	vst v30  }
0x13f: {  	v35 =	vld [tilespmem:s9+$0x1300];
	[tilespmem:s9+$0x5290] =	vst v17;
	v17 =	vmul.f32 v18, v62  }
0x140: {  	v36 =	vmul.f32 v63, v34;
	[tilespmem:s9+$0x52A0] =	vst v33;
	v18 =	vld [tilespmem:s9+$0x1310]  }
0x141: {  	v42 =	vld [tilespmem:s9+$0x1350];
	[tilespmem:s9+$0x52B0] =	vst v17;
	v17 =	vmul.f32 v29, v34  }
0x142: {  	v38 =	vld [tilespmem:s9+$0x1330];
	v40 =	vperm.xlane v19, v5;
	v39 =	vmul.f32 v31, v34;
	[tilespmem:s9+$0x52C0] =	vst v36  }
0x143: {  	v47 =	vld [tilespmem:s9+$0x1380];
	[tilespmem:s9+$0x52D0] =	vst v17;
	v17 =	vmul.f32 v32, v34  }
0x144: {  	v41 =	vld [tilespmem:s9+$0x1340];
	v43 =	vmul.f32 v35, v40;
	[tilespmem:s9+$0x52E0] =	vst v39  }
0x145: {  	v63 =	vld [tilespmem:s9+$0x1420];
	[tilespmem:s9+$0x52F0] =	vst v17;
	v17 =	vmul.f32 v18, v40  }
0x146: {  	v45 =	vmul.f32 v37, v40;
	v53 =	vperm.xlane v19, v7;
	[tilespmem:s9+$0x5300] =	vst v43;
	v18 =	vld [tilespmem:s9+$0x1370]  }
0x147: {  	v48 =	vld [tilespmem:s9+$0x1390];
	v46 =	vperm.xlane v19, v6;
	[tilespmem:s9+$0x5310] =	vst v17;
	v17 =	vmul.f32 v38, v40  }
0x148: {  	v51 =	vld [tilespmem:s9+$0x13B0];
	v31 =	vperm.xlane v19, v9;
	[tilespmem:s9+$0x5320] =	vst v45;
	v55 =	vmul.f32 v47, v53  }
0x149: {  	v44 =	vld [tilespmem:s9+$0x1360];
	[tilespmem:s9+$0x5330] =	vst v17;
	v17 =	vmul.f32 v42, v46  }
0x14a: {  	v57 =	vld [tilespmem:s9+$0x13F0];
	[tilespmem:s9+$0x5380] =	vst v55;
	v37 =	vmul.f32 v63, v31  }
0x14b: {  	v39 =	vld [tilespmem:s9+$0x1480];
	[tilespmem:s9+$0x5350] =	vst v17;
	v17 =	vmul.f32 v18, v46  }
0x14c: {  	v49 =	vmul.f32 v41, v46;
	[tilespmem:s9+$0x5420] =	vst v37;
	v18 =	vld [tilespmem:s9+$0x13D0]  }
0x14d: {  	v41 =	vld [tilespmem:s9+$0x14A0];
	[tilespmem:s9+$0x5370] =	vst v17;
	v17 =	vmul.f32 v48, v53  }
0x14e: {  	v60 =	vld [tilespmem:s9+$0x1400];
	v52 =	vmul.f32 v44, v46;
	v44 =	vperm.xlane v19, v11;
	[tilespmem:s9+$0x5340] =	vst v49  }
0x14f: {  	v59 =	vperm.xlane v19, v8;
	v50 =	vld [tilespmem:s9+$0x13A0];
	[tilespmem:s9+$0x5390] =	vst v17;
	v17 =	vmul.f32 v51, v53  }
0x150: {  	v61 =	vld [tilespmem:s9+$0x1410];
	[tilespmem:s9+$0x5360] =	vst v52;
	v47 =	vmul.f32 v39, v44  }
0x151: {  	v54 =	vld [tilespmem:s9+$0x13C0];
	[tilespmem:s9+$0x53B0] =	vst v17;
	v17 =	vmul.f32 v18, v59  }
0x152: {  	[tilespmem:s9+$0x5480] =	vst v47;
	v49 =	vmul.f32 v41, v44;
	v18 =	vld [tilespmem:s9+$0x1430]  }
0x153: {  	v56 =	vld [tilespmem:s9+$0x13E0];
	[tilespmem:s9+$0x53D0] =	vst v17;
	v17 =	vmul.f32 v57, v59  }
0x154: {  	v33 =	vld [tilespmem:s9+$0x1450];
	v58 =	vmul.f32 v50, v53;
	[tilespmem:s9+$0x54A0] =	vst v49  }
0x155: {  	v35 =	vld [tilespmem:s9+$0x1460];
	[tilespmem:s9+$0x53F0] =	vst v17;
	v17 =	vmul.f32 v61, v31  }
0x156: {  	v36 =	vld [tilespmem:s9+$0x1470];
	[tilespmem:s9+$0x53A0] =	vst v58;
	v62 =	vmul.f32 v54, v59;
	v34 =	vmul.f32 v60, v31  }
0x157: {  	v60 =	vld [tilespmem:s9+$0x1560];
	v38 =	vperm.xlane v19, v10;
	[tilespmem:s9+$0x5410] =	vst v17;
	v17 =	vmul.f32 v18, v31  }
0x158: {  	v30 =	vmul.f32 v56, v59;
	[tilespmem:s9+$0x53C0] =	vst v62;
	v18 =	vld [tilespmem:s9+$0x1490]  }
0x159: {  	v32 =	vld [tilespmem:s9+$0x1440];
	[tilespmem:s9+$0x5430] =	vst v17;
	v17 =	vmul.f32 v33, v38  }
0x15a: {  	v63 =	vperm.xlane v19, v14;
	[tilespmem:s9+$0x53E0] =	vst v30;
	v42 =	vld [tilespmem:s9+$0x14B0]  }
0x15b: {  	v45 =	vld [tilespmem:s9+$0x14C0];
	[tilespmem:s9+$0x5450] =	vst v17;
	v17 =	vmul.f32 v36, v38  }
0x15c: {  	[tilespmem:s9+$0x5400] =	vst v34;
	v34 =	vmul.f32 v60, v63;
	v46 =	vld [tilespmem:s9+$0x14D0]  }
0x15d: {  	v58 =	vld [tilespmem:s9+$0x1540];
	[tilespmem:s9+$0x5470] =	vst v17;
	v17 =	vmul.f32 v18, v44  }
0x15e: {  	v40 =	vmul.f32 v32, v38;
	[tilespmem:s9+$0x5560] =	vst v34;
	v18 =	vld [tilespmem:s9+$0x14F0]  }
0x15f: {  	v55 =	vld [tilespmem:s9+$0x1530];
	v50 =	vperm.xlane v19, v12;
	[tilespmem:s9+$0x5490] =	vst v17;
	v17 =	vmul.f32 v42, v44  }
0x160: {  	v52 =	vld [tilespmem:s9+$0x1510];
	v43 =	vmul.f32 v35, v38;
	[tilespmem:s9+$0x5440] =	vst v40  }
0x161: {  	v48 =	vld [tilespmem:s9+$0x14E0];
	[tilespmem:s9+$0x54B0] =	vst v17;
	v17 =	vmul.f32 v46, v50  }
0x162: {  	v37 =	vld [tilespmem:s9+$0x15D0];
	v32 =	vmul.f32 v58, v63;
	[tilespmem:s9+$0x5460] =	vst v43  }
0x163: {  	v51 =	vld [tilespmem:s9+$0x1500];
	v57 =	vperm.xlane v19, v13;
	[tilespmem:s9+$0x54D0] =	vst v17;
	v17 =	vmul.f32 v18, v50  }
0x164: {  	[tilespmem:s9+$0x5540] =	vst v32;
	v53 =	vmul.f32 v45, v50;
	v18 =	vld [tilespmem:s9+$0x1550]  }
0x165: {  	v54 =	vld [tilespmem:s9+$0x1520];
	[tilespmem:s9+$0x54F0] =	vst v17;
	v17 =	vmul.f32 v52, v57  }
0x166: {  	[tilespmem:s9+$0x54C0] =	vst v53;
	v56 =	vmul.f32 v48, v50;
	v61 =	vld [tilespmem:s9+$0x1570]  }
0x167: {  	v30 =	vld [tilespmem:s9+$0x1580];
	[tilespmem:s9+$0x5510] =	vst v17;
	v17 =	vmul.f32 v55, v57  }
0x168: {  	[tilespmem:s9+$0x54E0] =	vst v56;
	v59 =	vmul.f32 v51, v57;
	v31 =	vld [tilespmem:s9+$0x1590]  }
0x169: {  	v33 =	vld [tilespmem:s9+$0x15A0];
	[tilespmem:s9+$0x5530] =	vst v17;
	v17 =	vmul.f32 v18, v63  }
0x16a: {  	v35 =	vperm.xlane v19, v15;
	v62 =	vmul.f32 v54, v57;
	[tilespmem:s9+$0x5500] =	vst v59;
	v18 =	vld [tilespmem:s9+$0x15B0]  }
0x16b: {  	v36 =	vld [tilespmem:s9+$0x15C0];
	[tilespmem:s9+$0x5550] =	vst v17;
	v17 =	vmul.f32 v61, v63  }
0x16c: {  	v39 =	vld [tilespmem:s9+$0x15E0];
	[tilespmem:s9+$0x5520] =	vst v62;
	v38 =	vmul.f32 v30, v35  }
0x16d: {  	v22 =	vmul.f32 v31, v35;
	[tilespmem:s9+$0x5570] =	vst v17;
	v17 =	vld [tilespmem:s8+$0x440]  }
0x16e: {  	v41 =	vld [tilespmem:s9+$0x15F0];
	v19 =	vperm.xlane v19, v16;
	[tilespmem:s9+$0x5580] =	vst v38;
	v40 =	vmul.f32 v33, v35  }
0x16f: {  	[tilespmem:s9+$0x5590] =	vst v22;
	v42 =	vld [tilespmem:s9+$0x1600];
	v18 =	vmul.f32 v18, v35  }
0x170: {  	v44 =	vld [tilespmem:s9+$0x1610];
	[tilespmem:s9+$0x55A0] =	vst v40;
	v43 =	vmul.f32 v36, v19  }
0x171: {  	v45 =	vld [tilespmem:s9+$0x1620];
	[tilespmem:s9+$0x55B0] =	vst v18;
	v18 =	vmul.f32 v37, v19  }
0x172: {  	v48 =	vld [tilespmem:s9+$0x1630];
	v46 =	vmul.f32 v39, v19;
	[tilespmem:s9+$0x55C0] =	vst v43;
	v47 =	vperm.xlane v17, v1  }
0x173: {  	[tilespmem:s9+$0x55D0] =	vst v18;
	v18 =	vmul.f32 v41, v19;
	v19 =	vld [tilespmem:s9+$0x1640]  }
0x174: {  	[tilespmem:s9+$0x55E0] =	vst v46;
	v50 =	vld [tilespmem:s9+$0x1650];
	v49 =	vmul.f32 v42, v47  }
0x175: {  	v51 =	vld [tilespmem:s9+$0x1660];
	[tilespmem:s9+$0x55F0] =	vst v18;
	v18 =	vmul.f32 v44, v47  }
0x176: {  	v53 =	vld [tilespmem:s9+$0x1670];
	v52 =	vperm.xlane v17, v2;
	v20 =	vmul.f32 v45, v47;
	[tilespmem:s9+$0x5600] =	vst v49  }
0x177: {  	v54 =	vld [tilespmem:s9+$0x1680];
	[tilespmem:s9+$0x5610] =	vst v18;
	v18 =	vmul.f32 v48, v47  }
0x178: {  	v55 =	vld [tilespmem:s9+$0x1690];
	[tilespmem:s9+$0x5620] =	vst v20;
	v19 =	vmul.f32 v19, v52  }
0x179: {  	[tilespmem:s9+$0x5630] =	vst v18;
	v18 =	vmul.f32 v50, v52  }
0x17a: {  	v56 =	vperm.xlane v17, v3;
	[tilespmem:s9+$0x5640] =	vst v19;
	v19 =	vmul.f32 v51, v52  }
0x17b: {  	[tilespmem:s9+$0x5650] =	vst v18;
	v18 =	vmul.f32 v53, v52  }
0x17c: {  	[tilespmem:s9+$0x5660] =	vst v19;
	v19 =	vmul.f32 v54, v56  }
0x17d: {  	[tilespmem:s9+$0x5670] =	vst v18;
	v18 =	vmul.f32 v55, v56  }
0x17e: {  	[tilespmem:s9+$0x5680] =	vst v19  }
0x17f: {  	[tilespmem:s9+$0x5690] =	vst v18  }
0x180: {  	v18 =	vld [tilespmem:s9+$0x16A0]  }
0x181: {  	v19 =	vld [tilespmem:s9+$0x16B0]  }
0x182: {  	v57 =	vld [tilespmem:s9+$0x16C0]  }
0x183: {  	v58 =	vld [tilespmem:s9+$0x16D0]  }
0x184: {  	v59 =	vld [tilespmem:s9+$0x16E0]  }
0x185: {  	v60 =	vld [tilespmem:s9+$0x16F0]  }
0x186: {  	v61 =	vld [tilespmem:s9+$0x1700]  }
0x187: {  	v62 =	vld [tilespmem:s9+$0x1710]  }
0x188: {  	v63 =	vperm.xlane v17, v4;
	v32 =	vld [tilespmem:s9+$0x1720];
	v18 =	vmul.f32 v18, v56  }
0x189: {  	v33 =	vld [tilespmem:s9+$0x1730];
	v19 =	vmul.f32 v19, v56  }
0x18a: {  	v34 =	vld [tilespmem:s9+$0x1740];
	[tilespmem:s9+$0x56A0] =	vst v18;
	v18 =	vmul.f32 v57, v63  }
0x18b: {  	v35 =	vld [tilespmem:s9+$0x1750];
	[tilespmem:s9+$0x56B0] =	vst v19;
	v19 =	vmul.f32 v58, v63  }
0x18c: {  	v36 =	vperm.xlane v17, v5;
	v37 =	vld [tilespmem:s9+$0x1760];
	[tilespmem:s9+$0x56C0] =	vst v18;
	v18 =	vmul.f32 v59, v63  }
0x18d: {  	v38 =	vld [tilespmem:s9+$0x1770];
	[tilespmem:s9+$0x56D0] =	vst v19;
	v19 =	vmul.f32 v60, v63  }
0x18e: {  	v39 =	vld [tilespmem:s9+$0x1780];
	[tilespmem:s9+$0x56E0] =	vst v18;
	v18 =	vmul.f32 v61, v36  }
0x18f: {  	v40 =	vld [tilespmem:s9+$0x1790];
	[tilespmem:s9+$0x56F0] =	vst v19;
	v19 =	vmul.f32 v62, v36  }
0x190: {  	v41 =	vperm.xlane v17, v6;
	v42 =	vld [tilespmem:s9+$0x17A0];
	[tilespmem:s9+$0x5700] =	vst v18;
	v18 =	vmul.f32 v32, v36  }
0x191: {  	v43 =	vld [tilespmem:s9+$0x17B0];
	[tilespmem:s9+$0x5710] =	vst v19;
	v19 =	vmul.f32 v33, v36  }
0x192: {  	v44 =	vld [tilespmem:s9+$0x17C0];
	[tilespmem:s9+$0x5720] =	vst v18;
	v18 =	vmul.f32 v34, v41  }
0x193: {  	v45 =	vld [tilespmem:s9+$0x17D0];
	[tilespmem:s9+$0x5730] =	vst v19;
	v19 =	vmul.f32 v35, v41  }
0x194: {  	v46 =	vperm.xlane v17, v7;
	v47 =	vld [tilespmem:s9+$0x17E0];
	[tilespmem:s9+$0x5740] =	vst v18;
	v18 =	vmul.f32 v37, v41  }
0x195: {  	v48 =	vld [tilespmem:s9+$0x17F0];
	[tilespmem:s9+$0x5750] =	vst v19;
	v19 =	vmul.f32 v38, v41  }
0x196: {  	v49 =	vld [tilespmem:s9+$0x1800];
	[tilespmem:s9+$0x5760] =	vst v18;
	v18 =	vmul.f32 v39, v46  }
0x197: {  	v50 =	vld [tilespmem:s9+$0x1810];
	[tilespmem:s9+$0x5770] =	vst v19;
	v19 =	vmul.f32 v40, v46  }
0x198: {  	v51 =	vperm.xlane v17, v8;
	v52 =	vld [tilespmem:s9+$0x1820];
	[tilespmem:s9+$0x5780] =	vst v18;
	v18 =	vmul.f32 v42, v46  }
0x199: {  	v53 =	vld [tilespmem:s9+$0x1830];
	[tilespmem:s9+$0x5790] =	vst v19;
	v19 =	vmul.f32 v43, v46  }
0x19a: {  	v54 =	vld [tilespmem:s9+$0x1840];
	[tilespmem:s9+$0x57A0] =	vst v18;
	v18 =	vmul.f32 v44, v51  }
0x19b: {  	v55 =	vld [tilespmem:s9+$0x1850];
	[tilespmem:s9+$0x57B0] =	vst v19;
	v19 =	vmul.f32 v45, v51  }
0x19c: {  	v31 =	vld [tilespmem:s9+$0x1D60];
	v56 =	vperm.xlane v17, v9;
	[tilespmem:s9+$0x57C0] =	vst v18;
	v18 =	vmul.f32 v47, v51  }
0x19d: {  	v57 =	vld [tilespmem:s9+$0x1860];
	[tilespmem:s9+$0x57D0] =	vst v19;
	v19 =	vmul.f32 v48, v51  }
0x19e: {  	v58 =	vld [tilespmem:s9+$0x1870];
	[tilespmem:s9+$0x57E0] =	vst v18;
	v18 =	vmul.f32 v49, v56  }
0x19f: {  	v59 =	vld [tilespmem:s9+$0x1880];
	[tilespmem:s9+$0x57F0] =	vst v19;
	v19 =	vmul.f32 v50, v56  }
0x1a0: {  	v60 =	vld [tilespmem:s9+$0x1890];
	v61 =	vperm.xlane v17, v10;
	[tilespmem:s9+$0x5800] =	vst v18;
	v18 =	vmul.f32 v52, v56  }
0x1a1: {  	v47 =	vld [tilespmem:s9+$0x1980];
	[tilespmem:s9+$0x5810] =	vst v19;
	v19 =	vmul.f32 v53, v56  }
0x1a2: {  	v63 =	vld [tilespmem:s9+$0x18B0];
	[tilespmem:s9+$0x5820] =	vst v18;
	v18 =	vmul.f32 v54, v61  }
0x1a3: {  	v62 =	vld [tilespmem:s9+$0x18A0];
	[tilespmem:s9+$0x5830] =	vst v19;
	v19 =	vmul.f32 v55, v61  }
0x1a4: {  	v32 =	vld [tilespmem:s9+$0x18C0];
	v54 =	vperm.xlane v17, v15;
	[tilespmem:s9+$0x5840] =	vst v18;
	v18 =	vmul.f32 v57, v61  }
0x1a5: {  	v33 =	vld [tilespmem:s9+$0x18D0];
	v34 =	vperm.xlane v17, v11;
	[tilespmem:s9+$0x5850] =	vst v19;
	v19 =	vmul.f32 v58, v61  }
0x1a6: {  	v36 =	vld [tilespmem:s9+$0x18F0];
	v25 =	vmul.f32 v47, v54;
	[tilespmem:s9+$0x5860] =	vst v18  }
0x1a7: {  	v35 =	vld [tilespmem:s9+$0x18E0];
	v18 =	vmul.f32 v59, v34;
	[tilespmem:s9+$0x5870] =	vst v19  }
0x1a8: {  	v37 =	vld [tilespmem:s9+$0x1900];
	v19 =	vmul.f32 v60, v34;
	[tilespmem:s9+$0x5980] =	vst v25  }
0x1a9: {  	v38 =	vld [tilespmem:s9+$0x1910];
	v39 =	vperm.xlane v17, v12;
	[tilespmem:s9+$0x5880] =	vst v18;
	v18 =	vmul.f32 v62, v34  }
0x1aa: {  	v41 =	vld [tilespmem:s9+$0x1930];
	[tilespmem:s9+$0x5890] =	vst v19;
	v19 =	vmul.f32 v63, v34  }
0x1ab: {  	v40 =	vld [tilespmem:s9+$0x1920];
	[tilespmem:s9+$0x58A0] =	vst v18;
	v18 =	vmul.f32 v32, v39  }
0x1ac: {  	v42 =	vld [tilespmem:s9+$0x1940];
	[tilespmem:s9+$0x58B0] =	vst v19;
	v19 =	vmul.f32 v33, v39  }
0x1ad: {  	v43 =	vld [tilespmem:s9+$0x1950];
	v44 =	vperm.xlane v17, v13;
	[tilespmem:s9+$0x58C0] =	vst v18;
	v18 =	vmul.f32 v35, v39  }
0x1ae: {  	v46 =	vld [tilespmem:s9+$0x1970];
	[tilespmem:s9+$0x58D0] =	vst v19;
	v19 =	vmul.f32 v36, v39  }
0x1af: {  	v45 =	vld [tilespmem:s9+$0x1960];
	[tilespmem:s9+$0x58E0] =	vst v18;
	v18 =	vmul.f32 v37, v44  }
0x1b0: {  	v48 =	vld [tilespmem:s9+$0x1990];
	[tilespmem:s9+$0x58F0] =	vst v19;
	v19 =	vmul.f32 v38, v44  }
0x1b1: {  	v51 =	vld [tilespmem:s9+$0x19B0];
	v49 =	vperm.xlane v17, v14;
	[tilespmem:s9+$0x5900] =	vst v18;
	v18 =	vmul.f32 v40, v44  }
0x1b2: {  	v50 =	vld [tilespmem:s9+$0x19A0];
	[tilespmem:s9+$0x5910] =	vst v19;
	v19 =	vmul.f32 v41, v44  }
0x1b3: {  	v52 =	vld [tilespmem:s9+$0x19C0];
	[tilespmem:s9+$0x5920] =	vst v18;
	v18 =	vmul.f32 v42, v49  }
0x1b4: {  	v53 =	vld [tilespmem:s9+$0x19D0];
	[tilespmem:s9+$0x5930] =	vst v19;
	v19 =	vmul.f32 v43, v49  }
0x1b5: {  	v56 =	vld [tilespmem:s9+$0x19F0];
	[tilespmem:s9+$0x5940] =	vst v18;
	v18 =	vmul.f32 v45, v49  }
0x1b6: {  	v55 =	vld [tilespmem:s9+$0x19E0];
	[tilespmem:s9+$0x5950] =	vst v19;
	v19 =	vmul.f32 v46, v49  }
0x1b7: {  	v17 =	vperm.xlane v17, v16;
	v58 =	vmul.f32 v50, v54;
	[tilespmem:s9+$0x5960] =	vst v18;
	v18 =	vld [tilespmem:s8+$0x450]  }
0x1b8: {  	v57 =	vld [tilespmem:s9+$0x1A00];
	[tilespmem:s9+$0x5970] =	vst v19;
	v19 =	vmul.f32 v48, v54  }
0x1b9: {  	v61 =	vld [tilespmem:s9+$0x1A30];
	v20 =	vmul.f32 v52, v17;
	[tilespmem:s9+$0x59A0] =	vst v58  }
0x1ba: {  	v59 =	vld [tilespmem:s9+$0x1A10];
	[tilespmem:s9+$0x5990] =	vst v19;
	v19 =	vmul.f32 v51, v54  }
0x1bb: {  	v60 =	vld [tilespmem:s9+$0x1A20];
	[tilespmem:s9+$0x59C0] =	vst v20;
	v63 =	vmul.f32 v55, v17  }
0x1bc: {  	v47 =	vld [tilespmem:s9+$0x1AF0];
	[tilespmem:s9+$0x59B0] =	vst v19;
	v19 =	vmul.f32 v53, v17;
	v32 =	vperm.xlane v18, v1  }
0x1bd: {  	v62 =	vld [tilespmem:s9+$0x1A40];
	[tilespmem:s9+$0x59E0] =	vst v63;
	v17 =	vmul.f32 v56, v17  }
0x1be: {  	v33 =	vld [tilespmem:s9+$0x1A50];
	[tilespmem:s9+$0x59D0] =	vst v19;
	v34 =	vmul.f32 v57, v32  }
0x1bf: {  	v19 =	vld [tilespmem:s9+$0x1A60];
	[tilespmem:s9+$0x59F0] =	vst v17;
	v17 =	vmul.f32 v59, v32  }
0x1c0: {  	v35 =	vld [tilespmem:s9+$0x1A70];
	v38 =	vperm.xlane v18, v2;
	v37 =	vmul.f32 v60, v32;
	[tilespmem:s9+$0x5A00] =	vst v34  }
0x1c1: {  	v36 =	vld [tilespmem:s9+$0x1A80];
	[tilespmem:s9+$0x5A10] =	vst v17;
	v17 =	vmul.f32 v61, v32  }
0x1c2: {  	v39 =	vld [tilespmem:s9+$0x1A90];
	v41 =	vmul.f32 v62, v38;
	[tilespmem:s9+$0x5A20] =	vst v37  }
0x1c3: {  	v40 =	vld [tilespmem:s9+$0x1AA0];
	[tilespmem:s9+$0x5A30] =	vst v17;
	v17 =	vmul.f32 v33, v38  }
0x1c4: {  	v42 =	vld [tilespmem:s9+$0x1AB0];
	v44 =	vperm.xlane v18, v3;
	[tilespmem:s9+$0x5A40] =	vst v41;
	v19 =	vmul.f32 v19, v38  }
0x1c5: {  	v43 =	vld [tilespmem:s9+$0x1AC0];
	[tilespmem:s9+$0x5A50] =	vst v17;
	v17 =	vmul.f32 v35, v38  }
0x1c6: {  	v45 =	vld [tilespmem:s9+$0x1AD0];
	[tilespmem:s9+$0x5A60] =	vst v19;
	v19 =	vmul.f32 v36, v44  }
0x1c7: {  	v46 =	vld [tilespmem:s9+$0x1AE0];
	[tilespmem:s9+$0x5A70] =	vst v17;
	v17 =	vmul.f32 v39, v44  }
0x1c8: {  	v50 =	vld [tilespmem:s9+$0x1B10];
	v49 =	vperm.xlane v18, v4;
	[tilespmem:s9+$0x5A80] =	vst v19;
	v19 =	vmul.f32 v40, v44  }
0x1c9: {  	v48 =	vld [tilespmem:s9+$0x1B00];
	[tilespmem:s9+$0x5A90] =	vst v17;
	v17 =	vmul.f32 v42, v44  }
0x1ca: {  	v52 =	vld [tilespmem:s9+$0x1B30];
	[tilespmem:s9+$0x5AA0] =	vst v19;
	v19 =	vmul.f32 v43, v49  }
0x1cb: {  	v51 =	vld [tilespmem:s9+$0x1B20];
	[tilespmem:s9+$0x5AB0] =	vst v17;
	v17 =	vmul.f32 v45, v49  }
0x1cc: {  	v58 =	vld [tilespmem:s9+$0x1B80];
	v54 =	vperm.xlane v18, v5;
	[tilespmem:s9+$0x5AC0] =	vst v19;
	v19 =	vmul.f32 v46, v49  }
0x1cd: {  	v53 =	vld [tilespmem:s9+$0x1B40];
	[tilespmem:s9+$0x5AD0] =	vst v17;
	v17 =	vmul.f32 v47, v49  }
0x1ce: {  	v55 =	vld [tilespmem:s9+$0x1B50];
	[tilespmem:s9+$0x5AE0] =	vst v19;
	v19 =	vmul.f32 v48, v54  }
0x1cf: {  	v56 =	vld [tilespmem:s9+$0x1B60];
	[tilespmem:s9+$0x5AF0] =	vst v17;
	v17 =	vmul.f32 v50, v54  }
0x1d0: {  	v57 =	vld [tilespmem:s9+$0x1B70];
	v59 =	vperm.xlane v18, v6;
	[tilespmem:s9+$0x5B00] =	vst v19;
	v19 =	vmul.f32 v51, v54  }
0x1d1: {  	v63 =	vld [tilespmem:s9+$0x1BC0];
	[tilespmem:s9+$0x5B10] =	vst v17;
	v17 =	vmul.f32 v52, v54  }
0x1d2: {  	v60 =	vld [tilespmem:s9+$0x1B90];
	[tilespmem:s9+$0x5B20] =	vst v19;
	v19 =	vmul.f32 v53, v59  }
0x1d3: {  	v61 =	vld [tilespmem:s9+$0x1BA0];
	[tilespmem:s9+$0x5B30] =	vst v17;
	v17 =	vmul.f32 v55, v59  }
0x1d4: {  	v62 =	vld [tilespmem:s9+$0x1BB0];
	v32 =	vperm.xlane v18, v7;
	[tilespmem:s9+$0x5B40] =	vst v19;
	v19 =	vmul.f32 v56, v59  }
0x1d5: {  	v34 =	vld [tilespmem:s9+$0x1BE0];
	[tilespmem:s9+$0x5B50] =	vst v17;
	v17 =	vmul.f32 v57, v59  }
0x1d6: {  	v33 =	vld [tilespmem:s9+$0x1BD0];
	[tilespmem:s9+$0x5B60] =	vst v19;
	v19 =	vmul.f32 v58, v32  }
0x1d7: {  	v41 =	vld [tilespmem:s9+$0x1C40];
	[tilespmem:s9+$0x5B70] =	vst v17;
	v17 =	vmul.f32 v60, v32  }
0x1d8: {  	v37 =	vperm.xlane v18, v8;
	v35 =	vld [tilespmem:s9+$0x1BF0];
	[tilespmem:s9+$0x5B80] =	vst v19;
	v19 =	vmul.f32 v61, v32  }
0x1d9: {  	v36 =	vld [tilespmem:s9+$0x1C00];
	[tilespmem:s9+$0x5B90] =	vst v17;
	v17 =	vmul.f32 v62, v32  }
0x1da: {  	v38 =	vld [tilespmem:s9+$0x1C10];
	[tilespmem:s9+$0x5BA0] =	vst v19;
	v19 =	vmul.f32 v63, v37  }
0x1db: {  	v39 =	vld [tilespmem:s9+$0x1C20];
	[tilespmem:s9+$0x5BB0] =	vst v17;
	v17 =	vmul.f32 v33, v37  }
0x1dc: {  	v40 =	vld [tilespmem:s9+$0x1C30];
	v42 =	vperm.xlane v18, v9;
	[tilespmem:s9+$0x5BC0] =	vst v19;
	v19 =	vmul.f32 v34, v37  }
0x1dd: {  	v43 =	vld [tilespmem:s9+$0x1C50];
	[tilespmem:s9+$0x5BD0] =	vst v17;
	v17 =	vmul.f32 v35, v37  }
0x1de: {  	v44 =	vld [tilespmem:s9+$0x1C60];
	[tilespmem:s9+$0x5BE0] =	vst v19;
	v19 =	vmul.f32 v36, v42  }
0x1df: {  	v45 =	vld [tilespmem:s9+$0x1C70];
	[tilespmem:s9+$0x5BF0] =	vst v17;
	v17 =	vmul.f32 v38, v42  }
0x1e0: {  	v46 =	vld [tilespmem:s9+$0x1C80];
	v47 =	vperm.xlane v18, v10;
	[tilespmem:s9+$0x5C00] =	vst v19;
	v19 =	vmul.f32 v39, v42  }
0x1e1: {  	v48 =	vld [tilespmem:s9+$0x1C90];
	[tilespmem:s9+$0x5C10] =	vst v17;
	v17 =	vmul.f32 v40, v42  }
0x1e2: {  	v49 =	vld [tilespmem:s9+$0x1CA0];
	[tilespmem:s9+$0x5C20] =	vst v19;
	v19 =	vmul.f32 v41, v47  }
0x1e3: {  	v50 =	vld [tilespmem:s9+$0x1CB0];
	[tilespmem:s9+$0x5C30] =	vst v17;
	v17 =	vmul.f32 v43, v47  }
0x1e4: {  	v51 =	vld [tilespmem:s9+$0x1CC0];
	v52 =	vperm.xlane v18, v11;
	[tilespmem:s9+$0x5C40] =	vst v19;
	v19 =	vmul.f32 v44, v47  }
0x1e5: {  	v53 =	vld [tilespmem:s9+$0x1CD0];
	[tilespmem:s9+$0x5C50] =	vst v17;
	v17 =	vmul.f32 v45, v47  }
0x1e6: {  	v54 =	vld [tilespmem:s9+$0x1CE0];
	[tilespmem:s9+$0x5C60] =	vst v19;
	v19 =	vmul.f32 v46, v52  }
0x1e7: {  	v55 =	vld [tilespmem:s9+$0x1CF0];
	[tilespmem:s9+$0x5C70] =	vst v17;
	v17 =	vmul.f32 v48, v52  }
0x1e8: {  	v56 =	vld [tilespmem:s9+$0x1D00];
	v57 =	vperm.xlane v18, v12;
	[tilespmem:s9+$0x5C80] =	vst v19;
	v19 =	vmul.f32 v49, v52  }
0x1e9: {  	v58 =	vld [tilespmem:s9+$0x1D10];
	[tilespmem:s9+$0x5C90] =	vst v17;
	v17 =	vmul.f32 v50, v52  }
0x1ea: {  	v59 =	vld [tilespmem:s9+$0x1D20];
	[tilespmem:s9+$0x5CA0] =	vst v19;
	v19 =	vmul.f32 v51, v57  }
0x1eb: {  	v60 =	vld [tilespmem:s9+$0x1D30];
	[tilespmem:s9+$0x5CB0] =	vst v17;
	v17 =	vmul.f32 v53, v57  }
0x1ec: {  	v61 =	vld [tilespmem:s9+$0x1D40];
	v62 =	vperm.xlane v18, v13;
	[tilespmem:s9+$0x5CC0] =	vst v19;
	v19 =	vmul.f32 v54, v57  }
0x1ed: {  	v63 =	vld [tilespmem:s9+$0x1D50];
	[tilespmem:s9+$0x5CD0] =	vst v17;
	v17 =	vmul.f32 v55, v57  }
0x1ee: {  	v32 =	vld [tilespmem:s9+$0x1D70];
	[tilespmem:s9+$0x5CE0] =	vst v19;
	v19 =	vmul.f32 v56, v62  }
0x1ef: {  	v33 =	vld [tilespmem:s9+$0x1D80];
	[tilespmem:s9+$0x5CF0] =	vst v17;
	v17 =	vmul.f32 v58, v62  }
0x1f0: {  	v34 =	vperm.xlane v18, v14;
	v35 =	vld [tilespmem:s9+$0x1D90];
	[tilespmem:s9+$0x5D00] =	vst v19;
	v19 =	vmul.f32 v59, v62  }
0x1f1: {  	v36 =	vld [tilespmem:s9+$0x1DA0];
	[tilespmem:s9+$0x5D10] =	vst v17;
	v17 =	vmul.f32 v60, v62  }
0x1f2: {  	v37 =	vld [tilespmem:s9+$0x1DB0];
	[tilespmem:s9+$0x5D20] =	vst v19;
	v19 =	vmul.f32 v61, v34  }
0x1f3: {  	v38 =	vld [tilespmem:s9+$0x1DC0];
	[tilespmem:s9+$0x5D30] =	vst v17;
	v17 =	vmul.f32 v63, v34  }
0x1f4: {  	v39 =	vperm.xlane v18, v15;
	v40 =	vld [tilespmem:s9+$0x1DD0];
	[tilespmem:s9+$0x5D40] =	vst v19;
	v19 =	vmul.f32 v31, v34  }
0x1f5: {  	v41 =	vld [tilespmem:s9+$0x1DE0];
	[tilespmem:s9+$0x5D50] =	vst v17;
	v17 =	vmul.f32 v32, v34  }
0x1f6: {  	v42 =	vld [tilespmem:s9+$0x1DF0];
	[tilespmem:s9+$0x5D60] =	vst v19;
	v19 =	vmul.f32 v33, v39  }
0x1f7: {  	v20 =	vmul.f32 v37, v39;
	[tilespmem:s9+$0x5D70] =	vst v17;
	v17 =	vld [tilespmem:s8+$0x460]  }
0x1f8: {  	v18 =	vperm.xlane v18, v16;
	v37 =	vld [tilespmem:s9+$0x1F50];
	[tilespmem:s9+$0x5D80] =	vst v19;
	v19 =	vmul.f32 v36, v39  }
0x1f9: {  	v43 =	vmul.f32 v35, v39;
	v44 =	vld [tilespmem:s9+$0x1E00];
	[tilespmem:s9+$0x5DB0] =	vst v20  }
0x1fa: {  	v45 =	vld [tilespmem:s9+$0x1E10];
	[tilespmem:s9+$0x5DA0] =	vst v19;
	v19 =	vmul.f32 v38, v18  }
0x1fb: {  	[tilespmem:s9+$0x5D90] =	vst v43;
	v46 =	vld [tilespmem:s9+$0x1E20];
	v47 =	vmul.f32 v40, v18  }
0x1fc: {  	v48 =	vld [tilespmem:s9+$0x1E30];
	[tilespmem:s9+$0x5DC0] =	vst v19;
	v19 =	vmul.f32 v41, v18;
	v49 =	vperm.xlane v17, v1  }
0x1fd: {  	[tilespmem:s9+$0x5DD0] =	vst v47;
	v50 =	vld [tilespmem:s9+$0x1E40];
	v18 =	vmul.f32 v42, v18  }
0x1fe: {  	v51 =	vld [tilespmem:s9+$0x1E50];
	[tilespmem:s9+$0x5DE0] =	vst v19;
	v19 =	vmul.f32 v44, v49  }
0x1ff: {  	v52 =	vld [tilespmem:s9+$0x1E60];
	[tilespmem:s9+$0x5DF0] =	vst v18;
	v18 =	vmul.f32 v45, v49  }
0x200: {  	v53 =	vld [tilespmem:s9+$0x1E70];
	v54 =	vperm.xlane v17, v2;
	[tilespmem:s9+$0x5E00] =	vst v19;
	v19 =	vmul.f32 v46, v49  }
0x201: {  	v55 =	vld [tilespmem:s9+$0x1E80];
	[tilespmem:s9+$0x5E10] =	vst v18;
	v18 =	vmul.f32 v48, v49  }
0x202: {  	v56 =	vld [tilespmem:s9+$0x1E90];
	[tilespmem:s9+$0x5E20] =	vst v19;
	v19 =	vmul.f32 v50, v54  }
0x203: {  	v57 =	vld [tilespmem:s9+$0x1EA0];
	[tilespmem:s9+$0x5E30] =	vst v18;
	v18 =	vmul.f32 v51, v54  }
0x204: {  	v58 =	vld [tilespmem:s9+$0x1EB0];
	v59 =	vperm.xlane v17, v3;
	[tilespmem:s9+$0x5E40] =	vst v19;
	v19 =	vmul.f32 v52, v54  }
0x205: {  	v60 =	vld [tilespmem:s9+$0x1EC0];
	[tilespmem:s9+$0x5E50] =	vst v18;
	v18 =	vmul.f32 v53, v54  }
0x206: {  	v61 =	vld [tilespmem:s9+$0x1ED0];
	[tilespmem:s9+$0x5E60] =	vst v19;
	v19 =	vmul.f32 v55, v59  }
0x207: {  	v62 =	vld [tilespmem:s9+$0x1EE0];
	[tilespmem:s9+$0x5E70] =	vst v18;
	v18 =	vmul.f32 v56, v59  }
0x208: {  	v63 =	vld [tilespmem:s9+$0x1EF0];
	v30 =	vperm.xlane v17, v4;
	[tilespmem:s9+$0x5E80] =	vst v19;
	v19 =	vmul.f32 v57, v59  }
0x209: {  	v31 =	vld [tilespmem:s9+$0x1F00];
	[tilespmem:s9+$0x5E90] =	vst v18;
	v18 =	vmul.f32 v58, v59  }
0x20a: {  	v32 =	vld [tilespmem:s9+$0x1F10];
	[tilespmem:s9+$0x5EA0] =	vst v19;
	v19 =	vmul.f32 v60, v30  }
0x20b: {  	v33 =	vld [tilespmem:s9+$0x1F20];
	[tilespmem:s9+$0x5EB0] =	vst v18;
	v18 =	vmul.f32 v61, v30  }
0x20c: {  	v34 =	vld [tilespmem:s9+$0x1F30];
	v35 =	vperm.xlane v17, v5;
	[tilespmem:s9+$0x5EC0] =	vst v19;
	v19 =	vmul.f32 v62, v30  }
0x20d: {  	v36 =	vld [tilespmem:s9+$0x1F40];
	[tilespmem:s9+$0x5ED0] =	vst v18;
	v18 =	vmul.f32 v63, v30  }
0x20e: {  	v43 =	vld [tilespmem:s9+$0x1FA0];
	[tilespmem:s9+$0x5EE0] =	vst v19;
	v19 =	vmul.f32 v31, v35  }
0x20f: {  	v38 =	vld [tilespmem:s9+$0x1F60];
	[tilespmem:s9+$0x5EF0] =	vst v18;
	v18 =	vmul.f32 v32, v35  }
0x210: {  	v39 =	vld [tilespmem:s9+$0x1F70];
	v40 =	vperm.xlane v17, v6;
	[tilespmem:s9+$0x5F00] =	vst v19;
	v19 =	vmul.f32 v33, v35  }
0x211: {  	v41 =	vld [tilespmem:s9+$0x1F80];
	[tilespmem:s9+$0x5F10] =	vst v18;
	v18 =	vmul.f32 v34, v35  }
0x212: {  	v42 =	vld [tilespmem:s9+$0x1F90];
	[tilespmem:s9+$0x5F20] =	vst v19;
	v19 =	vmul.f32 v36, v40  }
0x213: {  	v47 =	vld [tilespmem:s9+$0x1FD0];
	[tilespmem:s9+$0x5F30] =	vst v18;
	v18 =	vmul.f32 v37, v40  }
0x214: {  	v44 =	vld [tilespmem:s9+$0x1FB0];
	v45 =	vperm.xlane v17, v7;
	[tilespmem:s9+$0x5F40] =	vst v19;
	v19 =	vmul.f32 v38, v40  }
0x215: {  	v46 =	vld [tilespmem:s9+$0x1FC0];
	[tilespmem:s9+$0x5F50] =	vst v18;
	v18 =	vmul.f32 v39, v40  }
0x216: {  	v48 =	vld [tilespmem:s9+$0x1FE0];
	[tilespmem:s9+$0x5F60] =	vst v19;
	v19 =	vmul.f32 v41, v45  }
0x217: {  	v49 =	vld [tilespmem:s9+$0x1FF0];
	[tilespmem:s9+$0x5F70] =	vst v18;
	v18 =	vmul.f32 v42, v45  }
0x218: {  	v50 =	vperm.xlane v17, v8;
	v51 =	vld [tilespmem:s9+$0x2000];
	[tilespmem:s9+$0x5F80] =	vst v19;
	v19 =	vmul.f32 v43, v45  }
0x219: {  	v52 =	vld [tilespmem:s9+$0x2010];
	[tilespmem:s9+$0x5F90] =	vst v18;
	v18 =	vmul.f32 v44, v45  }
0x21a: {  	v53 =	vld [tilespmem:s9+$0x2020];
	[tilespmem:s9+$0x5FA0] =	vst v19;
	v19 =	vmul.f32 v46, v50  }
0x21b: {  	v54 =	vld [tilespmem:s9+$0x2030];
	[tilespmem:s9+$0x5FB0] =	vst v18;
	v18 =	vmul.f32 v47, v50  }
0x21c: {  	v55 =	vperm.xlane v17, v9;
	v56 =	vld [tilespmem:s9+$0x2040];
	[tilespmem:s9+$0x5FC0] =	vst v19;
	v19 =	vmul.f32 v48, v50  }
0x21d: {  	v57 =	vld [tilespmem:s9+$0x2050];
	[tilespmem:s9+$0x5FD0] =	vst v18;
	v18 =	vmul.f32 v49, v50  }
0x21e: {  	v58 =	vld [tilespmem:s9+$0x2060];
	[tilespmem:s9+$0x5FE0] =	vst v19;
	v19 =	vmul.f32 v51, v55  }
0x21f: {  	v59 =	vld [tilespmem:s9+$0x2070];
	[tilespmem:s9+$0x5FF0] =	vst v18;
	v18 =	vmul.f32 v52, v55  }
0x220: {  	v60 =	vperm.xlane v17, v10;
	v61 =	vld [tilespmem:s9+$0x2080];
	[tilespmem:s9+$0x6000] =	vst v19;
	v19 =	vmul.f32 v53, v55  }
0x221: {  	v62 =	vld [tilespmem:s9+$0x2090];
	[tilespmem:s9+$0x6010] =	vst v18;
	v18 =	vmul.f32 v54, v55  }
0x222: {  	v63 =	vld [tilespmem:s9+$0x20A0];
	[tilespmem:s9+$0x6020] =	vst v19;
	v19 =	vmul.f32 v56, v60  }
0x223: {  	v30 =	vld [tilespmem:s9+$0x20B0];
	[tilespmem:s9+$0x6030] =	vst v18;
	v18 =	vmul.f32 v57, v60  }
0x224: {  	v31 =	vperm.xlane v17, v11;
	v32 =	vld [tilespmem:s9+$0x20C0];
	[tilespmem:s9+$0x6040] =	vst v19;
	v19 =	vmul.f32 v58, v60  }
0x225: {  	v33 =	vld [tilespmem:s9+$0x20D0];
	[tilespmem:s9+$0x6050] =	vst v18;
	v18 =	vmul.f32 v59, v60  }
0x226: {  	v34 =	vld [tilespmem:s9+$0x20E0];
	[tilespmem:s9+$0x6060] =	vst v19;
	v19 =	vmul.f32 v61, v31  }
0x227: {  	v35 =	vld [tilespmem:s9+$0x20F0];
	[tilespmem:s9+$0x6070] =	vst v18;
	v18 =	vmul.f32 v62, v31  }
0x228: {  	v36 =	vperm.xlane v17, v12;
	v37 =	vld [tilespmem:s9+$0x2100];
	[tilespmem:s9+$0x6080] =	vst v19;
	v19 =	vmul.f32 v63, v31  }
0x229: {  	v38 =	vld [tilespmem:s9+$0x2110];
	[tilespmem:s9+$0x6090] =	vst v18;
	v18 =	vmul.f32 v30, v31  }
0x22a: {  	v39 =	vld [tilespmem:s9+$0x2120];
	[tilespmem:s9+$0x60A0] =	vst v19;
	v19 =	vmul.f32 v32, v36  }
0x22b: {  	v40 =	vld [tilespmem:s9+$0x2130];
	[tilespmem:s9+$0x60B0] =	vst v18;
	v18 =	vmul.f32 v33, v36  }
0x22c: {  	v41 =	vperm.xlane v17, v13;
	v42 =	vld [tilespmem:s9+$0x2140];
	[tilespmem:s9+$0x60C0] =	vst v19;
	v19 =	vmul.f32 v34, v36  }
0x22d: {  	v43 =	vld [tilespmem:s9+$0x2150];
	[tilespmem:s9+$0x60D0] =	vst v18;
	v18 =	vmul.f32 v35, v36  }
0x22e: {  	v44 =	vld [tilespmem:s9+$0x2160];
	[tilespmem:s9+$0x60E0] =	vst v19;
	v19 =	vmul.f32 v37, v41  }
0x22f: {  	v45 =	vld [tilespmem:s9+$0x2170];
	[tilespmem:s9+$0x60F0] =	vst v18;
	v18 =	vmul.f32 v38, v41  }
0x230: {  	v46 =	vperm.xlane v17, v14;
	v47 =	vld [tilespmem:s9+$0x2180];
	[tilespmem:s9+$0x6100] =	vst v19;
	v19 =	vmul.f32 v39, v41  }
0x231: {  	v48 =	vld [tilespmem:s9+$0x2190];
	[tilespmem:s9+$0x6110] =	vst v18;
	v18 =	vmul.f32 v40, v41  }
0x232: {  	v49 =	vld [tilespmem:s9+$0x21A0];
	[tilespmem:s9+$0x6120] =	vst v19;
	v19 =	vmul.f32 v42, v46  }
0x233: {  	v50 =	vld [tilespmem:s9+$0x21B0];
	[tilespmem:s9+$0x6130] =	vst v18;
	v18 =	vmul.f32 v43, v46  }
0x234: {  	v51 =	vperm.xlane v17, v15;
	v52 =	vld [tilespmem:s9+$0x21C0];
	[tilespmem:s9+$0x6140] =	vst v19;
	v19 =	vmul.f32 v44, v46  }
0x235: {  	v53 =	vld [tilespmem:s9+$0x21D0];
	[tilespmem:s9+$0x6150] =	vst v18;
	v18 =	vmul.f32 v45, v46  }
0x236: {  	v54 =	vld [tilespmem:s9+$0x21E0];
	[tilespmem:s9+$0x6160] =	vst v19;
	v19 =	vmul.f32 v47, v51  }
0x237: {  	v21 =	vmul.f32 v48, v51;
	[tilespmem:s9+$0x6170] =	vst v18;
	v18 =	vld [tilespmem:s8+$0x470]  }
0x238: {  	v17 =	vperm.xlane v17, v16;
	v55 =	vld [tilespmem:s9+$0x21F0];
	[tilespmem:s9+$0x6180] =	vst v19;
	v19 =	vmul.f32 v49, v51  }
0x239: {  	v20 =	vmul.f32 v50, v51;
	v56 =	vld [tilespmem:s9+$0x2200];
	[tilespmem:s9+$0x6190] =	vst v21  }
0x23a: {  	v57 =	vld [tilespmem:s9+$0x2210];
	[tilespmem:s9+$0x61A0] =	vst v19;
	v19 =	vmul.f32 v52, v17  }
0x23b: {  	[tilespmem:s9+$0x61B0] =	vst v20;
	v59 =	vld [tilespmem:s9+$0x2220];
	v58 =	vmul.f32 v53, v17  }
0x23c: {  	v61 =	vld [tilespmem:s9+$0x2230];
	v60 =	vperm.xlane v18, v1;
	[tilespmem:s9+$0x61C0] =	vst v19;
	v19 =	vmul.f32 v54, v17  }
0x23d: {  	v62 =	vld [tilespmem:s9+$0x2240];
	[tilespmem:s9+$0x61D0] =	vst v58;
	v17 =	vmul.f32 v55, v17  }
0x23e: {  	v63 =	vld [tilespmem:s9+$0x2250];
	[tilespmem:s9+$0x61E0] =	vst v19;
	v19 =	vmul.f32 v56, v60  }
0x23f: {  	v28 =	vld [tilespmem:s9+$0x2260];
	[tilespmem:s9+$0x61F0] =	vst v17;
	v17 =	vmul.f32 v57, v60  }
0x240: {  	v30 =	vld [tilespmem:s9+$0x2270];
	v29 =	vperm.xlane v18, v2;
	[tilespmem:s9+$0x6200] =	vst v19;
	v19 =	vmul.f32 v59, v60  }
0x241: {  	v31 =	vld [tilespmem:s9+$0x2280];
	[tilespmem:s9+$0x6210] =	vst v17;
	v17 =	vmul.f32 v61, v60  }
0x242: {  	v32 =	vld [tilespmem:s9+$0x2290];
	[tilespmem:s9+$0x6220] =	vst v19;
	v19 =	vmul.f32 v62, v29  }
0x243: {  	v33 =	vld [tilespmem:s9+$0x22A0];
	[tilespmem:s9+$0x6230] =	vst v17;
	v17 =	vmul.f32 v63, v29  }
0x244: {  	v35 =	vld [tilespmem:s9+$0x22B0];
	v34 =	vperm.xlane v18, v3;
	[tilespmem:s9+$0x6240] =	vst v19;
	v19 =	vmul.f32 v28, v29  }
0x245: {  	v36 =	vld [tilespmem:s9+$0x22C0];
	[tilespmem:s9+$0x6250] =	vst v17;
	v17 =	vmul.f32 v30, v29  }
0x246: {  	v37 =	vld [tilespmem:s9+$0x22D0];
	[tilespmem:s9+$0x6260] =	vst v19;
	v19 =	vmul.f32 v31, v34  }
0x247: {  	v38 =	vld [tilespmem:s9+$0x22E0];
	[tilespmem:s9+$0x6270] =	vst v17;
	v17 =	vmul.f32 v32, v34  }
0x248: {  	v40 =	vld [tilespmem:s9+$0x22F0];
	v39 =	vperm.xlane v18, v4;
	[tilespmem:s9+$0x6280] =	vst v19;
	v19 =	vmul.f32 v33, v34  }
0x249: {  	v41 =	vld [tilespmem:s9+$0x2300];
	[tilespmem:s9+$0x6290] =	vst v17;
	v17 =	vmul.f32 v35, v34  }
0x24a: {  	v42 =	vld [tilespmem:s9+$0x2310];
	[tilespmem:s9+$0x62A0] =	vst v19;
	v19 =	vmul.f32 v36, v39  }
0x24b: {  	v43 =	vld [tilespmem:s9+$0x2320];
	[tilespmem:s9+$0x62B0] =	vst v17;
	v17 =	vmul.f32 v37, v39  }
0x24c: {  	v45 =	vld [tilespmem:s9+$0x2330];
	v44 =	vperm.xlane v18, v5;
	[tilespmem:s9+$0x62C0] =	vst v19;
	v19 =	vmul.f32 v38, v39  }
0x24d: {  	v46 =	vld [tilespmem:s9+$0x2340];
	[tilespmem:s9+$0x62D0] =	vst v17;
	v17 =	vmul.f32 v40, v39  }
0x24e: {  	v47 =	vld [tilespmem:s9+$0x2350];
	[tilespmem:s9+$0x62E0] =	vst v19;
	v19 =	vmul.f32 v41, v44  }
0x24f: {  	v48 =	vld [tilespmem:s9+$0x2360];
	[tilespmem:s9+$0x62F0] =	vst v17;
	v17 =	vmul.f32 v42, v44  }
0x250: {  	v50 =	vld [tilespmem:s9+$0x2370];
	v49 =	vperm.xlane v18, v6;
	[tilespmem:s9+$0x6300] =	vst v19;
	v19 =	vmul.f32 v43, v44  }
0x251: {  	v51 =	vld [tilespmem:s9+$0x2380];
	[tilespmem:s9+$0x6310] =	vst v17;
	v17 =	vmul.f32 v45, v44  }
0x252: {  	v52 =	vld [tilespmem:s9+$0x2390];
	[tilespmem:s9+$0x6320] =	vst v19;
	v19 =	vmul.f32 v46, v49  }
0x253: {  	v53 =	vld [tilespmem:s9+$0x23A0];
	[tilespmem:s9+$0x6330] =	vst v17;
	v17 =	vmul.f32 v47, v49  }
0x254: {  	v54 =	vperm.xlane v18, v7;
	v55 =	vld [tilespmem:s9+$0x23B0];
	[tilespmem:s9+$0x6340] =	vst v19;
	v19 =	vmul.f32 v48, v49  }
0x255: {  	v56 =	vld [tilespmem:s9+$0x23C0];
	[tilespmem:s9+$0x6350] =	vst v17;
	v17 =	vmul.f32 v50, v49  }
0x256: {  	v57 =	vld [tilespmem:s9+$0x23D0];
	[tilespmem:s9+$0x6360] =	vst v19;
	v19 =	vmul.f32 v51, v54  }
0x257: {  	v58 =	vld [tilespmem:s9+$0x23E0];
	[tilespmem:s9+$0x6370] =	vst v17;
	v17 =	vmul.f32 v52, v54  }
0x258: {  	v59 =	vperm.xlane v18, v8;
	v60 =	vld [tilespmem:s9+$0x23F0];
	[tilespmem:s9+$0x6380] =	vst v19;
	v19 =	vmul.f32 v53, v54  }
0x259: {  	v61 =	vld [tilespmem:s9+$0x2400];
	[tilespmem:s9+$0x6390] =	vst v17;
	v17 =	vmul.f32 v55, v54  }
0x25a: {  	v62 =	vld [tilespmem:s9+$0x2410];
	[tilespmem:s9+$0x63A0] =	vst v19;
	v19 =	vmul.f32 v56, v59  }
0x25b: {  	v63 =	vld [tilespmem:s9+$0x2420];
	[tilespmem:s9+$0x63B0] =	vst v17;
	v17 =	vmul.f32 v57, v59  }
0x25c: {  	v28 =	vperm.xlane v18, v9;
	v29 =	vld [tilespmem:s9+$0x2430];
	[tilespmem:s9+$0x63C0] =	vst v19;
	v19 =	vmul.f32 v58, v59  }
0x25d: {  	v30 =	vld [tilespmem:s9+$0x2440];
	[tilespmem:s9+$0x63D0] =	vst v17;
	v17 =	vmul.f32 v60, v59  }
0x25e: {  	v31 =	vld [tilespmem:s9+$0x2450];
	[tilespmem:s9+$0x63E0] =	vst v19;
	v19 =	vmul.f32 v61, v28  }
0x25f: {  	v32 =	vld [tilespmem:s9+$0x2460];
	[tilespmem:s9+$0x63F0] =	vst v17;
	v17 =	vmul.f32 v62, v28  }
0x260: {  	v33 =	vperm.xlane v18, v10;
	v34 =	vld [tilespmem:s9+$0x2470];
	[tilespmem:s9+$0x6400] =	vst v19;
	v19 =	vmul.f32 v63, v28  }
0x261: {  	v35 =	vld [tilespmem:s9+$0x2480];
	[tilespmem:s9+$0x6410] =	vst v17;
	v17 =	vmul.f32 v29, v28  }
0x262: {  	v36 =	vld [tilespmem:s9+$0x2490];
	[tilespmem:s9+$0x6420] =	vst v19;
	v19 =	vmul.f32 v30, v33  }
0x263: {  	v37 =	vld [tilespmem:s9+$0x24A0];
	[tilespmem:s9+$0x6430] =	vst v17;
	v17 =	vmul.f32 v31, v33  }
0x264: {  	v38 =	vperm.xlane v18, v11;
	v39 =	vld [tilespmem:s9+$0x24B0];
	[tilespmem:s9+$0x6440] =	vst v19;
	v19 =	vmul.f32 v32, v33  }
0x265: {  	v40 =	vld [tilespmem:s9+$0x24C0];
	[tilespmem:s9+$0x6450] =	vst v17;
	v17 =	vmul.f32 v34, v33  }
0x266: {  	v41 =	vld [tilespmem:s9+$0x24D0];
	[tilespmem:s9+$0x6460] =	vst v19;
	v19 =	vmul.f32 v35, v38  }
0x267: {  	v42 =	vld [tilespmem:s9+$0x24E0];
	[tilespmem:s9+$0x6470] =	vst v17;
	v17 =	vmul.f32 v36, v38  }
0x268: {  	v43 =	vperm.xlane v18, v12;
	v44 =	vld [tilespmem:s9+$0x24F0];
	[tilespmem:s9+$0x6480] =	vst v19;
	v19 =	vmul.f32 v37, v38  }
0x269: {  	v45 =	vld [tilespmem:s9+$0x2500];
	[tilespmem:s9+$0x6490] =	vst v17;
	v17 =	vmul.f32 v39, v38  }
0x26a: {  	v46 =	vld [tilespmem:s9+$0x2510];
	[tilespmem:s9+$0x64A0] =	vst v19;
	v19 =	vmul.f32 v40, v43  }
0x26b: {  	v47 =	vld [tilespmem:s9+$0x2520];
	[tilespmem:s9+$0x64B0] =	vst v17;
	v17 =	vmul.f32 v41, v43  }
0x26c: {  	v48 =	vperm.xlane v18, v13;
	v49 =	vld [tilespmem:s9+$0x2530];
	[tilespmem:s9+$0x64C0] =	vst v19;
	v19 =	vmul.f32 v42, v43  }
0x26d: {  	v50 =	vld [tilespmem:s9+$0x2540];
	[tilespmem:s9+$0x64D0] =	vst v17;
	v17 =	vmul.f32 v44, v43  }
0x26e: {  	v51 =	vld [tilespmem:s9+$0x2550];
	[tilespmem:s9+$0x64E0] =	vst v19;
	v19 =	vmul.f32 v45, v48  }
0x26f: {  	v52 =	vld [tilespmem:s9+$0x2560];
	[tilespmem:s9+$0x64F0] =	vst v17;
	v17 =	vmul.f32 v46, v48  }
0x270: {  	v53 =	vperm.xlane v18, v14;
	v54 =	vld [tilespmem:s9+$0x2570];
	[tilespmem:s9+$0x6500] =	vst v19;
	v19 =	vmul.f32 v47, v48  }
0x271: {  	v55 =	vld [tilespmem:s9+$0x2580];
	[tilespmem:s9+$0x6510] =	vst v17;
	v17 =	vmul.f32 v49, v48  }
0x272: {  	v56 =	vld [tilespmem:s9+$0x2590];
	[tilespmem:s9+$0x6520] =	vst v19;
	v19 =	vmul.f32 v50, v53  }
0x273: {  	v57 =	vld [tilespmem:s9+$0x25A0];
	[tilespmem:s9+$0x6530] =	vst v17;
	v17 =	vmul.f32 v51, v53  }
0x274: {  	v58 =	vperm.xlane v18, v15;
	v59 =	vld [tilespmem:s9+$0x25B0];
	[tilespmem:s9+$0x6540] =	vst v19;
	v19 =	vmul.f32 v52, v53  }
0x275: {  	v60 =	vld [tilespmem:s9+$0x25C0];
	[tilespmem:s9+$0x6550] =	vst v17;
	v17 =	vmul.f32 v54, v53  }
0x276: {  	v61 =	vld [tilespmem:s9+$0x25D0];
	[tilespmem:s9+$0x6560] =	vst v19;
	v19 =	vmul.f32 v55, v58  }
0x277: {  	v62 =	vld [tilespmem:s9+$0x25E0];
	[tilespmem:s9+$0x6570] =	vst v17;
	v17 =	vmul.f32 v56, v58  }
0x278: {  	v18 =	vperm.xlane v18, v16;
	v63 =	vld [tilespmem:s9+$0x25F0];
	[tilespmem:s9+$0x6580] =	vst v19;
	v19 =	vmul.f32 v57, v58  }
0x279: {  	[tilespmem:s9+$0x6590] =	vst v17;
	v17 =	vmul.f32 v59, v58  }
0x27a: {  	[tilespmem:s9+$0x65A0] =	vst v19;
	v19 =	vmul.f32 v60, v18  }
0x27b: {  	[tilespmem:s9+$0x65B0] =	vst v17;
	v17 =	vmul.f32 v61, v18  }
0x27c: {  	[tilespmem:s9+$0x65C0] =	vst v19;
	v19 =	vmul.f32 v62, v18  }
0x27d: {  	[tilespmem:s9+$0x65D0] =	vst v17;
	v17 =	vmul.f32 v63, v18  }
0x27e: {  	p0 =	sgt.u32 s6, $0x9B;
	s7 =	sadd.s32 $0x3, s7;
	[tilespmem:s9+$0x65E0] =	vst v19  }
0x27f: {  	s6 =	sand.u32 @!p0 $0x3, s26;
	s10 =	sor.u32 $0x4600, s9;
	s8 =	sor.u32 $0x200, s8;
	[tilespmem:s9+$0x65F0] =	vst v17  }
0x280: {  	[spmem:s1] =	stream.indirect.scatter.add.f32 [tilespmem:s10], [sflag:s7], $0x40, s8, s25, $0xb8;
	[tilespmem:$0x12600] =	vst v63  }
0x281: {  	s9 =	simm.s32 @!p0 $0x0;
	s7 =	sshll.u32 @!p0 s6, $0x7;
	s8 =	sadd.s32 @!p0 $0x5, s6  }
0x282: {  	[tilespmem:s7], [sflag:s8] =	stream.linear.gather @!p0 [hbm4b:s20+s9], $0x80, $0x38;
	[tilespmem:$0x12600] =	vst v63  }
0x283: {  	s10 =	sadd.s32 @!p0 $0x9, s6;
	s8 =	sor.u32 @!p0 $0x200, s7  }
0x284: {  	[tilespmem:s8], [sflag:s10] =	stream.linear.gather @!p0 [hbm4b:s19+s9], $0x80, $0x38;
	[tilespmem:$0x12600] =	vst v63  }
0x285: {  	s26 =	sadd.s32 $0x1, s26;
	s6 =	sadd.s32 @!p0 $0xD, s6;
	s7 =	sor.u32 @!p0 $0x400, s7  }
0x286: {  	[tilespmem:s7], [sflag:s6] =	stream.linear.gather @!p0 [hbm4b:s18+s9], $0x80, $0x38;
	[tilespmem:$0x12600] =	vst v63  }
0x287: {  	p0 =	sne.s32 s26, $0xA0  }
.Ltmp1:
0x288: {  	_ = 	snop;
	(pc) =	sbr.rel @p0 .LBB2_4-.Ltmp1, $3  }
0x289: {  	_ =	sdelay $0x1  }
0x28a: {  	s24 =	sadd.s32 $0x80, s24  }
0x28b: {  	s20 =	sadd.s32 $0x10, s20;
	s19 =	sadd.s32 $0x10, s19;
	s18 =	sadd.s32 $0x10, s18  }
0x28c: {  	_ =	swait.ge [sflag:s0], $0x2000  }
0x28d: {  	[sflag:s0] =	ssyncset.done $0x0  }
0x28e: {  	[sflag:s0] =	ssyncadd.s32 $0xFFFFE000  }
0x28f: {  	s6 =	stileid.u32;
	_ =	swait.ge [sflag:s23], $0x2000  }
0x290: {  	s7 =	sshrl.u32 s4, $0x3;
	s2 =	sadd.s32 $0x1, s2;
	[sflag:s23] =	ssyncset.done $0x0  }
0x291: {  	s6 =	sshll.u32 s6, $0x6;
	p0 =	sne.s32 s2, s17;
	[sflag:s23] =	ssyncadd.s32 $0xFFFFE000  }
.Ltmp2:
0x292: {  	s6 =	sor.u32 $0x1C11, s6;
	[bflag:$0x0] =	sbarrier.arrive $0xFFFF;
	(pc) =	sbr.rel @p0 .LBB2_1-.Ltmp2, $4  }
0x293: {  	[hbm:s16], [sflag:s6] =	dma.local [spmem:s7], $0x1400  }
0x294: {  	_ =	swait.ge [sflag:s22], $0x1400  }
0x295: {  	[sflag:s22] =	ssyncset.done $0x0  }
0x296: {  	[sflag:s22] =	ssyncadd.s32 $0xFFFFEC00  }
0x297: {  	_ =	sfence.sel $0x180000  }
0x298: {  	[bflag:$0x0] =	sbarrier.arrive $0xFFFF  }
0x299: {  	_ =	strace $0x90000047  }
0x29a: {  	s0 =	stileid.u32;
	[bflag:$0x2] =	sbarrier.arrive $0xFFFF  }
0x29b: {  	p0 =	sne.s32 s0, $0x0;
	s0 =	rddreg [dreg:$0x3]  }
0x29c: {  	s0 =	sadd.s32 @!p0 $0x100000, s0  }
0x29d: {  	[sflag:s0] =	ssyncadd.tile.s32 @!p0 $0x1;
	_ =	shalt  }
.Lfunc_end2:
_tile_overlayer_lowered:
.L_overlay_start_2:
0x29e: {  	(tag) =	ssettag $0x2  }
0x29f: {  	s0 =	rddreg [dreg:$0x0];
	s2 =	stileid.u32  }
0x2a0: {  	s1 =	rddreg [dreg:$0x1];
	p0 =	sne.s32 s2, $0x0  }
0x2a1: {  	s3 =	rddreg [dreg:$0x2];
	[bflag:$0x3] =	sbarrier.arrive $0xFFFF;
	s2 =	simm.s32 @!p0 $0x1C11  }
0x2a2: {  	[timem:s3], [sflag:s2] =	dma.local @!p0 [hbm:s0], s1  }
0x2a3: {  	s0 =	simm.s32 @!p0 $0x11  }
0x2a4: {  	_ =	swait.ge @!p0 [sflag:s0], s1  }
0x2a5: {  	s1 =	ssub.s32 @!p0 $0x0, s1;
	[sflag:s0] =	ssyncset.done @!p0 $0x0  }
0x2a6: {  	[sflag:s0] =	ssyncadd.s32 @!p0 s1  }
0x2a7: {  	[bflag:$0x3] =	sbarrier.arrive $0xFFFF  }
0x2a8: {  	_ =	shalt  }

</sc_bundles>
